<compile_context>
chip_gen: v7x
topology: tpu7x:2x2x1
jax: 0.10.2.dev20260603
libtpu: 0.0.44.dev20260713+nightly
codegen_flags: <defaults>
</compile_context>

<pallas_src>
import functools

import numpy as _np

import jax
import jax.numpy as jnp
from jax import lax
from jax.experimental import pallas as pl
from jax.experimental.pallas import tpu as pltpu
from jax.experimental.pallas import tpu_sc as plsc

N = 10000
E = 320000
IN = 128
REL = 16
OUT = 128

NC, NS = 2, 16
NW = NC * NS
EPT = E // NW
K = 40
CH = EPT // K
NBUF = 2
CHG = CH // NBUF

ROWB = 640
ROWB_LAST = N - ROWB * (NS - 1)
STG = 40

_BLK = 2000
_EBLK = 12800


def _pre_body(x_ref, na_ref, wn_ref, bn_ref, wa1_ref, h_ref, g_ref):
    h = jnp.dot(x_ref[...], wn_ref[...], preferred_element_type=jnp.float32)
    h = h + bn_ref[...]
    h_ref[...] = h
    g_ref[...] = jnp.dot(na_ref[...] * h, wa1_ref[...],
                         preferred_element_type=jnp.float32)


def _tc_pre(x, na2, Wn, bn2, Wa1):
    return pl.pallas_call(
        _pre_body,
        grid=(N // _BLK,),
        in_specs=[
            pl.BlockSpec((_BLK, IN), lambda i: (i, 0)),
            pl.BlockSpec((_BLK, 1), lambda i: (i, 0)),
            pl.BlockSpec((IN, IN), lambda i: (0, 0)),
            pl.BlockSpec((1, IN), lambda i: (0, 0)),
            pl.BlockSpec((IN, OUT), lambda i: (0, 0)),
        ],
        out_specs=[
            pl.BlockSpec((_BLK, IN), lambda i: (i, 0)),
            pl.BlockSpec((_BLK, OUT), lambda i: (i, 0)),
        ],
        out_shape=[
            jax.ShapeDtypeStruct((N, IN), jnp.float32),
            jax.ShapeDtypeStruct((N, OUT), jnp.float32),
        ],
    )(x, na2, Wn, bn2, Wa1)


_EROWS = _EBLK // 128


def _q_body(ef_ref, ea_ref, rep_ref, eye_ref, w2_ref, b2_ref, q_ref):
    g = pl.program_id(0)
    ri = lax.broadcasted_iota(jnp.int32, (_EROWS, E // 128), 0)
    mi = lax.broadcasted_iota(jnp.int32, (_EROWS, E // 128), 1)
    sel = (mi == ri + g * _EROWS).astype(jnp.float32)
    ea_rows = jnp.dot(sel, ea_ref[...], preferred_element_type=jnp.float32)
    x = jnp.dot(rep_ref[...], ea_rows,
                preferred_element_type=jnp.float32)
    ea_col = jnp.sum(x * eye_ref[...], axis=1, keepdims=True)
    q = jnp.dot(ef_ref[...], w2_ref[...], preferred_element_type=jnp.float32)
    q_ref[...] = ea_col * (q + b2_ref[...])


def _tc_q(ef, ea2d, rep, eye, W2, b2):
    return pl.pallas_call(
        _q_body,
        grid=(E // _EBLK,),
        in_specs=[
            pl.BlockSpec((_EBLK, REL), lambda i: (i, 0)),
            pl.BlockSpec((E // 128, 128), lambda i: (0, 0)),
            pl.BlockSpec((_EBLK, _EROWS), lambda i: (0, 0)),
            pl.BlockSpec((_EBLK, 128), lambda i: (0, 0)),
            pl.BlockSpec((REL, OUT), lambda i: (0, 0)),
            pl.BlockSpec((1, OUT), lambda i: (0, 0)),
        ],
        out_specs=pl.BlockSpec((_EBLK, OUT), lambda i: (i, 0)),
        out_shape=jax.ShapeDtypeStruct((E, OUT), jnp.float32),
    )(ef, ea2d, rep, eye, W2, b2)


def _sc_body(g_hbm, q_hbm, src_hbm, dst_hbm, z_hbm, p_hbm, *scr):
    idx_s = scr[0:NBUF]
    idx_d = scr[NBUF:2 * NBUF]
    rows = scr[2 * NBUF:3 * NBUF]
    qrows = scr[3 * NBUF:4 * NBUF]
    acc = scr[4 * NBUF]
    sem_i = scr[4 * NBUF + 1:4 * NBUF + 1 + NBUF]
    sem_g = scr[4 * NBUF + 1 + NBUF:4 * NBUF + 1 + 2 * NBUF]
    sem_s = scr[4 * NBUF + 1 + 2 * NBUF:4 * NBUF + 1 + 3 * NBUF]

    c = lax.axis_index("c")
    s = lax.axis_index("s")
    base = (c * NS + s) * EPT

    st = rows[0].at[pl.ds(0, STG)]

    pltpu.sync_copy(z_hbm.at[pl.ds(0, STG)], st)

    @pl.when(s < NS - 1)
    def _():
        for t in range(ROWB // STG):
            r0 = s * ROWB + t * STG
            pltpu.sync_copy(st, acc.at[pl.ds(r0, STG)])

    @pl.when(s == NS - 1)
    def _():
        for t in range(ROWB_LAST // STG):
            r0 = (NS - 1) * ROWB + t * STG
            pltpu.sync_copy(st, acc.at[pl.ds(r0, STG)])

    plsc.subcore_barrier()

    def group(j, carry):
        dd = []
        for b in range(NBUF):
            off = base + (j * NBUF + b) * K
            d1 = pltpu.async_copy(src_hbm.at[pl.ds(off, K)], idx_s[b],
                                  sem_i[b])
            d2 = pltpu.async_copy(dst_hbm.at[pl.ds(off, K)], idx_d[b],
                                  sem_i[b])
            dd.append((d1, d2, off))
        gg = []
        for b in range(NBUF):
            d1, d2, off = dd[b]
            d1.wait()
            d2.wait()
            g1 = pltpu.async_copy(g_hbm.at[idx_s[b]], rows[b], sem_g[b])
            g2 = pltpu.async_copy(q_hbm.at[pl.ds(off, K)], qrows[b],
                                  sem_g[b])
            gg.append((g1, g2))
        ss = []
        for b in range(NBUF):
            g1, g2 = gg[b]
            g1.wait()
            g2.wait()
            s1 = pltpu.async_copy(rows[b], acc.at[idx_d[b]], sem_s[b],
                                  add=True)
            s2 = pltpu.async_copy(qrows[b], acc.at[idx_d[b]], sem_s[b],
                                  add=True)
            ss.append((s1, s2))
        for b in range(NBUF):
            s1, s2 = ss[b]
            s1.wait()
            s2.wait()
        return carry

    lax.fori_loop(0, CHG, group, 0)

    plsc.subcore_barrier()

    @pl.when(s < NS - 1)
    def _():
        for t in range(ROWB // STG):
            r0 = s * ROWB + t * STG
            pltpu.sync_copy(acc.at[pl.ds(r0, STG)], st)
            pltpu.sync_copy(st, p_hbm.at[pl.ds(c * N + r0, STG)])

    @pl.when(s == NS - 1)
    def _():
        for t in range(ROWB_LAST // STG):
            r0 = (NS - 1) * ROWB + t * STG
            pltpu.sync_copy(acc.at[pl.ds(r0, STG)], st)
            pltpu.sync_copy(st, p_hbm.at[pl.ds(c * N + r0, STG)])


_sc_scratch = (
    [pltpu.VMEM((K,), jnp.int32) for _ in range(2 * NBUF)]
    + [pltpu.VMEM((K, OUT), jnp.float32) for _ in range(2 * NBUF)]
    + [pltpu.VMEM_SHARED((N, OUT), jnp.float32)]
    + [pltpu.SemaphoreType.DMA for _ in range(3 * NBUF)]
)

def _sc_segsum(*args):
    f = functools.partial(
        pl.kernel,
        out_type=jax.ShapeDtypeStruct((NC * N, OUT), jnp.float32),
        mesh=plsc.VectorSubcoreMesh(core_axis_name="c",
                                    subcore_axis_name="s",
                                    num_cores=NC, num_subcores=NS),
        scratch_types=_sc_scratch,
    )(_sc_body)
    return f(*args)


def _post_body(p0_ref, p1_ref, h_ref, na_ref, wa3_ref, ba_ref, o_ref):
    pre = p0_ref[...] + p1_ref[...]
    pre = pre + jnp.dot(h_ref[...], wa3_ref[...],
                        preferred_element_type=jnp.float32)
    pre = pre + ba_ref[...]
    o_ref[...] = na_ref[...] * jnp.maximum(pre, 0.0)


def _tc_post(p, h, na2, Wa3, ba2):
    nb = N // _BLK
    return pl.pallas_call(
        _post_body,
        grid=(nb,),
        in_specs=[
            pl.BlockSpec((_BLK, OUT), lambda i: (i, 0)),
            pl.BlockSpec((_BLK, OUT), lambda i, _nb=nb: (i + _nb, 0)),
            pl.BlockSpec((_BLK, IN), lambda i: (i, 0)),
            pl.BlockSpec((_BLK, 1), lambda i: (i, 0)),
            pl.BlockSpec((IN, OUT), lambda i: (0, 0)),
            pl.BlockSpec((1, OUT), lambda i: (0, 0)),
        ],
        out_specs=pl.BlockSpec((_BLK, OUT), lambda i: (i, 0)),
        out_shape=jax.ShapeDtypeStruct((N, OUT), jnp.float32),
    )(p, p, h, na2, Wa3, ba2)


def kernel(x, node_att, edge_index, edge_feat, edge_att, Wn, bn, Wr, br,
           Wa, ba):
    src = edge_index[0].astype(jnp.int32)
    dst = edge_index[1].astype(jnp.int32)
    na2 = node_att.reshape(N, 1)

    Wa1 = Wa[:IN]
    Wa2 = Wa[IN:IN + REL]
    Wa3 = Wa[IN + REL:]
    W2 = Wr @ Wa2
    b2 = (br @ Wa2).reshape(1, OUT)

    h, g = _tc_pre(x, na2, Wn, bn.reshape(1, IN), Wa1)

    ea2d = edge_att.reshape(E // 128, 128)
    rep = jnp.asarray(_np.repeat(_np.eye(_EROWS, dtype=_np.float32),
                                 128, axis=0))
    eye = jnp.asarray(_np.tile(_np.eye(128, dtype=_np.float32),
                               (_EROWS, 1)))
    q = _tc_q(edge_feat, ea2d, rep, eye, W2, b2)

    z = jnp.zeros((STG, OUT), jnp.float32)
    p = _sc_segsum(g, q, src, dst, z)

    return _tc_post(p, h, na2, Wa3, ba.reshape(1, OUT))

# --- scband reference (transcript-rebuilt; emitter-appended) ---
"""Pipeline reference for scband-img-gcn-38482906972431 (READ-ONLY COPY).

The authoritative reference and input builder live on the scoring server;
editing this copy changes nothing except your own understanding.
"""

import jax, jax.numpy as jnp
import numpy as np

N_NODES = 10000
N_EDGES = 320000
IN_DIMS = 128
REL_DIMS = 16
OUT_DIMS = 128


def setup_inputs(seed: int = 0) -> dict:
    key = jax.random.key(seed)
    ks = jax.random.split(key, 12)
    x = jax.random.normal(ks[0], (N_NODES, IN_DIMS), dtype=jnp.float32)
    node_att = jax.random.uniform(ks[1], (N_NODES,), dtype=jnp.float32)
    edge_index = jax.random.randint(ks[2], (2, N_EDGES), 0, N_NODES, dtype=jnp.int64)
    edge_feat = jax.random.normal(ks[3], (N_EDGES, REL_DIMS), dtype=jnp.float32)
    edge_att = jax.random.uniform(ks[4], (N_EDGES,), dtype=jnp.float32)
    # learned params (torch Linear: y = x @ W^T + b; here stored as [in, out])
    Wn = jax.random.normal(ks[5], (IN_DIMS, IN_DIMS), dtype=jnp.float32) * 0.05
    bn = jax.random.normal(ks[6], (IN_DIMS,), dtype=jnp.float32) * 0.05
    Wr = jax.random.normal(ks[7], (REL_DIMS, REL_DIMS), dtype=jnp.float32) * 0.05
    br = jax.random.normal(ks[8], (REL_DIMS,), dtype=jnp.float32) * 0.05
    Wa = jax.random.normal(ks[9], (IN_DIMS + REL_DIMS + IN_DIMS, OUT_DIMS), dtype=jnp.float32) * 0.05
    ba = jax.random.normal(ks[10], (OUT_DIMS,), dtype=jnp.float32) * 0.05
    return {
        'x': x, 'node_att': node_att, 'edge_index': edge_index,
        'edge_feat': edge_feat, 'edge_att': edge_att,
        'Wn': Wn, 'bn': bn, 'Wr': Wr, 'br': br, 'Wa': Wa, 'ba': ba,
    }


def reference(x, node_att, edge_index, edge_feat, edge_att, Wn, bn, Wr, br, Wa, ba):
    n_nodes = x.shape[0]
    # apply_nodes: feat = node_fc(feat)
    h = x @ Wn + bn
    src = edge_index[0]
    dst = edge_index[1]
    # message: z1 = src_att * src_feat ; z2 = edge_att * rel_fc(edge_feat)
    z1 = node_att[src][:, None] * jnp.take(h, src, axis=0)
    z2 = edge_att[:, None] * (edge_feat @ Wr + br)
    msg = jnp.concatenate([z1, z2], axis=1)
    # reduce: sum of incoming messages per dst node
    agg = jax.ops.segment_sum(msg, dst, num_segments=n_nodes)
    cat = jnp.concatenate([agg, h], axis=1)
    out = node_att[:, None] * jax.nn.relu(cat @ Wa + ba)
    return out

if __name__ == "__main__":
    import jax
    _d = setup_inputs()
    print(jax.jit(kernel)(*tuple(_d.values())))

</pallas_src>

<mosaic_0001>
#map = affine_map<(d0, d1) -> (0, 0)>
#map1 = affine_map<(d0, d1) -> (0)>
module attributes {stable_mosaic.version = 14 : i64} {
  func.func @_sc_body(%arg0: i32, %arg1: i32, %arg2: memref<10000x128xf32, #tpu.memory_space<hbm>>, %arg3: memref<320000x128xf32, #tpu.memory_space<hbm>>, %arg4: memref<320000xi32, #tpu.memory_space<hbm>>, %arg5: memref<320000xi32, #tpu.memory_space<hbm>>, %arg6: memref<40x128xf32, #tpu.memory_space<hbm>>, %arg7: memref<20000x128xf32, #tpu.memory_space<hbm>>, %arg8: memref<40xi32, #tpu.memory_space<vmem>>, %arg9: memref<40xi32, #tpu.memory_space<vmem>>, %arg10: memref<40xi32, #tpu.memory_space<vmem>>, %arg11: memref<40xi32, #tpu.memory_space<vmem>>, %arg12: memref<40x128xf32, #tpu.memory_space<vmem>>, %arg13: memref<40x128xf32, #tpu.memory_space<vmem>>, %arg14: memref<40x128xf32, #tpu.memory_space<vmem>>, %arg15: memref<40x128xf32, #tpu.memory_space<vmem>>, %arg16: memref<10000x128xf32, #tpu.memory_space<vmem_shared>>, %arg17: memref<!tpu.dma_semaphore, #tpu.memory_space<semaphore_mem>>, %arg18: memref<!tpu.dma_semaphore, #tpu.memory_space<semaphore_mem>>, %arg19: memref<!tpu.dma_semaphore, #tpu.memory_space<semaphore_mem>>, %arg20: memref<!tpu.dma_semaphore, #tpu.memory_space<semaphore_mem>>, %arg21: memref<!tpu.dma_semaphore, #tpu.memory_space<semaphore_mem>>, %arg22: memref<!tpu.dma_semaphore, #tpu.memory_space<semaphore_mem>>) attributes {dimension_semantics = [#tpu.dimension_semantics<core_parallel>, #tpu.dimension_semantics<subcore_parallel>], iteration_bounds = array<i64: 2, 16>, scalar_prefetch = 0 : i64, scratch_operands = 15 : i64, tpu.core_type = #tpu.core_type<sc_vector_subcore>, window_params = [{transform_indices = #map}, {transform_indices = #map}, {transform_indices = #map1}, {transform_indices = #map1}, {transform_indices = #map}, {transform_indices = #map}]} {
    %mul3A = arith.constant 16 : i32
    %mul3A_0 = arith.muli %arg0, %mul3A : i32
    %add3A = arith.addi %mul3A_0, %arg1 : i32
    %mul3A_1 = arith.constant 10000 : i32
    %mul3A_2 = arith.muli %add3A, %mul3A_1 : i32
    "tpu.region"() ({
      %run_scoped3A = tpu.sem_alloc : memref<!tpu.dma_semaphore, #tpu.memory_space<semaphore_mem>>
      %dma_start3A = arith.constant 0 : i32
      %dma_start3A_25 = arith.constant 0 : i32
      %dma_start3A_26 = tpu.memref_slice %arg12[%dma_start3A, %dma_start3A_25] : memref<40x128xf32, #tpu.memory_space<vmem>> -> memref<40x128xf32, #tpu.memory_space<vmem>>
      %dma_start3A_27 = arith.constant 0 : i32
      %dma_start3A_28 = arith.constant 0 : i32
      %dma_start3A_29 = tpu.memref_slice %arg6[%dma_start3A_27, %dma_start3A_28] : memref<40x128xf32, #tpu.memory_space<hbm>> -> memref<40x128xf32, #tpu.memory_space<hbm>>
      %dma_start3A_30 = arith.constant 0 : i32
      %dma_start3A_31 = arith.constant 0 : i32
      %dma_start3A_32 = tpu.memref_slice %arg12[%dma_start3A_30, %dma_start3A_31] : memref<40x128xf32, #tpu.memory_space<vmem>> -> memref<40x128xf32, #tpu.memory_space<vmem>>
      %dma_start3A_33 = arith.constant 0 : i32
      %dma_start3A_34 = arith.constant 0 : i32
      %dma_start3A_35 = tpu.memref_slice %arg6[%dma_start3A_33, %dma_start3A_34] : memref<40x128xf32, #tpu.memory_space<hbm>> -> memref<40x128xf32, #tpu.memory_space<hbm>>
      tpu.enqueue_dma source(%dma_start3A_35 : memref<40x128xf32, #tpu.memory_space<hbm>>) target(%dma_start3A_32 : memref<40x128xf32, #tpu.memory_space<vmem>>) target_semaphore(%run_scoped3A : memref<!tpu.dma_semaphore, #tpu.memory_space<semaphore_mem>>)
      %dma_wait3A = arith.constant 0 : i32
      %dma_wait3A_36 = arith.constant 0 : i32
      %dma_wait3A_37 = tpu.memref_slice %arg12[%dma_wait3A, %dma_wait3A_36] : memref<40x128xf32, #tpu.memory_space<vmem>> -> memref<40x128xf32, #tpu.memory_space<vmem>>
      %dma_wait3A_38 = arith.constant 0 : i32
      %dma_wait3A_39 = arith.constant 0 : i32
      %dma_wait3A_40 = tpu.memref_slice %arg6[%dma_wait3A_38, %dma_wait3A_39] : memref<40x128xf32, #tpu.memory_space<hbm>> -> memref<40x128xf32, #tpu.memory_space<hbm>>
      %dma_wait3A_41 = arith.constant 0 : i32
      %dma_wait3A_42 = arith.constant 0 : i32
      %dma_wait3A_43 = tpu.memref_slice %arg12[%dma_wait3A_41, %dma_wait3A_42] : memref<40x128xf32, #tpu.memory_space<vmem>> -> memref<40x128xf32, #tpu.memory_space<vmem>>
      %dma_wait3A_44 = arith.constant 0 : i32
      %dma_wait3A_45 = arith.constant 0 : i32
      %dma_wait3A_46 = tpu.memref_slice %arg6[%dma_wait3A_44, %dma_wait3A_45] : memref<40x128xf32, #tpu.memory_space<hbm>> -> memref<40x128xf32, #tpu.memory_space<hbm>>
      tpu.wait_dma2 semaphore(%run_scoped3A : memref<!tpu.dma_semaphore, #tpu.memory_space<semaphore_mem>>) src(%dma_wait3A_46 : memref<40x128xf32, #tpu.memory_space<hbm>>) dst(%dma_wait3A_43 : memref<40x128xf32, #tpu.memory_space<vmem>>)
      tpu.yield
    }) : () -> ()
    %lt3A = arith.constant 15 : i32
    %lt3A_3 = arith.cmpi slt, %arg1, %lt3A : i32
    %convert_element_type3A = arith.extui %lt3A_3 : i1 to i32
    %cond3A = arith.constant 0 : i32
    %cond3A_4 = arith.cmpi ne, %convert_element_type3A, %cond3A : i32
    scf.if %cond3A_4 {
      %mul3A_25 = arith.constant 640 : i32
      %mul3A_26 = arith.muli %arg1, %mul3A_25 : i32
      %add3A_27 = arith.constant 0 : i32
      %add3A_28 = arith.addi %mul3A_26, %add3A_27 : i32
      "tpu.region"() ({
        %run_scoped3A = tpu.sem_alloc : memref<!tpu.dma_semaphore, #tpu.memory_space<semaphore_mem>>
        %dma_start3A = arith.constant 0 : i32
        %dma_start3A_89 = arith.constant 0 : i32
        %dma_start3A_90 = tpu.memref_slice %arg12[%dma_start3A, %dma_start3A_89] : memref<40x128xf32, #tpu.memory_space<vmem>> -> memref<40x128xf32, #tpu.memory_space<vmem>>
        %dma_start3A_91 = arith.constant 0 : i32
        %dma_start3A_92 = tpu.memref_slice %arg16[%add3A_28, %dma_start3A_91] : memref<10000x128xf32, #tpu.memory_space<vmem_shared>> -> memref<40x128xf32, #tpu.memory_space<vmem_shared>>
        %dma_start3A_93 = arith.constant 0 : i32
        %dma_start3A_94 = tpu.memref_slice %arg16[%add3A_28, %dma_start3A_93] : memref<10000x128xf32, #tpu.memory_space<vmem_shared>> -> memref<40x128xf32, #tpu.memory_space<vmem_shared>>
        %dma_start3A_95 = arith.constant 0 : i32
        %dma_start3A_96 = arith.constant 0 : i32
        %dma_start3A_97 = tpu.memref_slice %arg12[%dma_start3A_95, %dma_start3A_96] : memref<40x128xf32, #tpu.memory_space<vmem>> -> memref<40x128xf32, #tpu.memory_space<vmem>>
        tpu.enqueue_dma source(%dma_start3A_97 : memref<40x128xf32, #tpu.memory_space<vmem>>) target(%dma_start3A_94 : memref<40x128xf32, #tpu.memory_space<vmem_shared>>) target_semaphore(%run_scoped3A : memref<!tpu.dma_semaphore, #tpu.memory_space<semaphore_mem>>)
        %dma_wait3A = arith.constant 0 : i32
        %dma_wait3A_98 = arith.constant 0 : i32
        %dma_wait3A_99 = tpu.memref_slice %arg12[%dma_wait3A, %dma_wait3A_98] : memref<40x128xf32, #tpu.memory_space<vmem>> -> memref<40x128xf32, #tpu.memory_space<vmem>>
        %dma_wait3A_100 = arith.constant 0 : i32
        %dma_wait3A_101 = tpu.memref_slice %arg16[%add3A_28, %dma_wait3A_100] : memref<10000x128xf32, #tpu.memory_space<vmem_shared>> -> memref<40x128xf32, #tpu.memory_space<vmem_shared>>
        %dma_wait3A_102 = arith.constant 0 : i32
        %dma_wait3A_103 = tpu.memref_slice %arg16[%add3A_28, %dma_wait3A_102] : memref<10000x128xf32, #tpu.memory_space<vmem_shared>> -> memref<40x128xf32, #tpu.memory_space<vmem_shared>>
        %dma_wait3A_104 = arith.constant 0 : i32
        %dma_wait3A_105 = arith.constant 0 : i32
        %dma_wait3A_106 = tpu.memref_slice %arg12[%dma_wait3A_104, %dma_wait3A_105] : memref<40x128xf32, #tpu.memory_space<vmem>> -> memref<40x128xf32, #tpu.memory_space<vmem>>
        tpu.wait_dma2 semaphore(%run_scoped3A : memref<!tpu.dma_semaphore, #tpu.memory_space<semaphore_mem>>) src(%dma_wait3A_106 : memref<40x128xf32, #tpu.memory_space<vmem>>) dst(%dma_wait3A_103 : memref<40x128xf32, #tpu.memory_space<vmem_shared>>)
        tpu.yield
      }) : () -> ()
      %mul3A_29 = arith.constant 640 : i32
      %mul3A_30 = arith.muli %arg1, %mul3A_29 : i32
      %add3A_31 = arith.constant 40 : i32
      %add3A_32 = arith.addi %mul3A_30, %add3A_31 : i32
      "tpu.region"() ({
        %run_scoped3A = tpu.sem_alloc : memref<!tpu.dma_semaphore, #tpu.memory_space<semaphore_mem>>
        %dma_start3A = arith.constant 0 : i32
        %dma_start3A_89 = arith.constant 0 : i32
        %dma_start3A_90 = tpu.memref_slice %arg12[%dma_start3A, %dma_start3A_89] : memref<40x128xf32, #tpu.memory_space<vmem>> -> memref<40x128xf32, #tpu.memory_space<vmem>>
        %dma_start3A_91 = arith.constant 0 : i32
        %dma_start3A_92 = tpu.memref_slice %arg16[%add3A_32, %dma_start3A_91] : memref<10000x128xf32, #tpu.memory_space<vmem_shared>> -> memref<40x128xf32, #tpu.memory_space<vmem_shared>>
        %dma_start3A_93 = arith.constant 0 : i32
        %dma_start3A_94 = tpu.memref_slice %arg16[%add3A_32, %dma_start3A_93] : memref<10000x128xf32, #tpu.memory_space<vmem_shared>> -> memref<40x128xf32, #tpu.memory_space<vmem_shared>>
        %dma_start3A_95 = arith.constant 0 : i32
        %dma_start3A_96 = arith.constant 0 : i32
        %dma_start3A_97 = tpu.memref_slice %arg12[%dma_start3A_95, %dma_start3A_96] : memref<40x128xf32, #tpu.memory_space<vmem>> -> memref<40x128xf32, #tpu.memory_space<vmem>>
        tpu.enqueue_dma source(%dma_start3A_97 : memref<40x128xf32, #tpu.memory_space<vmem>>) target(%dma_start3A_94 : memref<40x128xf32, #tpu.memory_space<vmem_shared>>) target_semaphore(%run_scoped3A : memref<!tpu.dma_semaphore, #tpu.memory_space<semaphore_mem>>)
        %dma_wait3A = arith.constant 0 : i32
        %dma_wait3A_98 = arith.constant 0 : i32
        %dma_wait3A_99 = tpu.memref_slice %arg12[%dma_wait3A, %dma_wait3A_98] : memref<40x128xf32, #tpu.memory_space<vmem>> -> memref<40x128xf32, #tpu.memory_space<vmem>>
        %dma_wait3A_100 = arith.constant 0 : i32
        %dma_wait3A_101 = tpu.memref_slice %arg16[%add3A_32, %dma_wait3A_100] : memref<10000x128xf32, #tpu.memory_space<vmem_shared>> -> memref<40x128xf32, #tpu.memory_space<vmem_shared>>
        %dma_wait3A_102 = arith.constant 0 : i32
        %dma_wait3A_103 = tpu.memref_slice %arg16[%add3A_32, %dma_wait3A_102] : memref<10000x128xf32, #tpu.memory_space<vmem_shared>> -> memref<40x128xf32, #tpu.memory_space<vmem_shared>>
        %dma_wait3A_104 = arith.constant 0 : i32
        %dma_wait3A_105 = arith.constant 0 : i32
        %dma_wait3A_106 = tpu.memref_slice %arg12[%dma_wait3A_104, %dma_wait3A_105] : memref<40x128xf32, #tpu.memory_space<vmem>> -> memref<40x128xf32, #tpu.memory_space<vmem>>
        tpu.wait_dma2 semaphore(%run_scoped3A : memref<!tpu.dma_semaphore, #tpu.memory_space<semaphore_mem>>) src(%dma_wait3A_106 : memref<40x128xf32, #tpu.memory_space<vmem>>) dst(%dma_wait3A_103 : memref<40x128xf32, #tpu.memory_space<vmem_shared>>)
        tpu.yield
      }) : () -> ()
      %mul3A_33 = arith.constant 640 : i32
      %mul3A_34 = arith.muli %arg1, %mul3A_33 : i32
      %add3A_35 = arith.constant 80 : i32
      %add3A_36 = arith.addi %mul3A_34, %add3A_35 : i32
      "tpu.region"() ({
        %run_scoped3A = tpu.sem_alloc : memref<!tpu.dma_semaphore, #tpu.memory_space<semaphore_mem>>
        %dma_start3A = arith.constant 0 : i32
        %dma_start3A_89 = arith.constant 0 : i32
        %dma_start3A_90 = tpu.memref_slice %arg12[%dma_start3A, %dma_start3A_89] : memref<40x128xf32, #tpu.memory_space<vmem>> -> memref<40x128xf32, #tpu.memory_space<vmem>>
        %dma_start3A_91 = arith.constant 0 : i32
        %dma_start3A_92 = tpu.memref_slice %arg16[%add3A_36, %dma_start3A_91] : memref<10000x128xf32, #tpu.memory_space<vmem_shared>> -> memref<40x128xf32, #tpu.memory_space<vmem_shared>>
        %dma_start3A_93 = arith.constant 0 : i32
        %dma_start3A_94 = tpu.memref_slice %arg16[%add3A_36, %dma_start3A_93] : memref<10000x128xf32, #tpu.memory_space<vmem_shared>> -> memref<40x128xf32, #tpu.memory_space<vmem_shared>>
        %dma_start3A_95 = arith.constant 0 : i32
        %dma_start3A_96 = arith.constant 0 : i32
        %dma_start3A_97 = tpu.memref_slice %arg12[%dma_start3A_95, %dma_start3A_96] : memref<40x128xf32, #tpu.memory_space<vmem>> -> memref<40x128xf32, #tpu.memory_space<vmem>>
        tpu.enqueue_dma source(%dma_start3A_97 : memref<40x128xf32, #tpu.memory_space<vmem>>) target(%dma_start3A_94 : memref<40x128xf32, #tpu.memory_space<vmem_shared>>) target_semaphore(%run_scoped3A : memref<!tpu.dma_semaphore, #tpu.memory_space<semaphore_mem>>)
        %dma_wait3A = arith.constant 0 : i32
        %dma_wait3A_98 = arith.constant 0 : i32
        %dma_wait3A_99 = tpu.memref_slice %arg12[%dma_wait3A, %dma_wait3A_98] : memref<40x128xf32, #tpu.memory_space<vmem>> -> memref<40x128xf32, #tpu.memory_space<vmem>>
        %dma_wait3A_100 = arith.constant 0 : i32
        %dma_wait3A_101 = tpu.memref_slice %arg16[%add3A_36, %dma_wait3A_100] : memref<10000x128xf32, #tpu.memory_space<vmem_shared>> -> memref<40x128xf32, #tpu.memory_space<vmem_shared>>
        %dma_wait3A_102 = arith.constant 0 : i32
        %dma_wait3A_103 = tpu.memref_slice %arg16[%add3A_36, %dma_wait3A_102] : memref<10000x128xf32, #tpu.memory_space<vmem_shared>> -> memref<40x128xf32, #tpu.memory_space<vmem_shared>>
        %dma_wait3A_104 = arith.constant 0 : i32
        %dma_wait3A_105 = arith.constant 0 : i32
        %dma_wait3A_106 = tpu.memref_slice %arg12[%dma_wait3A_104, %dma_wait3A_105] : memref<40x128xf32, #tpu.memory_space<vmem>> -> memref<40x128xf32, #tpu.memory_space<vmem>>
        tpu.wait_dma2 semaphore(%run_scoped3A : memref<!tpu.dma_semaphore, #tpu.memory_space<semaphore_mem>>) src(%dma_wait3A_106 : memref<40x128xf32, #tpu.memory_space<vmem>>) dst(%dma_wait3A_103 : memref<40x128xf32, #tpu.memory_space<vmem_shared>>)
        tpu.yield
      }) : () -> ()
      %mul3A_37 = arith.constant 640 : i32
      %mul3A_38 = arith.muli %arg1, %mul3A_37 : i32
      %add3A_39 = arith.constant 120 : i32
      %add3A_40 = arith.addi %mul3A_38, %add3A_39 : i32
      "tpu.region"() ({
        %run_scoped3A = tpu.sem_alloc : memref<!tpu.dma_semaphore, #tpu.memory_space<semaphore_mem>>
        %dma_start3A = arith.constant 0 : i32
        %dma_start3A_89 = arith.constant 0 : i32
        %dma_start3A_90 = tpu.memref_slice %arg12[%dma_start3A, %dma_start3A_89] : memref<40x128xf32, #tpu.memory_space<vmem>> -> memref<40x128xf32, #tpu.memory_space<vmem>>
        %dma_start3A_91 = arith.constant 0 : i32
        %dma_start3A_92 = tpu.memref_slice %arg16[%add3A_40, %dma_start3A_91] : memref<10000x128xf32, #tpu.memory_space<vmem_shared>> -> memref<40x128xf32, #tpu.memory_space<vmem_shared>>
        %dma_start3A_93 = arith.constant 0 : i32
        %dma_start3A_94 = tpu.memref_slice %arg16[%add3A_40, %dma_start3A_93] : memref<10000x128xf32, #tpu.memory_space<vmem_shared>> -> memref<40x128xf32, #tpu.memory_space<vmem_shared>>
        %dma_start3A_95 = arith.constant 0 : i32
        %dma_start3A_96 = arith.constant 0 : i32
        %dma_start3A_97 = tpu.memref_slice %arg12[%dma_start3A_95, %dma_start3A_96] : memref<40x128xf32, #tpu.memory_space<vmem>> -> memref<40x128xf32, #tpu.memory_space<vmem>>
        tpu.enqueue_dma source(%dma_start3A_97 : memref<40x128xf32, #tpu.memory_space<vmem>>) target(%dma_start3A_94 : memref<40x128xf32, #tpu.memory_space<vmem_shared>>) target_semaphore(%run_scoped3A : memref<!tpu.dma_semaphore, #tpu.memory_space<semaphore_mem>>)
        %dma_wait3A = arith.constant 0 : i32
        %dma_wait3A_98 = arith.constant 0 : i32
        %dma_wait3A_99 = tpu.memref_slice %arg12[%dma_wait3A, %dma_wait3A_98] : memref<40x128xf32, #tpu.memory_space<vmem>> -> memref<40x128xf32, #tpu.memory_space<vmem>>
        %dma_wait3A_100 = arith.constant 0 : i32
        %dma_wait3A_101 = tpu.memref_slice %arg16[%add3A_40, %dma_wait3A_100] : memref<10000x128xf32, #tpu.memory_space<vmem_shared>> -> memref<40x128xf32, #tpu.memory_space<vmem_shared>>
        %dma_wait3A_102 = arith.constant 0 : i32
        %dma_wait3A_103 = tpu.memref_slice %arg16[%add3A_40, %dma_wait3A_102] : memref<10000x128xf32, #tpu.memory_space<vmem_shared>> -> memref<40x128xf32, #tpu.memory_space<vmem_shared>>
        %dma_wait3A_104 = arith.constant 0 : i32
        %dma_wait3A_105 = arith.constant 0 : i32
        %dma_wait3A_106 = tpu.memref_slice %arg12[%dma_wait3A_104, %dma_wait3A_105] : memref<40x128xf32, #tpu.memory_space<vmem>> -> memref<40x128xf32, #tpu.memory_space<vmem>>
        tpu.wait_dma2 semaphore(%run_scoped3A : memref<!tpu.dma_semaphore, #tpu.memory_space<semaphore_mem>>) src(%dma_wait3A_106 : memref<40x128xf32, #tpu.memory_space<vmem>>) dst(%dma_wait3A_103 : memref<40x128xf32, #tpu.memory_space<vmem_shared>>)
        tpu.yield
      }) : () -> ()
      %mul3A_41 = arith.constant 640 : i32
      %mul3A_42 = arith.muli %arg1, %mul3A_41 : i32
      %add3A_43 = arith.constant 160 : i32
      %add3A_44 = arith.addi %mul3A_42, %add3A_43 : i32
      "tpu.region"() ({
        %run_scoped3A = tpu.sem_alloc : memref<!tpu.dma_semaphore, #tpu.memory_space<semaphore_mem>>
        %dma_start3A = arith.constant 0 : i32
        %dma_start3A_89 = arith.constant 0 : i32
        %dma_start3A_90 = tpu.memref_slice %arg12[%dma_start3A, %dma_start3A_89] : memref<40x128xf32, #tpu.memory_space<vmem>> -> memref<40x128xf32, #tpu.memory_space<vmem>>
        %dma_start3A_91 = arith.constant 0 : i32
        %dma_start3A_92 = tpu.memref_slice %arg16[%add3A_44, %dma_start3A_91] : memref<10000x128xf32, #tpu.memory_space<vmem_shared>> -> memref<40x128xf32, #tpu.memory_space<vmem_shared>>
        %dma_start3A_93 = arith.constant 0 : i32
        %dma_start3A_94 = tpu.memref_slice %arg16[%add3A_44, %dma_start3A_93] : memref<10000x128xf32, #tpu.memory_space<vmem_shared>> -> memref<40x128xf32, #tpu.memory_space<vmem_shared>>
        %dma_start3A_95 = arith.constant 0 : i32
        %dma_start3A_96 = arith.constant 0 : i32
        %dma_start3A_97 = tpu.memref_slice %arg12[%dma_start3A_95, %dma_start3A_96] : memref<40x128xf32, #tpu.memory_space<vmem>> -> memref<40x128xf32, #tpu.memory_space<vmem>>
        tpu.enqueue_dma source(%dma_start3A_97 : memref<40x128xf32, #tpu.memory_space<vmem>>) target(%dma_start3A_94 : memref<40x128xf32, #tpu.memory_space<vmem_shared>>) target_semaphore(%run_scoped3A : memref<!tpu.dma_semaphore, #tpu.memory_space<semaphore_mem>>)
        %dma_wait3A = arith.constant 0 : i32
        %dma_wait3A_98 = arith.constant 0 : i32
        %dma_wait3A_99 = tpu.memref_slice %arg12[%dma_wait3A, %dma_wait3A_98] : memref<40x128xf32, #tpu.memory_space<vmem>> -> memref<40x128xf32, #tpu.memory_space<vmem>>
        %dma_wait3A_100 = arith.constant 0 : i32
        %dma_wait3A_101 = tpu.memref_slice %arg16[%add3A_44, %dma_wait3A_100] : memref<10000x128xf32, #tpu.memory_space<vmem_shared>> -> memref<40x128xf32, #tpu.memory_space<vmem_shared>>
        %dma_wait3A_102 = arith.constant 0 : i32
        %dma_wait3A_103 = tpu.memref_slice %arg16[%add3A_44, %dma_wait3A_102] : memref<10000x128xf32, #tpu.memory_space<vmem_shared>> -> memref<40x128xf32, #tpu.memory_space<vmem_shared>>
        %dma_wait3A_104 = arith.constant 0 : i32
        %dma_wait3A_105 = arith.constant 0 : i32
        %dma_wait3A_106 = tpu.memref_slice %arg12[%dma_wait3A_104, %dma_wait3A_105] : memref<40x128xf32, #tpu.memory_space<vmem>> -> memref<40x128xf32, #tpu.memory_space<vmem>>
        tpu.wait_dma2 semaphore(%run_scoped3A : memref<!tpu.dma_semaphore, #tpu.memory_space<semaphore_mem>>) src(%dma_wait3A_106 : memref<40x128xf32, #tpu.memory_space<vmem>>) dst(%dma_wait3A_103 : memref<40x128xf32, #tpu.memory_space<vmem_shared>>)
        tpu.yield
      }) : () -> ()
      %mul3A_45 = arith.constant 640 : i32
      %mul3A_46 = arith.muli %arg1, %mul3A_45 : i32
      %add3A_47 = arith.constant 200 : i32
      %add3A_48 = arith.addi %mul3A_46, %add3A_47 : i32
      "tpu.region"() ({
        %run_scoped3A = tpu.sem_alloc : memref<!tpu.dma_semaphore, #tpu.memory_space<semaphore_mem>>
        %dma_start3A = arith.constant 0 : i32
        %dma_start3A_89 = arith.constant 0 : i32
        %dma_start3A_90 = tpu.memref_slice %arg12[%dma_start3A, %dma_start3A_89] : memref<40x128xf32, #tpu.memory_space<vmem>> -> memref<40x128xf32, #tpu.memory_space<vmem>>
        %dma_start3A_91 = arith.constant 0 : i32
        %dma_start3A_92 = tpu.memref_slice %arg16[%add3A_48, %dma_start3A_91] : memref<10000x128xf32, #tpu.memory_space<vmem_shared>> -> memref<40x128xf32, #tpu.memory_space<vmem_shared>>
        %dma_start3A_93 = arith.constant 0 : i32
        %dma_start3A_94 = tpu.memref_slice %arg16[%add3A_48, %dma_start3A_93] : memref<10000x128xf32, #tpu.memory_space<vmem_shared>> -> memref<40x128xf32, #tpu.memory_space<vmem_shared>>
        %dma_start3A_95 = arith.constant 0 : i32
        %dma_start3A_96 = arith.constant 0 : i32
        %dma_start3A_97 = tpu.memref_slice %arg12[%dma_start3A_95, %dma_start3A_96] : memref<40x128xf32, #tpu.memory_space<vmem>> -> memref<40x128xf32, #tpu.memory_space<vmem>>
        tpu.enqueue_dma source(%dma_start3A_97 : memref<40x128xf32, #tpu.memory_space<vmem>>) target(%dma_start3A_94 : memref<40x128xf32, #tpu.memory_space<vmem_shared>>) target_semaphore(%run_scoped3A : memref<!tpu.dma_semaphore, #tpu.memory_space<semaphore_mem>>)
        %dma_wait3A = arith.constant 0 : i32
        %dma_wait3A_98 = arith.constant 0 : i32
        %dma_wait3A_99 = tpu.memref_slice %arg12[%dma_wait3A, %dma_wait3A_98] : memref<40x128xf32, #tpu.memory_space<vmem>> -> memref<40x128xf32, #tpu.memory_space<vmem>>
        %dma_wait3A_100 = arith.constant 0 : i32
        %dma_wait3A_101 = tpu.memref_slice %arg16[%add3A_48, %dma_wait3A_100] : memref<10000x128xf32, #tpu.memory_space<vmem_shared>> -> memref<40x128xf32, #tpu.memory_space<vmem_shared>>
        %dma_wait3A_102 = arith.constant 0 : i32
        %dma_wait3A_103 = tpu.memref_slice %arg16[%add3A_48, %dma_wait3A_102] : memref<10000x128xf32, #tpu.memory_space<vmem_shared>> -> memref<40x128xf32, #tpu.memory_space<vmem_shared>>
        %dma_wait3A_104 = arith.constant 0 : i32
        %dma_wait3A_105 = arith.constant 0 : i32
        %dma_wait3A_106 = tpu.memref_slice %arg12[%dma_wait3A_104, %dma_wait3A_105] : memref<40x128xf32, #tpu.memory_space<vmem>> -> memref<40x128xf32, #tpu.memory_space<vmem>>
        tpu.wait_dma2 semaphore(%run_scoped3A : memref<!tpu.dma_semaphore, #tpu.memory_space<semaphore_mem>>) src(%dma_wait3A_106 : memref<40x128xf32, #tpu.memory_space<vmem>>) dst(%dma_wait3A_103 : memref<40x128xf32, #tpu.memory_space<vmem_shared>>)
        tpu.yield
      }) : () -> ()
      %mul3A_49 = arith.constant 640 : i32
      %mul3A_50 = arith.muli %arg1, %mul3A_49 : i32
      %add3A_51 = arith.constant 240 : i32
      %add3A_52 = arith.addi %mul3A_50, %add3A_51 : i32
      "tpu.region"() ({
        %run_scoped3A = tpu.sem_alloc : memref<!tpu.dma_semaphore, #tpu.memory_space<semaphore_mem>>
        %dma_start3A = arith.constant 0 : i32
        %dma_start3A_89 = arith.constant 0 : i32
        %dma_start3A_90 = tpu.memref_slice %arg12[%dma_start3A, %dma_start3A_89] : memref<40x128xf32, #tpu.memory_space<vmem>> -> memref<40x128xf32, #tpu.memory_space<vmem>>
        %dma_start3A_91 = arith.constant 0 : i32
        %dma_start3A_92 = tpu.memref_slice %arg16[%add3A_52, %dma_start3A_91] : memref<10000x128xf32, #tpu.memory_space<vmem_shared>> -> memref<40x128xf32, #tpu.memory_space<vmem_shared>>
        %dma_start3A_93 = arith.constant 0 : i32
        %dma_start3A_94 = tpu.memref_slice %arg16[%add3A_52, %dma_start3A_93] : memref<10000x128xf32, #tpu.memory_space<vmem_shared>> -> memref<40x128xf32, #tpu.memory_space<vmem_shared>>
        %dma_start3A_95 = arith.constant 0 : i32
        %dma_start3A_96 = arith.constant 0 : i32
        %dma_start3A_97 = tpu.memref_slice %arg12[%dma_start3A_95, %dma_start3A_96] : memref<40x128xf32, #tpu.memory_space<vmem>> -> memref<40x128xf32, #tpu.memory_space<vmem>>
        tpu.enqueue_dma source(%dma_start3A_97 : memref<40x128xf32, #tpu.memory_space<vmem>>) target(%dma_start3A_94 : memref<40x128xf32, #tpu.memory_space<vmem_shared>>) target_semaphore(%run_scoped3A : memref<!tpu.dma_semaphore, #tpu.memory_space<semaphore_mem>>)
        %dma_wait3A = arith.constant 0 : i32
        %dma_wait3A_98 = arith.constant 0 : i32
        %dma_wait3A_99 = tpu.memref_slice %arg12[%dma_wait3A, %dma_wait3A_98] : memref<40x128xf32, #tpu.memory_space<vmem>> -> memref<40x128xf32, #tpu.memory_space<vmem>>
        %dma_wait3A_100 = arith.constant 0 : i32
        %dma_wait3A_101 = tpu.memref_slice %arg16[%add3A_52, %dma_wait3A_100] : memref<10000x128xf32, #tpu.memory_space<vmem_shared>> -> memref<40x128xf32, #tpu.memory_space<vmem_shared>>
        %dma_wait3A_102 = arith.constant 0 : i32
        %dma_wait3A_103 = tpu.memref_slice %arg16[%add3A_52, %dma_wait3A_102] : memref<10000x128xf32, #tpu.memory_space<vmem_shared>> -> memref<40x128xf32, #tpu.memory_space<vmem_shared>>
        %dma_wait3A_104 = arith.constant 0 : i32
        %dma_wait3A_105 = arith.constant 0 : i32
        %dma_wait3A_106 = tpu.memref_slice %arg12[%dma_wait3A_104, %dma_wait3A_105] : memref<40x128xf32, #tpu.memory_space<vmem>> -> memref<40x128xf32, #tpu.memory_space<vmem>>
        tpu.wait_dma2 semaphore(%run_scoped3A : memref<!tpu.dma_semaphore, #tpu.memory_space<semaphore_mem>>) src(%dma_wait3A_106 : memref<40x128xf32, #tpu.memory_space<vmem>>) dst(%dma_wait3A_103 : memref<40x128xf32, #tpu.memory_space<vmem_shared>>)
        tpu.yield
      }) : () -> ()
      %mul3A_53 = arith.constant 640 : i32
      %mul3A_54 = arith.muli %arg1, %mul3A_53 : i32
      %add3A_55 = arith.constant 280 : i32
      %add3A_56 = arith.addi %mul3A_54, %add3A_55 : i32
      "tpu.region"() ({
        %run_scoped3A = tpu.sem_alloc : memref<!tpu.dma_semaphore, #tpu.memory_space<semaphore_mem>>
        %dma_start3A = arith.constant 0 : i32
        %dma_start3A_89 = arith.constant 0 : i32
        %dma_start3A_90 = tpu.memref_slice %arg12[%dma_start3A, %dma_start3A_89] : memref<40x128xf32, #tpu.memory_space<vmem>> -> memref<40x128xf32, #tpu.memory_space<vmem>>
        %dma_start3A_91 = arith.constant 0 : i32
        %dma_start3A_92 = tpu.memref_slice %arg16[%add3A_56, %dma_start3A_91] : memref<10000x128xf32, #tpu.memory_space<vmem_shared>> -> memref<40x128xf32, #tpu.memory_space<vmem_shared>>
        %dma_start3A_93 = arith.constant 0 : i32
        %dma_start3A_94 = tpu.memref_slice %arg16[%add3A_56, %dma_start3A_93] : memref<10000x128xf32, #tpu.memory_space<vmem_shared>> -> memref<40x128xf32, #tpu.memory_space<vmem_shared>>
        %dma_start3A_95 = arith.constant 0 : i32
        %dma_start3A_96 = arith.constant 0 : i32
        %dma_start3A_97 = tpu.memref_slice %arg12[%dma_start3A_95, %dma_start3A_96] : memref<40x128xf32, #tpu.memory_space<vmem>> -> memref<40x128xf32, #tpu.memory_space<vmem>>
        tpu.enqueue_dma source(%dma_start3A_97 : memref<40x128xf32, #tpu.memory_space<vmem>>) target(%dma_start3A_94 : memref<40x128xf32, #tpu.memory_space<vmem_shared>>) target_semaphore(%run_scoped3A : memref<!tpu.dma_semaphore, #tpu.memory_space<semaphore_mem>>)
        %dma_wait3A = arith.constant 0 : i32
        %dma_wait3A_98 = arith.constant 0 : i32
        %dma_wait3A_99 = tpu.memref_slice %arg12[%dma_wait3A, %dma_wait3A_98] : memref<40x128xf32, #tpu.memory_space<vmem>> -> memref<40x128xf32, #tpu.memory_space<vmem>>
        %dma_wait3A_100 = arith.constant 0 : i32
        %dma_wait3A_101 = tpu.memref_slice %arg16[%add3A_56, %dma_wait3A_100] : memref<10000x128xf32, #tpu.memory_space<vmem_shared>> -> memref<40x128xf32, #tpu.memory_space<vmem_shared>>
        %dma_wait3A_102 = arith.constant 0 : i32
        %dma_wait3A_103 = tpu.memref_slice %arg16[%add3A_56, %dma_wait3A_102] : memref<10000x128xf32, #tpu.memory_space<vmem_shared>> -> memref<40x128xf32, #tpu.memory_space<vmem_shared>>
        %dma_wait3A_104 = arith.constant 0 : i32
        %dma_wait3A_105 = arith.constant 0 : i32
        %dma_wait3A_106 = tpu.memref_slice %arg12[%dma_wait3A_104, %dma_wait3A_105] : memref<40x128xf32, #tpu.memory_space<vmem>> -> memref<40x128xf32, #tpu.memory_space<vmem>>
        tpu.wait_dma2 semaphore(%run_scoped3A : memref<!tpu.dma_semaphore, #tpu.memory_space<semaphore_mem>>) src(%dma_wait3A_106 : memref<40x128xf32, #tpu.memory_space<vmem>>) dst(%dma_wait3A_103 : memref<40x128xf32, #tpu.memory_space<vmem_shared>>)
        tpu.yield
      }) : () -> ()
      %mul3A_57 = arith.constant 640 : i32
      %mul3A_58 = arith.muli %arg1, %mul3A_57 : i32
      %add3A_59 = arith.constant 320 : i32
      %add3A_60 = arith.addi %mul3A_58, %add3A_59 : i32
      "tpu.region"() ({
        %run_scoped3A = tpu.sem_alloc : memref<!tpu.dma_semaphore, #tpu.memory_space<semaphore_mem>>
        %dma_start3A = arith.constant 0 : i32
        %dma_start3A_89 = arith.constant 0 : i32
        %dma_start3A_90 = tpu.memref_slice %arg12[%dma_start3A, %dma_start3A_89] : memref<40x128xf32, #tpu.memory_space<vmem>> -> memref<40x128xf32, #tpu.memory_space<vmem>>
        %dma_start3A_91 = arith.constant 0 : i32
        %dma_start3A_92 = tpu.memref_slice %arg16[%add3A_60, %dma_start3A_91] : memref<10000x128xf32, #tpu.memory_space<vmem_shared>> -> memref<40x128xf32, #tpu.memory_space<vmem_shared>>
        %dma_start3A_93 = arith.constant 0 : i32
        %dma_start3A_94 = tpu.memref_slice %arg16[%add3A_60, %dma_start3A_93] : memref<10000x128xf32, #tpu.memory_space<vmem_shared>> -> memref<40x128xf32, #tpu.memory_space<vmem_shared>>
        %dma_start3A_95 = arith.constant 0 : i32
        %dma_start3A_96 = arith.constant 0 : i32
        %dma_start3A_97 = tpu.memref_slice %arg12[%dma_start3A_95, %dma_start3A_96] : memref<40x128xf32, #tpu.memory_space<vmem>> -> memref<40x128xf32, #tpu.memory_space<vmem>>
        tpu.enqueue_dma source(%dma_start3A_97 : memref<40x128xf32, #tpu.memory_space<vmem>>) target(%dma_start3A_94 : memref<40x128xf32, #tpu.memory_space<vmem_shared>>) target_semaphore(%run_scoped3A : memref<!tpu.dma_semaphore, #tpu.memory_space<semaphore_mem>>)
        %dma_wait3A = arith.constant 0 : i32
        %dma_wait3A_98 = arith.constant 0 : i32
        %dma_wait3A_99 = tpu.memref_slice %arg12[%dma_wait3A, %dma_wait3A_98] : memref<40x128xf32, #tpu.memory_space<vmem>> -> memref<40x128xf32, #tpu.memory_space<vmem>>
        %dma_wait3A_100 = arith.constant 0 : i32
        %dma_wait3A_101 = tpu.memref_slice %arg16[%add3A_60, %dma_wait3A_100] : memref<10000x128xf32, #tpu.memory_space<vmem_shared>> -> memref<40x128xf32, #tpu.memory_space<vmem_shared>>
        %dma_wait3A_102 = arith.constant 0 : i32
        %dma_wait3A_103 = tpu.memref_slice %arg16[%add3A_60, %dma_wait3A_102] : memref<10000x128xf32, #tpu.memory_space<vmem_shared>> -> memref<40x128xf32, #tpu.memory_space<vmem_shared>>
        %dma_wait3A_104 = arith.constant 0 : i32
        %dma_wait3A_105 = arith.constant 0 : i32
        %dma_wait3A_106 = tpu.memref_slice %arg12[%dma_wait3A_104, %dma_wait3A_105] : memref<40x128xf32, #tpu.memory_space<vmem>> -> memref<40x128xf32, #tpu.memory_space<vmem>>
        tpu.wait_dma2 semaphore(%run_scoped3A : memref<!tpu.dma_semaphore, #tpu.memory_space<semaphore_mem>>) src(%dma_wait3A_106 : memref<40x128xf32, #tpu.memory_space<vmem>>) dst(%dma_wait3A_103 : memref<40x128xf32, #tpu.memory_space<vmem_shared>>)
        tpu.yield
      }) : () -> ()
      %mul3A_61 = arith.constant 640 : i32
      %mul3A_62 = arith.muli %arg1, %mul3A_61 : i32
      %add3A_63 = arith.constant 360 : i32
      %add3A_64 = arith.addi %mul3A_62, %add3A_63 : i32
      "tpu.region"() ({
        %run_scoped3A = tpu.sem_alloc : memref<!tpu.dma_semaphore, #tpu.memory_space<semaphore_mem>>
        %dma_start3A = arith.constant 0 : i32
        %dma_start3A_89 = arith.constant 0 : i32
        %dma_start3A_90 = tpu.memref_slice %arg12[%dma_start3A, %dma_start3A_89] : memref<40x128xf32, #tpu.memory_space<vmem>> -> memref<40x128xf32, #tpu.memory_space<vmem>>
        %dma_start3A_91 = arith.constant 0 : i32
        %dma_start3A_92 = tpu.memref_slice %arg16[%add3A_64, %dma_start3A_91] : memref<10000x128xf32, #tpu.memory_space<vmem_shared>> -> memref<40x128xf32, #tpu.memory_space<vmem_shared>>
        %dma_start3A_93 = arith.constant 0 : i32
        %dma_start3A_94 = tpu.memref_slice %arg16[%add3A_64, %dma_start3A_93] : memref<10000x128xf32, #tpu.memory_space<vmem_shared>> -> memref<40x128xf32, #tpu.memory_space<vmem_shared>>
        %dma_start3A_95 = arith.constant 0 : i32
        %dma_start3A_96 = arith.constant 0 : i32
        %dma_start3A_97 = tpu.memref_slice %arg12[%dma_start3A_95, %dma_start3A_96] : memref<40x128xf32, #tpu.memory_space<vmem>> -> memref<40x128xf32, #tpu.memory_space<vmem>>
        tpu.enqueue_dma source(%dma_start3A_97 : memref<40x128xf32, #tpu.memory_space<vmem>>) target(%dma_start3A_94 : memref<40x128xf32, #tpu.memory_space<vmem_shared>>) target_semaphore(%run_scoped3A : memref<!tpu.dma_semaphore, #tpu.memory_space<semaphore_mem>>)
        %dma_wait3A = arith.constant 0 : i32
        %dma_wait3A_98 = arith.constant 0 : i32
        %dma_wait3A_99 = tpu.memref_slice %arg12[%dma_wait3A, %dma_wait3A_98] : memref<40x128xf32, #tpu.memory_space<vmem>> -> memref<40x128xf32, #tpu.memory_space<vmem>>
        %dma_wait3A_100 = arith.constant 0 : i32
        %dma_wait3A_101 = tpu.memref_slice %arg16[%add3A_64, %dma_wait3A_100] : memref<10000x128xf32, #tpu.memory_space<vmem_shared>> -> memref<40x128xf32, #tpu.memory_space<vmem_shared>>
        %dma_wait3A_102 = arith.constant 0 : i32
        %dma_wait3A_103 = tpu.memref_slice %arg16[%add3A_64, %dma_wait3A_102] : memref<10000x128xf32, #tpu.memory_space<vmem_shared>> -> memref<40x128xf32, #tpu.memory_space<vmem_shared>>
        %dma_wait3A_104 = arith.constant 0 : i32
        %dma_wait3A_105 = arith.constant 0 : i32
        %dma_wait3A_106 = tpu.memref_slice %arg12[%dma_wait3A_104, %dma_wait3A_105] : memref<40x128xf32, #tpu.memory_space<vmem>> -> memref<40x128xf32, #tpu.memory_space<vmem>>
        tpu.wait_dma2 semaphore(%run_scoped3A : memref<!tpu.dma_semaphore, #tpu.memory_space<semaphore_mem>>) src(%dma_wait3A_106 : memref<40x128xf32, #tpu.memory_space<vmem>>) dst(%dma_wait3A_103 : memref<40x128xf32, #tpu.memory_space<vmem_shared>>)
        tpu.yield
      }) : () -> ()
      %mul3A_65 = arith.constant 640 : i32
      %mul3A_66 = arith.muli %arg1, %mul3A_65 : i32
      %add3A_67 = arith.constant 400 : i32
      %add3A_68 = arith.addi %mul3A_66, %add3A_67 : i32
      "tpu.region"() ({
        %run_scoped3A = tpu.sem_alloc : memref<!tpu.dma_semaphore, #tpu.memory_space<semaphore_mem>>
        %dma_start3A = arith.constant 0 : i32
        %dma_start3A_89 = arith.constant 0 : i32
        %dma_start3A_90 = tpu.memref_slice %arg12[%dma_start3A, %dma_start3A_89] : memref<40x128xf32, #tpu.memory_space<vmem>> -> memref<40x128xf32, #tpu.memory_space<vmem>>
        %dma_start3A_91 = arith.constant 0 : i32
        %dma_start3A_92 = tpu.memref_slice %arg16[%add3A_68, %dma_start3A_91] : memref<10000x128xf32, #tpu.memory_space<vmem_shared>> -> memref<40x128xf32, #tpu.memory_space<vmem_shared>>
        %dma_start3A_93 = arith.constant 0 : i32
        %dma_start3A_94 = tpu.memref_slice %arg16[%add3A_68, %dma_start3A_93] : memref<10000x128xf32, #tpu.memory_space<vmem_shared>> -> memref<40x128xf32, #tpu.memory_space<vmem_shared>>
        %dma_start3A_95 = arith.constant 0 : i32
        %dma_start3A_96 = arith.constant 0 : i32
        %dma_start3A_97 = tpu.memref_slice %arg12[%dma_start3A_95, %dma_start3A_96] : memref<40x128xf32, #tpu.memory_space<vmem>> -> memref<40x128xf32, #tpu.memory_space<vmem>>
        tpu.enqueue_dma source(%dma_start3A_97 : memref<40x128xf32, #tpu.memory_space<vmem>>) target(%dma_start3A_94 : memref<40x128xf32, #tpu.memory_space<vmem_shared>>) target_semaphore(%run_scoped3A : memref<!tpu.dma_semaphore, #tpu.memory_space<semaphore_mem>>)
        %dma_wait3A = arith.constant 0 : i32
        %dma_wait3A_98 = arith.constant 0 : i32
        %dma_wait3A_99 = tpu.memref_slice %arg12[%dma_wait3A, %dma_wait3A_98] : memref<40x128xf32, #tpu.memory_space<vmem>> -> memref<40x128xf32, #tpu.memory_space<vmem>>
        %dma_wait3A_100 = arith.constant 0 : i32
        %dma_wait3A_101 = tpu.memref_slice %arg16[%add3A_68, %dma_wait3A_100] : memref<10000x128xf32, #tpu.memory_space<vmem_shared>> -> memref<40x128xf32, #tpu.memory_space<vmem_shared>>
        %dma_wait3A_102 = arith.constant 0 : i32
        %dma_wait3A_103 = tpu.memref_slice %arg16[%add3A_68, %dma_wait3A_102] : memref<10000x128xf32, #tpu.memory_space<vmem_shared>> -> memref<40x128xf32, #tpu.memory_space<vmem_shared>>
        %dma_wait3A_104 = arith.constant 0 : i32
        %dma_wait3A_105 = arith.constant 0 : i32
        %dma_wait3A_106 = tpu.memref_slice %arg12[%dma_wait3A_104, %dma_wait3A_105] : memref<40x128xf32, #tpu.memory_space<vmem>> -> memref<40x128xf32, #tpu.memory_space<vmem>>
        tpu.wait_dma2 semaphore(%run_scoped3A : memref<!tpu.dma_semaphore, #tpu.memory_space<semaphore_mem>>) src(%dma_wait3A_106 : memref<40x128xf32, #tpu.memory_space<vmem>>) dst(%dma_wait3A_103 : memref<40x128xf32, #tpu.memory_space<vmem_shared>>)
        tpu.yield
      }) : () -> ()
      %mul3A_69 = arith.constant 640 : i32
      %mul3A_70 = arith.muli %arg1, %mul3A_69 : i32
      %add3A_71 = arith.constant 440 : i32
      %add3A_72 = arith.addi %mul3A_70, %add3A_71 : i32
      "tpu.region"() ({
        %run_scoped3A = tpu.sem_alloc : memref<!tpu.dma_semaphore, #tpu.memory_space<semaphore_mem>>
        %dma_start3A = arith.constant 0 : i32
        %dma_start3A_89 = arith.constant 0 : i32
        %dma_start3A_90 = tpu.memref_slice %arg12[%dma_start3A, %dma_start3A_89] : memref<40x128xf32, #tpu.memory_space<vmem>> -> memref<40x128xf32, #tpu.memory_space<vmem>>
        %dma_start3A_91 = arith.constant 0 : i32
        %dma_start3A_92 = tpu.memref_slice %arg16[%add3A_72, %dma_start3A_91] : memref<10000x128xf32, #tpu.memory_space<vmem_shared>> -> memref<40x128xf32, #tpu.memory_space<vmem_shared>>
        %dma_start3A_93 = arith.constant 0 : i32
        %dma_start3A_94 = tpu.memref_slice %arg16[%add3A_72, %dma_start3A_93] : memref<10000x128xf32, #tpu.memory_space<vmem_shared>> -> memref<40x128xf32, #tpu.memory_space<vmem_shared>>
        %dma_start3A_95 = arith.constant 0 : i32
        %dma_start3A_96 = arith.constant 0 : i32
        %dma_start3A_97 = tpu.memref_slice %arg12[%dma_start3A_95, %dma_start3A_96] : memref<40x128xf32, #tpu.memory_space<vmem>> -> memref<40x128xf32, #tpu.memory_space<vmem>>
        tpu.enqueue_dma source(%dma_start3A_97 : memref<40x128xf32, #tpu.memory_space<vmem>>) target(%dma_start3A_94 : memref<40x128xf32, #tpu.memory_space<vmem_shared>>) target_semaphore(%run_scoped3A : memref<!tpu.dma_semaphore, #tpu.memory_space<semaphore_mem>>)
        %dma_wait3A = arith.constant 0 : i32
        %dma_wait3A_98 = arith.constant 0 : i32
        %dma_wait3A_99 = tpu.memref_slice %arg12[%dma_wait3A, %dma_wait3A_98] : memref<40x128xf32, #tpu.memory_space<vmem>> -> memref<40x128xf32, #tpu.memory_space<vmem>>
        %dma_wait3A_100 = arith.constant 0 : i32
        %dma_wait3A_101 = tpu.memref_slice %arg16[%add3A_72, %dma_wait3A_100] : memref<10000x128xf32, #tpu.memory_space<vmem_shared>> -> memref<40x128xf32, #tpu.memory_space<vmem_shared>>
        %dma_wait3A_102 = arith.constant 0 : i32
        %dma_wait3A_103 = tpu.memref_slice %arg16[%add3A_72, %dma_wait3A_102] : memref<10000x128xf32, #tpu.memory_space<vmem_shared>> -> memref<40x128xf32, #tpu.memory_space<vmem_shared>>
        %dma_wait3A_104 = arith.constant 0 : i32
        %dma_wait3A_105 = arith.constant 0 : i32
        %dma_wait3A_106 = tpu.memref_slice %arg12[%dma_wait3A_104, %dma_wait3A_105] : memref<40x128xf32, #tpu.memory_space<vmem>> -> memref<40x128xf32, #tpu.memory_space<vmem>>
        tpu.wait_dma2 semaphore(%run_scoped3A : memref<!tpu.dma_semaphore, #tpu.memory_space<semaphore_mem>>) src(%dma_wait3A_106 : memref<40x128xf32, #tpu.memory_space<vmem>>) dst(%dma_wait3A_103 : memref<40x128xf32, #tpu.memory_space<vmem_shared>>)
        tpu.yield
      }) : () -> ()
      %mul3A_73 = arith.constant 640 : i32
      %mul3A_74 = arith.muli %arg1, %mul3A_73 : i32
      %add3A_75 = arith.constant 480 : i32
      %add3A_76 = arith.addi %mul3A_74, %add3A_75 : i32
      "tpu.region"() ({
        %run_scoped3A = tpu.sem_alloc : memref<!tpu.dma_semaphore, #tpu.memory_space<semaphore_mem>>
        %dma_start3A = arith.constant 0 : i32
        %dma_start3A_89 = arith.constant 0 : i32
        %dma_start3A_90 = tpu.memref_slice %arg12[%dma_start3A, %dma_start3A_89] : memref<40x128xf32, #tpu.memory_space<vmem>> -> memref<40x128xf32, #tpu.memory_space<vmem>>
        %dma_start3A_91 = arith.constant 0 : i32
        %dma_start3A_92 = tpu.memref_slice %arg16[%add3A_76, %dma_start3A_91] : memref<10000x128xf32, #tpu.memory_space<vmem_shared>> -> memref<40x128xf32, #tpu.memory_space<vmem_shared>>
        %dma_start3A_93 = arith.constant 0 : i32
        %dma_start3A_94 = tpu.memref_slice %arg16[%add3A_76, %dma_start3A_93] : memref<10000x128xf32, #tpu.memory_space<vmem_shared>> -> memref<40x128xf32, #tpu.memory_space<vmem_shared>>
        %dma_start3A_95 = arith.constant 0 : i32
        %dma_start3A_96 = arith.constant 0 : i32
        %dma_start3A_97 = tpu.memref_slice %arg12[%dma_start3A_95, %dma_start3A_96] : memref<40x128xf32, #tpu.memory_space<vmem>> -> memref<40x128xf32, #tpu.memory_space<vmem>>
        tpu.enqueue_dma source(%dma_start3A_97 : memref<40x128xf32, #tpu.memory_space<vmem>>) target(%dma_start3A_94 : memref<40x128xf32, #tpu.memory_space<vmem_shared>>) target_semaphore(%run_scoped3A : memref<!tpu.dma_semaphore, #tpu.memory_space<semaphore_mem>>)
        %dma_wait3A = arith.constant 0 : i32
        %dma_wait3A_98 = arith.constant 0 : i32
        %dma_wait3A_99 = tpu.memref_slice %arg12[%dma_wait3A, %dma_wait3A_98] : memref<40x128xf32, #tpu.memory_space<vmem>> -> memref<40x128xf32, #tpu.memory_space<vmem>>
        %dma_wait3A_100 = arith.constant 0 : i32
        %dma_wait3A_101 = tpu.memref_slice %arg16[%add3A_76, %dma_wait3A_100] : memref<10000x128xf32, #tpu.memory_space<vmem_shared>> -> memref<40x128xf32, #tpu.memory_space<vmem_shared>>
        %dma_wait3A_102 = arith.constant 0 : i32
        %dma_wait3A_103 = tpu.memref_slice %arg16[%add3A_76, %dma_wait3A_102] : memref<10000x128xf32, #tpu.memory_space<vmem_shared>> -> memref<40x128xf32, #tpu.memory_space<vmem_shared>>
        %dma_wait3A_104 = arith.constant 0 : i32
        %dma_wait3A_105 = arith.constant 0 : i32
        %dma_wait3A_106 = tpu.memref_slice %arg12[%dma_wait3A_104, %dma_wait3A_105] : memref<40x128xf32, #tpu.memory_space<vmem>> -> memref<40x128xf32, #tpu.memory_space<vmem>>
        tpu.wait_dma2 semaphore(%run_scoped3A : memref<!tpu.dma_semaphore, #tpu.memory_space<semaphore_mem>>) src(%dma_wait3A_106 : memref<40x128xf32, #tpu.memory_space<vmem>>) dst(%dma_wait3A_103 : memref<40x128xf32, #tpu.memory_space<vmem_shared>>)
        tpu.yield
      }) : () -> ()
      %mul3A_77 = arith.constant 640 : i32
      %mul3A_78 = arith.muli %arg1, %mul3A_77 : i32
      %add3A_79 = arith.constant 520 : i32
      %add3A_80 = arith.addi %mul3A_78, %add3A_79 : i32
      "tpu.region"() ({
        %run_scoped3A = tpu.sem_alloc : memref<!tpu.dma_semaphore, #tpu.memory_space<semaphore_mem>>
        %dma_start3A = arith.constant 0 : i32
        %dma_start3A_89 = arith.constant 0 : i32
        %dma_start3A_90 = tpu.memref_slice %arg12[%dma_start3A, %dma_start3A_89] : memref<40x128xf32, #tpu.memory_space<vmem>> -> memref<40x128xf32, #tpu.memory_space<vmem>>
        %dma_start3A_91 = arith.constant 0 : i32
        %dma_start3A_92 = tpu.memref_slice %arg16[%add3A_80, %dma_start3A_91] : memref<10000x128xf32, #tpu.memory_space<vmem_shared>> -> memref<40x128xf32, #tpu.memory_space<vmem_shared>>
        %dma_start3A_93 = arith.constant 0 : i32
        %dma_start3A_94 = tpu.memref_slice %arg16[%add3A_80, %dma_start3A_93] : memref<10000x128xf32, #tpu.memory_space<vmem_shared>> -> memref<40x128xf32, #tpu.memory_space<vmem_shared>>
        %dma_start3A_95 = arith.constant 0 : i32
        %dma_start3A_96 = arith.constant 0 : i32
        %dma_start3A_97 = tpu.memref_slice %arg12[%dma_start3A_95, %dma_start3A_96] : memref<40x128xf32, #tpu.memory_space<vmem>> -> memref<40x128xf32, #tpu.memory_space<vmem>>
        tpu.enqueue_dma source(%dma_start3A_97 : memref<40x128xf32, #tpu.memory_space<vmem>>) target(%dma_start3A_94 : memref<40x128xf32, #tpu.memory_space<vmem_shared>>) target_semaphore(%run_scoped3A : memref<!tpu.dma_semaphore, #tpu.memory_space<semaphore_mem>>)
        %dma_wait3A = arith.constant 0 : i32
        %dma_wait3A_98 = arith.constant 0 : i32
        %dma_wait3A_99 = tpu.memref_slice %arg12[%dma_wait3A, %dma_wait3A_98] : memref<40x128xf32, #tpu.memory_space<vmem>> -> memref<40x128xf32, #tpu.memory_space<vmem>>
        %dma_wait3A_100 = arith.constant 0 : i32
        %dma_wait3A_101 = tpu.memref_slice %arg16[%add3A_80, %dma_wait3A_100] : memref<10000x128xf32, #tpu.memory_space<vmem_shared>> -> memref<40x128xf32, #tpu.memory_space<vmem_shared>>
        %dma_wait3A_102 = arith.constant 0 : i32
        %dma_wait3A_103 = tpu.memref_slice %arg16[%add3A_80, %dma_wait3A_102] : memref<10000x128xf32, #tpu.memory_space<vmem_shared>> -> memref<40x128xf32, #tpu.memory_space<vmem_shared>>
        %dma_wait3A_104 = arith.constant 0 : i32
        %dma_wait3A_105 = arith.constant 0 : i32
        %dma_wait3A_106 = tpu.memref_slice %arg12[%dma_wait3A_104, %dma_wait3A_105] : memref<40x128xf32, #tpu.memory_space<vmem>> -> memref<40x128xf32, #tpu.memory_space<vmem>>
        tpu.wait_dma2 semaphore(%run_scoped3A : memref<!tpu.dma_semaphore, #tpu.memory_space<semaphore_mem>>) src(%dma_wait3A_106 : memref<40x128xf32, #tpu.memory_space<vmem>>) dst(%dma_wait3A_103 : memref<40x128xf32, #tpu.memory_space<vmem_shared>>)
        tpu.yield
      }) : () -> ()
      %mul3A_81 = arith.constant 640 : i32
      %mul3A_82 = arith.muli %arg1, %mul3A_81 : i32
      %add3A_83 = arith.constant 560 : i32
      %add3A_84 = arith.addi %mul3A_82, %add3A_83 : i32
      "tpu.region"() ({
        %run_scoped3A = tpu.sem_alloc : memref<!tpu.dma_semaphore, #tpu.memory_space<semaphore_mem>>
        %dma_start3A = arith.constant 0 : i32
        %dma_start3A_89 = arith.constant 0 : i32
        %dma_start3A_90 = tpu.memref_slice %arg12[%dma_start3A, %dma_start3A_89] : memref<40x128xf32, #tpu.memory_space<vmem>> -> memref<40x128xf32, #tpu.memory_space<vmem>>
        %dma_start3A_91 = arith.constant 0 : i32
        %dma_start3A_92 = tpu.memref_slice %arg16[%add3A_84, %dma_start3A_91] : memref<10000x128xf32, #tpu.memory_space<vmem_shared>> -> memref<40x128xf32, #tpu.memory_space<vmem_shared>>
        %dma_start3A_93 = arith.constant 0 : i32
        %dma_start3A_94 = tpu.memref_slice %arg16[%add3A_84, %dma_start3A_93] : memref<10000x128xf32, #tpu.memory_space<vmem_shared>> -> memref<40x128xf32, #tpu.memory_space<vmem_shared>>
        %dma_start3A_95 = arith.constant 0 : i32
        %dma_start3A_96 = arith.constant 0 : i32
        %dma_start3A_97 = tpu.memref_slice %arg12[%dma_start3A_95, %dma_start3A_96] : memref<40x128xf32, #tpu.memory_space<vmem>> -> memref<40x128xf32, #tpu.memory_space<vmem>>
        tpu.enqueue_dma source(%dma_start3A_97 : memref<40x128xf32, #tpu.memory_space<vmem>>) target(%dma_start3A_94 : memref<40x128xf32, #tpu.memory_space<vmem_shared>>) target_semaphore(%run_scoped3A : memref<!tpu.dma_semaphore, #tpu.memory_space<semaphore_mem>>)
        %dma_wait3A = arith.constant 0 : i32
        %dma_wait3A_98 = arith.constant 0 : i32
        %dma_wait3A_99 = tpu.memref_slice %arg12[%dma_wait3A, %dma_wait3A_98] : memref<40x128xf32, #tpu.memory_space<vmem>> -> memref<40x128xf32, #tpu.memory_space<vmem>>
        %dma_wait3A_100 = arith.constant 0 : i32
        %dma_wait3A_101 = tpu.memref_slice %arg16[%add3A_84, %dma_wait3A_100] : memref<10000x128xf32, #tpu.memory_space<vmem_shared>> -> memref<40x128xf32, #tpu.memory_space<vmem_shared>>
        %dma_wait3A_102 = arith.constant 0 : i32
        %dma_wait3A_103 = tpu.memref_slice %arg16[%add3A_84, %dma_wait3A_102] : memref<10000x128xf32, #tpu.memory_space<vmem_shared>> -> memref<40x128xf32, #tpu.memory_space<vmem_shared>>
        %dma_wait3A_104 = arith.constant 0 : i32
        %dma_wait3A_105 = arith.constant 0 : i32
        %dma_wait3A_106 = tpu.memref_slice %arg12[%dma_wait3A_104, %dma_wait3A_105] : memref<40x128xf32, #tpu.memory_space<vmem>> -> memref<40x128xf32, #tpu.memory_space<vmem>>
        tpu.wait_dma2 semaphore(%run_scoped3A : memref<!tpu.dma_semaphore, #tpu.memory_space<semaphore_mem>>) src(%dma_wait3A_106 : memref<40x128xf32, #tpu.memory_space<vmem>>) dst(%dma_wait3A_103 : memref<40x128xf32, #tpu.memory_space<vmem_shared>>)
        tpu.yield
      }) : () -> ()
      %mul3A_85 = arith.constant 640 : i32
      %mul3A_86 = arith.muli %arg1, %mul3A_85 : i32
      %add3A_87 = arith.constant 600 : i32
      %add3A_88 = arith.addi %mul3A_86, %add3A_87 : i32
      "tpu.region"() ({
        %run_scoped3A = tpu.sem_alloc : memref<!tpu.dma_semaphore, #tpu.memory_space<semaphore_mem>>
        %dma_start3A = arith.constant 0 : i32
        %dma_start3A_89 = arith.constant 0 : i32
        %dma_start3A_90 = tpu.memref_slice %arg12[%dma_start3A, %dma_start3A_89] : memref<40x128xf32, #tpu.memory_space<vmem>> -> memref<40x128xf32, #tpu.memory_space<vmem>>
        %dma_start3A_91 = arith.constant 0 : i32
        %dma_start3A_92 = tpu.memref_slice %arg16[%add3A_88, %dma_start3A_91] : memref<10000x128xf32, #tpu.memory_space<vmem_shared>> -> memref<40x128xf32, #tpu.memory_space<vmem_shared>>
        %dma_start3A_93 = arith.constant 0 : i32
        %dma_start3A_94 = tpu.memref_slice %arg16[%add3A_88, %dma_start3A_93] : memref<10000x128xf32, #tpu.memory_space<vmem_shared>> -> memref<40x128xf32, #tpu.memory_space<vmem_shared>>
        %dma_start3A_95 = arith.constant 0 : i32
        %dma_start3A_96 = arith.constant 0 : i32
        %dma_start3A_97 = tpu.memref_slice %arg12[%dma_start3A_95, %dma_start3A_96] : memref<40x128xf32, #tpu.memory_space<vmem>> -> memref<40x128xf32, #tpu.memory_space<vmem>>
        tpu.enqueue_dma source(%dma_start3A_97 : memref<40x128xf32, #tpu.memory_space<vmem>>) target(%dma_start3A_94 : memref<40x128xf32, #tpu.memory_space<vmem_shared>>) target_semaphore(%run_scoped3A : memref<!tpu.dma_semaphore, #tpu.memory_space<semaphore_mem>>)
        %dma_wait3A = arith.constant 0 : i32
        %dma_wait3A_98 = arith.constant 0 : i32
        %dma_wait3A_99 = tpu.memref_slice %arg12[%dma_wait3A, %dma_wait3A_98] : memref<40x128xf32, #tpu.memory_space<vmem>> -> memref<40x128xf32, #tpu.memory_space<vmem>>
        %dma_wait3A_100 = arith.constant 0 : i32
        %dma_wait3A_101 = tpu.memref_slice %arg16[%add3A_88, %dma_wait3A_100] : memref<10000x128xf32, #tpu.memory_space<vmem_shared>> -> memref<40x128xf32, #tpu.memory_space<vmem_shared>>
        %dma_wait3A_102 = arith.constant 0 : i32
        %dma_wait3A_103 = tpu.memref_slice %arg16[%add3A_88, %dma_wait3A_102] : memref<10000x128xf32, #tpu.memory_space<vmem_shared>> -> memref<40x128xf32, #tpu.memory_space<vmem_shared>>
        %dma_wait3A_104 = arith.constant 0 : i32
        %dma_wait3A_105 = arith.constant 0 : i32
        %dma_wait3A_106 = tpu.memref_slice %arg12[%dma_wait3A_104, %dma_wait3A_105] : memref<40x128xf32, #tpu.memory_space<vmem>> -> memref<40x128xf32, #tpu.memory_space<vmem>>
        tpu.wait_dma2 semaphore(%run_scoped3A : memref<!tpu.dma_semaphore, #tpu.memory_space<semaphore_mem>>) src(%dma_wait3A_106 : memref<40x128xf32, #tpu.memory_space<vmem>>) dst(%dma_wait3A_103 : memref<40x128xf32, #tpu.memory_space<vmem_shared>>)
        tpu.yield
      }) : () -> ()
    } else {
    }
    %eq3A = arith.constant 15 : i32
    %eq3A_5 = arith.cmpi eq, %arg1, %eq3A : i32
    %convert_element_type3A_6 = arith.extui %eq3A_5 : i1 to i32
    %cond3A_7 = arith.constant 0 : i32
    %cond3A_8 = arith.cmpi ne, %convert_element_type3A_6, %cond3A_7 : i32
    scf.if %cond3A_8 {
      "tpu.region"() ({
        %run_scoped3A = tpu.sem_alloc : memref<!tpu.dma_semaphore, #tpu.memory_space<semaphore_mem>>
        %dma_start3A = arith.constant 0 : i32
        %dma_start3A_25 = arith.constant 0 : i32
        %dma_start3A_26 = tpu.memref_slice %arg12[%dma_start3A, %dma_start3A_25] : memref<40x128xf32, #tpu.memory_space<vmem>> -> memref<40x128xf32, #tpu.memory_space<vmem>>
        %dma_start3A_27 = arith.constant 9600 : i32
        %dma_start3A_28 = arith.constant 0 : i32
        %dma_start3A_29 = tpu.memref_slice %arg16[%dma_start3A_27, %dma_start3A_28] : memref<10000x128xf32, #tpu.memory_space<vmem_shared>> -> memref<40x128xf32, #tpu.memory_space<vmem_shared>>
        %dma_start3A_30 = arith.constant 9600 : i32
        %dma_start3A_31 = arith.constant 0 : i32
        %dma_start3A_32 = tpu.memref_slice %arg16[%dma_start3A_30, %dma_start3A_31] : memref<10000x128xf32, #tpu.memory_space<vmem_shared>> -> memref<40x128xf32, #tpu.memory_space<vmem_shared>>
        %dma_start3A_33 = arith.constant 0 : i32
        %dma_start3A_34 = arith.constant 0 : i32
        %dma_start3A_35 = tpu.memref_slice %arg12[%dma_start3A_33, %dma_start3A_34] : memref<40x128xf32, #tpu.memory_space<vmem>> -> memref<40x128xf32, #tpu.memory_space<vmem>>
        tpu.enqueue_dma source(%dma_start3A_35 : memref<40x128xf32, #tpu.memory_space<vmem>>) target(%dma_start3A_32 : memref<40x128xf32, #tpu.memory_space<vmem_shared>>) target_semaphore(%run_scoped3A : memref<!tpu.dma_semaphore, #tpu.memory_space<semaphore_mem>>)
        %dma_wait3A = arith.constant 0 : i32
        %dma_wait3A_36 = arith.constant 0 : i32
        %dma_wait3A_37 = tpu.memref_slice %arg12[%dma_wait3A, %dma_wait3A_36] : memref<40x128xf32, #tpu.memory_space<vmem>> -> memref<40x128xf32, #tpu.memory_space<vmem>>
        %dma_wait3A_38 = arith.constant 9600 : i32
        %dma_wait3A_39 = arith.constant 0 : i32
        %dma_wait3A_40 = tpu.memref_slice %arg16[%dma_wait3A_38, %dma_wait3A_39] : memref<10000x128xf32, #tpu.memory_space<vmem_shared>> -> memref<40x128xf32, #tpu.memory_space<vmem_shared>>
        %dma_wait3A_41 = arith.constant 9600 : i32
        %dma_wait3A_42 = arith.constant 0 : i32
        %dma_wait3A_43 = tpu.memref_slice %arg16[%dma_wait3A_41, %dma_wait3A_42] : memref<10000x128xf32, #tpu.memory_space<vmem_shared>> -> memref<40x128xf32, #tpu.memory_space<vmem_shared>>
        %dma_wait3A_44 = arith.constant 0 : i32
        %dma_wait3A_45 = arith.constant 0 : i32
        %dma_wait3A_46 = tpu.memref_slice %arg12[%dma_wait3A_44, %dma_wait3A_45] : memref<40x128xf32, #tpu.memory_space<vmem>> -> memref<40x128xf32, #tpu.memory_space<vmem>>
        tpu.wait_dma2 semaphore(%run_scoped3A : memref<!tpu.dma_semaphore, #tpu.memory_space<semaphore_mem>>) src(%dma_wait3A_46 : memref<40x128xf32, #tpu.memory_space<vmem>>) dst(%dma_wait3A_43 : memref<40x128xf32, #tpu.memory_space<vmem_shared>>)
        tpu.yield
      }) : () -> ()
      "tpu.region"() ({
        %run_scoped3A = tpu.sem_alloc : memref<!tpu.dma_semaphore, #tpu.memory_space<semaphore_mem>>
        %dma_start3A = arith.constant 0 : i32
        %dma_start3A_25 = arith.constant 0 : i32
        %dma_start3A_26 = tpu.memref_slice %arg12[%dma_start3A, %dma_start3A_25] : memref<40x128xf32, #tpu.memory_space<vmem>> -> memref<40x128xf32, #tpu.memory_space<vmem>>
        %dma_start3A_27 = arith.constant 9640 : i32
        %dma_start3A_28 = arith.constant 0 : i32
        %dma_start3A_29 = tpu.memref_slice %arg16[%dma_start3A_27, %dma_start3A_28] : memref<10000x128xf32, #tpu.memory_space<vmem_shared>> -> memref<40x128xf32, #tpu.memory_space<vmem_shared>>
        %dma_start3A_30 = arith.constant 9640 : i32
        %dma_start3A_31 = arith.constant 0 : i32
        %dma_start3A_32 = tpu.memref_slice %arg16[%dma_start3A_30, %dma_start3A_31] : memref<10000x128xf32, #tpu.memory_space<vmem_shared>> -> memref<40x128xf32, #tpu.memory_space<vmem_shared>>
        %dma_start3A_33 = arith.constant 0 : i32
        %dma_start3A_34 = arith.constant 0 : i32
        %dma_start3A_35 = tpu.memref_slice %arg12[%dma_start3A_33, %dma_start3A_34] : memref<40x128xf32, #tpu.memory_space<vmem>> -> memref<40x128xf32, #tpu.memory_space<vmem>>
        tpu.enqueue_dma source(%dma_start3A_35 : memref<40x128xf32, #tpu.memory_space<vmem>>) target(%dma_start3A_32 : memref<40x128xf32, #tpu.memory_space<vmem_shared>>) target_semaphore(%run_scoped3A : memref<!tpu.dma_semaphore, #tpu.memory_space<semaphore_mem>>)
        %dma_wait3A = arith.constant 0 : i32
        %dma_wait3A_36 = arith.constant 0 : i32
        %dma_wait3A_37 = tpu.memref_slice %arg12[%dma_wait3A, %dma_wait3A_36] : memref<40x128xf32, #tpu.memory_space<vmem>> -> memref<40x128xf32, #tpu.memory_space<vmem>>
        %dma_wait3A_38 = arith.constant 9640 : i32
        %dma_wait3A_39 = arith.constant 0 : i32
        %dma_wait3A_40 = tpu.memref_slice %arg16[%dma_wait3A_38, %dma_wait3A_39] : memref<10000x128xf32, #tpu.memory_space<vmem_shared>> -> memref<40x128xf32, #tpu.memory_space<vmem_shared>>
        %dma_wait3A_41 = arith.constant 9640 : i32
        %dma_wait3A_42 = arith.constant 0 : i32
        %dma_wait3A_43 = tpu.memref_slice %arg16[%dma_wait3A_41, %dma_wait3A_42] : memref<10000x128xf32, #tpu.memory_space<vmem_shared>> -> memref<40x128xf32, #tpu.memory_space<vmem_shared>>
        %dma_wait3A_44 = arith.constant 0 : i32
        %dma_wait3A_45 = arith.constant 0 : i32
        %dma_wait3A_46 = tpu.memref_slice %arg12[%dma_wait3A_44, %dma_wait3A_45] : memref<40x128xf32, #tpu.memory_space<vmem>> -> memref<40x128xf32, #tpu.memory_space<vmem>>
        tpu.wait_dma2 semaphore(%run_scoped3A : memref<!tpu.dma_semaphore, #tpu.memory_space<semaphore_mem>>) src(%dma_wait3A_46 : memref<40x128xf32, #tpu.memory_space<vmem>>) dst(%dma_wait3A_43 : memref<40x128xf32, #tpu.memory_space<vmem_shared>>)
        tpu.yield
      }) : () -> ()
      "tpu.region"() ({
        %run_scoped3A = tpu.sem_alloc : memref<!tpu.dma_semaphore, #tpu.memory_space<semaphore_mem>>
        %dma_start3A = arith.constant 0 : i32
        %dma_start3A_25 = arith.constant 0 : i32
        %dma_start3A_26 = tpu.memref_slice %arg12[%dma_start3A, %dma_start3A_25] : memref<40x128xf32, #tpu.memory_space<vmem>> -> memref<40x128xf32, #tpu.memory_space<vmem>>
        %dma_start3A_27 = arith.constant 9680 : i32
        %dma_start3A_28 = arith.constant 0 : i32
        %dma_start3A_29 = tpu.memref_slice %arg16[%dma_start3A_27, %dma_start3A_28] : memref<10000x128xf32, #tpu.memory_space<vmem_shared>> -> memref<40x128xf32, #tpu.memory_space<vmem_shared>>
        %dma_start3A_30 = arith.constant 9680 : i32
        %dma_start3A_31 = arith.constant 0 : i32
        %dma_start3A_32 = tpu.memref_slice %arg16[%dma_start3A_30, %dma_start3A_31] : memref<10000x128xf32, #tpu.memory_space<vmem_shared>> -> memref<40x128xf32, #tpu.memory_space<vmem_shared>>
        %dma_start3A_33 = arith.constant 0 : i32
        %dma_start3A_34 = arith.constant 0 : i32
        %dma_start3A_35 = tpu.memref_slice %arg12[%dma_start3A_33, %dma_start3A_34] : memref<40x128xf32, #tpu.memory_space<vmem>> -> memref<40x128xf32, #tpu.memory_space<vmem>>
        tpu.enqueue_dma source(%dma_start3A_35 : memref<40x128xf32, #tpu.memory_space<vmem>>) target(%dma_start3A_32 : memref<40x128xf32, #tpu.memory_space<vmem_shared>>) target_semaphore(%run_scoped3A : memref<!tpu.dma_semaphore, #tpu.memory_space<semaphore_mem>>)
        %dma_wait3A = arith.constant 0 : i32
        %dma_wait3A_36 = arith.constant 0 : i32
        %dma_wait3A_37 = tpu.memref_slice %arg12[%dma_wait3A, %dma_wait3A_36] : memref<40x128xf32, #tpu.memory_space<vmem>> -> memref<40x128xf32, #tpu.memory_space<vmem>>
        %dma_wait3A_38 = arith.constant 9680 : i32
        %dma_wait3A_39 = arith.constant 0 : i32
        %dma_wait3A_40 = tpu.memref_slice %arg16[%dma_wait3A_38, %dma_wait3A_39] : memref<10000x128xf32, #tpu.memory_space<vmem_shared>> -> memref<40x128xf32, #tpu.memory_space<vmem_shared>>
        %dma_wait3A_41 = arith.constant 9680 : i32
        %dma_wait3A_42 = arith.constant 0 : i32
        %dma_wait3A_43 = tpu.memref_slice %arg16[%dma_wait3A_41, %dma_wait3A_42] : memref<10000x128xf32, #tpu.memory_space<vmem_shared>> -> memref<40x128xf32, #tpu.memory_space<vmem_shared>>
        %dma_wait3A_44 = arith.constant 0 : i32
        %dma_wait3A_45 = arith.constant 0 : i32
        %dma_wait3A_46 = tpu.memref_slice %arg12[%dma_wait3A_44, %dma_wait3A_45] : memref<40x128xf32, #tpu.memory_space<vmem>> -> memref<40x128xf32, #tpu.memory_space<vmem>>
        tpu.wait_dma2 semaphore(%run_scoped3A : memref<!tpu.dma_semaphore, #tpu.memory_space<semaphore_mem>>) src(%dma_wait3A_46 : memref<40x128xf32, #tpu.memory_space<vmem>>) dst(%dma_wait3A_43 : memref<40x128xf32, #tpu.memory_space<vmem_shared>>)
        tpu.yield
      }) : () -> ()
      "tpu.region"() ({
        %run_scoped3A = tpu.sem_alloc : memref<!tpu.dma_semaphore, #tpu.memory_space<semaphore_mem>>
        %dma_start3A = arith.constant 0 : i32
        %dma_start3A_25 = arith.constant 0 : i32
        %dma_start3A_26 = tpu.memref_slice %arg12[%dma_start3A, %dma_start3A_25] : memref<40x128xf32, #tpu.memory_space<vmem>> -> memref<40x128xf32, #tpu.memory_space<vmem>>
        %dma_start3A_27 = arith.constant 9720 : i32
        %dma_start3A_28 = arith.constant 0 : i32
        %dma_start3A_29 = tpu.memref_slice %arg16[%dma_start3A_27, %dma_start3A_28] : memref<10000x128xf32, #tpu.memory_space<vmem_shared>> -> memref<40x128xf32, #tpu.memory_space<vmem_shared>>
        %dma_start3A_30 = arith.constant 9720 : i32
        %dma_start3A_31 = arith.constant 0 : i32
        %dma_start3A_32 = tpu.memref_slice %arg16[%dma_start3A_30, %dma_start3A_31] : memref<10000x128xf32, #tpu.memory_space<vmem_shared>> -> memref<40x128xf32, #tpu.memory_space<vmem_shared>>
        %dma_start3A_33 = arith.constant 0 : i32
        %dma_start3A_34 = arith.constant 0 : i32
        %dma_start3A_35 = tpu.memref_slice %arg12[%dma_start3A_33, %dma_start3A_34] : memref<40x128xf32, #tpu.memory_space<vmem>> -> memref<40x128xf32, #tpu.memory_space<vmem>>
        tpu.enqueue_dma source(%dma_start3A_35 : memref<40x128xf32, #tpu.memory_space<vmem>>) target(%dma_start3A_32 : memref<40x128xf32, #tpu.memory_space<vmem_shared>>) target_semaphore(%run_scoped3A : memref<!tpu.dma_semaphore, #tpu.memory_space<semaphore_mem>>)
        %dma_wait3A = arith.constant 0 : i32
        %dma_wait3A_36 = arith.constant 0 : i32
        %dma_wait3A_37 = tpu.memref_slice %arg12[%dma_wait3A, %dma_wait3A_36] : memref<40x128xf32, #tpu.memory_space<vmem>> -> memref<40x128xf32, #tpu.memory_space<vmem>>
        %dma_wait3A_38 = arith.constant 9720 : i32
        %dma_wait3A_39 = arith.constant 0 : i32
        %dma_wait3A_40 = tpu.memref_slice %arg16[%dma_wait3A_38, %dma_wait3A_39] : memref<10000x128xf32, #tpu.memory_space<vmem_shared>> -> memref<40x128xf32, #tpu.memory_space<vmem_shared>>
        %dma_wait3A_41 = arith.constant 9720 : i32
        %dma_wait3A_42 = arith.constant 0 : i32
        %dma_wait3A_43 = tpu.memref_slice %arg16[%dma_wait3A_41, %dma_wait3A_42] : memref<10000x128xf32, #tpu.memory_space<vmem_shared>> -> memref<40x128xf32, #tpu.memory_space<vmem_shared>>
        %dma_wait3A_44 = arith.constant 0 : i32
        %dma_wait3A_45 = arith.constant 0 : i32
        %dma_wait3A_46 = tpu.memref_slice %arg12[%dma_wait3A_44, %dma_wait3A_45] : memref<40x128xf32, #tpu.memory_space<vmem>> -> memref<40x128xf32, #tpu.memory_space<vmem>>
        tpu.wait_dma2 semaphore(%run_scoped3A : memref<!tpu.dma_semaphore, #tpu.memory_space<semaphore_mem>>) src(%dma_wait3A_46 : memref<40x128xf32, #tpu.memory_space<vmem>>) dst(%dma_wait3A_43 : memref<40x128xf32, #tpu.memory_space<vmem_shared>>)
        tpu.yield
      }) : () -> ()
      "tpu.region"() ({
        %run_scoped3A = tpu.sem_alloc : memref<!tpu.dma_semaphore, #tpu.memory_space<semaphore_mem>>
        %dma_start3A = arith.constant 0 : i32
        %dma_start3A_25 = arith.constant 0 : i32
        %dma_start3A_26 = tpu.memref_slice %arg12[%dma_start3A, %dma_start3A_25] : memref<40x128xf32, #tpu.memory_space<vmem>> -> memref<40x128xf32, #tpu.memory_space<vmem>>
        %dma_start3A_27 = arith.constant 9760 : i32
        %dma_start3A_28 = arith.constant 0 : i32
        %dma_start3A_29 = tpu.memref_slice %arg16[%dma_start3A_27, %dma_start3A_28] : memref<10000x128xf32, #tpu.memory_space<vmem_shared>> -> memref<40x128xf32, #tpu.memory_space<vmem_shared>>
        %dma_start3A_30 = arith.constant 9760 : i32
        %dma_start3A_31 = arith.constant 0 : i32
        %dma_start3A_32 = tpu.memref_slice %arg16[%dma_start3A_30, %dma_start3A_31] : memref<10000x128xf32, #tpu.memory_space<vmem_shared>> -> memref<40x128xf32, #tpu.memory_space<vmem_shared>>
        %dma_start3A_33 = arith.constant 0 : i32
        %dma_start3A_34 = arith.constant 0 : i32
        %dma_start3A_35 = tpu.memref_slice %arg12[%dma_start3A_33, %dma_start3A_34] : memref<40x128xf32, #tpu.memory_space<vmem>> -> memref<40x128xf32, #tpu.memory_space<vmem>>
        tpu.enqueue_dma source(%dma_start3A_35 : memref<40x128xf32, #tpu.memory_space<vmem>>) target(%dma_start3A_32 : memref<40x128xf32, #tpu.memory_space<vmem_shared>>) target_semaphore(%run_scoped3A : memref<!tpu.dma_semaphore, #tpu.memory_space<semaphore_mem>>)
        %dma_wait3A = arith.constant 0 : i32
        %dma_wait3A_36 = arith.constant 0 : i32
        %dma_wait3A_37 = tpu.memref_slice %arg12[%dma_wait3A, %dma_wait3A_36] : memref<40x128xf32, #tpu.memory_space<vmem>> -> memref<40x128xf32, #tpu.memory_space<vmem>>
        %dma_wait3A_38 = arith.constant 9760 : i32
        %dma_wait3A_39 = arith.constant 0 : i32
        %dma_wait3A_40 = tpu.memref_slice %arg16[%dma_wait3A_38, %dma_wait3A_39] : memref<10000x128xf32, #tpu.memory_space<vmem_shared>> -> memref<40x128xf32, #tpu.memory_space<vmem_shared>>
        %dma_wait3A_41 = arith.constant 9760 : i32
        %dma_wait3A_42 = arith.constant 0 : i32
        %dma_wait3A_43 = tpu.memref_slice %arg16[%dma_wait3A_41, %dma_wait3A_42] : memref<10000x128xf32, #tpu.memory_space<vmem_shared>> -> memref<40x128xf32, #tpu.memory_space<vmem_shared>>
        %dma_wait3A_44 = arith.constant 0 : i32
        %dma_wait3A_45 = arith.constant 0 : i32
        %dma_wait3A_46 = tpu.memref_slice %arg12[%dma_wait3A_44, %dma_wait3A_45] : memref<40x128xf32, #tpu.memory_space<vmem>> -> memref<40x128xf32, #tpu.memory_space<vmem>>
        tpu.wait_dma2 semaphore(%run_scoped3A : memref<!tpu.dma_semaphore, #tpu.memory_space<semaphore_mem>>) src(%dma_wait3A_46 : memref<40x128xf32, #tpu.memory_space<vmem>>) dst(%dma_wait3A_43 : memref<40x128xf32, #tpu.memory_space<vmem_shared>>)
        tpu.yield
      }) : () -> ()
      "tpu.region"() ({
        %run_scoped3A = tpu.sem_alloc : memref<!tpu.dma_semaphore, #tpu.memory_space<semaphore_mem>>
        %dma_start3A = arith.constant 0 : i32
        %dma_start3A_25 = arith.constant 0 : i32
        %dma_start3A_26 = tpu.memref_slice %arg12[%dma_start3A, %dma_start3A_25] : memref<40x128xf32, #tpu.memory_space<vmem>> -> memref<40x128xf32, #tpu.memory_space<vmem>>
        %dma_start3A_27 = arith.constant 9800 : i32
        %dma_start3A_28 = arith.constant 0 : i32
        %dma_start3A_29 = tpu.memref_slice %arg16[%dma_start3A_27, %dma_start3A_28] : memref<10000x128xf32, #tpu.memory_space<vmem_shared>> -> memref<40x128xf32, #tpu.memory_space<vmem_shared>>
        %dma_start3A_30 = arith.constant 9800 : i32
        %dma_start3A_31 = arith.constant 0 : i32
        %dma_start3A_32 = tpu.memref_slice %arg16[%dma_start3A_30, %dma_start3A_31] : memref<10000x128xf32, #tpu.memory_space<vmem_shared>> -> memref<40x128xf32, #tpu.memory_space<vmem_shared>>
        %dma_start3A_33 = arith.constant 0 : i32
        %dma_start3A_34 = arith.constant 0 : i32
        %dma_start3A_35 = tpu.memref_slice %arg12[%dma_start3A_33, %dma_start3A_34] : memref<40x128xf32, #tpu.memory_space<vmem>> -> memref<40x128xf32, #tpu.memory_space<vmem>>
        tpu.enqueue_dma source(%dma_start3A_35 : memref<40x128xf32, #tpu.memory_space<vmem>>) target(%dma_start3A_32 : memref<40x128xf32, #tpu.memory_space<vmem_shared>>) target_semaphore(%run_scoped3A : memref<!tpu.dma_semaphore, #tpu.memory_space<semaphore_mem>>)
        %dma_wait3A = arith.constant 0 : i32
        %dma_wait3A_36 = arith.constant 0 : i32
        %dma_wait3A_37 = tpu.memref_slice %arg12[%dma_wait3A, %dma_wait3A_36] : memref<40x128xf32, #tpu.memory_space<vmem>> -> memref<40x128xf32, #tpu.memory_space<vmem>>
        %dma_wait3A_38 = arith.constant 9800 : i32
        %dma_wait3A_39 = arith.constant 0 : i32
        %dma_wait3A_40 = tpu.memref_slice %arg16[%dma_wait3A_38, %dma_wait3A_39] : memref<10000x128xf32, #tpu.memory_space<vmem_shared>> -> memref<40x128xf32, #tpu.memory_space<vmem_shared>>
        %dma_wait3A_41 = arith.constant 9800 : i32
        %dma_wait3A_42 = arith.constant 0 : i32
        %dma_wait3A_43 = tpu.memref_slice %arg16[%dma_wait3A_41, %dma_wait3A_42] : memref<10000x128xf32, #tpu.memory_space<vmem_shared>> -> memref<40x128xf32, #tpu.memory_space<vmem_shared>>
        %dma_wait3A_44 = arith.constant 0 : i32
        %dma_wait3A_45 = arith.constant 0 : i32
        %dma_wait3A_46 = tpu.memref_slice %arg12[%dma_wait3A_44, %dma_wait3A_45] : memref<40x128xf32, #tpu.memory_space<vmem>> -> memref<40x128xf32, #tpu.memory_space<vmem>>
        tpu.wait_dma2 semaphore(%run_scoped3A : memref<!tpu.dma_semaphore, #tpu.memory_space<semaphore_mem>>) src(%dma_wait3A_46 : memref<40x128xf32, #tpu.memory_space<vmem>>) dst(%dma_wait3A_43 : memref<40x128xf32, #tpu.memory_space<vmem_shared>>)
        tpu.yield
      }) : () -> ()
      "tpu.region"() ({
        %run_scoped3A = tpu.sem_alloc : memref<!tpu.dma_semaphore, #tpu.memory_space<semaphore_mem>>
        %dma_start3A = arith.constant 0 : i32
        %dma_start3A_25 = arith.constant 0 : i32
        %dma_start3A_26 = tpu.memref_slice %arg12[%dma_start3A, %dma_start3A_25] : memref<40x128xf32, #tpu.memory_space<vmem>> -> memref<40x128xf32, #tpu.memory_space<vmem>>
        %dma_start3A_27 = arith.constant 9840 : i32
        %dma_start3A_28 = arith.constant 0 : i32
        %dma_start3A_29 = tpu.memref_slice %arg16[%dma_start3A_27, %dma_start3A_28] : memref<10000x128xf32, #tpu.memory_space<vmem_shared>> -> memref<40x128xf32, #tpu.memory_space<vmem_shared>>
        %dma_start3A_30 = arith.constant 9840 : i32
        %dma_start3A_31 = arith.constant 0 : i32
        %dma_start3A_32 = tpu.memref_slice %arg16[%dma_start3A_30, %dma_start3A_31] : memref<10000x128xf32, #tpu.memory_space<vmem_shared>> -> memref<40x128xf32, #tpu.memory_space<vmem_shared>>
        %dma_start3A_33 = arith.constant 0 : i32
        %dma_start3A_34 = arith.constant 0 : i32
        %dma_start3A_35 = tpu.memref_slice %arg12[%dma_start3A_33, %dma_start3A_34] : memref<40x128xf32, #tpu.memory_space<vmem>> -> memref<40x128xf32, #tpu.memory_space<vmem>>
        tpu.enqueue_dma source(%dma_start3A_35 : memref<40x128xf32, #tpu.memory_space<vmem>>) target(%dma_start3A_32 : memref<40x128xf32, #tpu.memory_space<vmem_shared>>) target_semaphore(%run_scoped3A : memref<!tpu.dma_semaphore, #tpu.memory_space<semaphore_mem>>)
        %dma_wait3A = arith.constant 0 : i32
        %dma_wait3A_36 = arith.constant 0 : i32
        %dma_wait3A_37 = tpu.memref_slice %arg12[%dma_wait3A, %dma_wait3A_36] : memref<40x128xf32, #tpu.memory_space<vmem>> -> memref<40x128xf32, #tpu.memory_space<vmem>>
        %dma_wait3A_38 = arith.constant 9840 : i32
        %dma_wait3A_39 = arith.constant 0 : i32
        %dma_wait3A_40 = tpu.memref_slice %arg16[%dma_wait3A_38, %dma_wait3A_39] : memref<10000x128xf32, #tpu.memory_space<vmem_shared>> -> memref<40x128xf32, #tpu.memory_space<vmem_shared>>
        %dma_wait3A_41 = arith.constant 9840 : i32
        %dma_wait3A_42 = arith.constant 0 : i32
        %dma_wait3A_43 = tpu.memref_slice %arg16[%dma_wait3A_41, %dma_wait3A_42] : memref<10000x128xf32, #tpu.memory_space<vmem_shared>> -> memref<40x128xf32, #tpu.memory_space<vmem_shared>>
        %dma_wait3A_44 = arith.constant 0 : i32
        %dma_wait3A_45 = arith.constant 0 : i32
        %dma_wait3A_46 = tpu.memref_slice %arg12[%dma_wait3A_44, %dma_wait3A_45] : memref<40x128xf32, #tpu.memory_space<vmem>> -> memref<40x128xf32, #tpu.memory_space<vmem>>
        tpu.wait_dma2 semaphore(%run_scoped3A : memref<!tpu.dma_semaphore, #tpu.memory_space<semaphore_mem>>) src(%dma_wait3A_46 : memref<40x128xf32, #tpu.memory_space<vmem>>) dst(%dma_wait3A_43 : memref<40x128xf32, #tpu.memory_space<vmem_shared>>)
        tpu.yield
      }) : () -> ()
      "tpu.region"() ({
        %run_scoped3A = tpu.sem_alloc : memref<!tpu.dma_semaphore, #tpu.memory_space<semaphore_mem>>
        %dma_start3A = arith.constant 0 : i32
        %dma_start3A_25 = arith.constant 0 : i32
        %dma_start3A_26 = tpu.memref_slice %arg12[%dma_start3A, %dma_start3A_25] : memref<40x128xf32, #tpu.memory_space<vmem>> -> memref<40x128xf32, #tpu.memory_space<vmem>>
        %dma_start3A_27 = arith.constant 9880 : i32
        %dma_start3A_28 = arith.constant 0 : i32
        %dma_start3A_29 = tpu.memref_slice %arg16[%dma_start3A_27, %dma_start3A_28] : memref<10000x128xf32, #tpu.memory_space<vmem_shared>> -> memref<40x128xf32, #tpu.memory_space<vmem_shared>>
        %dma_start3A_30 = arith.constant 9880 : i32
        %dma_start3A_31 = arith.constant 0 : i32
        %dma_start3A_32 = tpu.memref_slice %arg16[%dma_start3A_30, %dma_start3A_31] : memref<10000x128xf32, #tpu.memory_space<vmem_shared>> -> memref<40x128xf32, #tpu.memory_space<vmem_shared>>
        %dma_start3A_33 = arith.constant 0 : i32
        %dma_start3A_34 = arith.constant 0 : i32
        %dma_start3A_35 = tpu.memref_slice %arg12[%dma_start3A_33, %dma_start3A_34] : memref<40x128xf32, #tpu.memory_space<vmem>> -> memref<40x128xf32, #tpu.memory_space<vmem>>
        tpu.enqueue_dma source(%dma_start3A_35 : memref<40x128xf32, #tpu.memory_space<vmem>>) target(%dma_start3A_32 : memref<40x128xf32, #tpu.memory_space<vmem_shared>>) target_semaphore(%run_scoped3A : memref<!tpu.dma_semaphore, #tpu.memory_space<semaphore_mem>>)
        %dma_wait3A = arith.constant 0 : i32
        %dma_wait3A_36 = arith.constant 0 : i32
        %dma_wait3A_37 = tpu.memref_slice %arg12[%dma_wait3A, %dma_wait3A_36] : memref<40x128xf32, #tpu.memory_space<vmem>> -> memref<40x128xf32, #tpu.memory_space<vmem>>
        %dma_wait3A_38 = arith.constant 9880 : i32
        %dma_wait3A_39 = arith.constant 0 : i32
        %dma_wait3A_40 = tpu.memref_slice %arg16[%dma_wait3A_38, %dma_wait3A_39] : memref<10000x128xf32, #tpu.memory_space<vmem_shared>> -> memref<40x128xf32, #tpu.memory_space<vmem_shared>>
        %dma_wait3A_41 = arith.constant 9880 : i32
        %dma_wait3A_42 = arith.constant 0 : i32
        %dma_wait3A_43 = tpu.memref_slice %arg16[%dma_wait3A_41, %dma_wait3A_42] : memref<10000x128xf32, #tpu.memory_space<vmem_shared>> -> memref<40x128xf32, #tpu.memory_space<vmem_shared>>
        %dma_wait3A_44 = arith.constant 0 : i32
        %dma_wait3A_45 = arith.constant 0 : i32
        %dma_wait3A_46 = tpu.memref_slice %arg12[%dma_wait3A_44, %dma_wait3A_45] : memref<40x128xf32, #tpu.memory_space<vmem>> -> memref<40x128xf32, #tpu.memory_space<vmem>>
        tpu.wait_dma2 semaphore(%run_scoped3A : memref<!tpu.dma_semaphore, #tpu.memory_space<semaphore_mem>>) src(%dma_wait3A_46 : memref<40x128xf32, #tpu.memory_space<vmem>>) dst(%dma_wait3A_43 : memref<40x128xf32, #tpu.memory_space<vmem_shared>>)
        tpu.yield
      }) : () -> ()
      "tpu.region"() ({
        %run_scoped3A = tpu.sem_alloc : memref<!tpu.dma_semaphore, #tpu.memory_space<semaphore_mem>>
        %dma_start3A = arith.constant 0 : i32
        %dma_start3A_25 = arith.constant 0 : i32
        %dma_start3A_26 = tpu.memref_slice %arg12[%dma_start3A, %dma_start3A_25] : memref<40x128xf32, #tpu.memory_space<vmem>> -> memref<40x128xf32, #tpu.memory_space<vmem>>
        %dma_start3A_27 = arith.constant 9920 : i32
        %dma_start3A_28 = arith.constant 0 : i32
        %dma_start3A_29 = tpu.memref_slice %arg16[%dma_start3A_27, %dma_start3A_28] : memref<10000x128xf32, #tpu.memory_space<vmem_shared>> -> memref<40x128xf32, #tpu.memory_space<vmem_shared>>
        %dma_start3A_30 = arith.constant 9920 : i32
        %dma_start3A_31 = arith.constant 0 : i32
        %dma_start3A_32 = tpu.memref_slice %arg16[%dma_start3A_30, %dma_start3A_31] : memref<10000x128xf32, #tpu.memory_space<vmem_shared>> -> memref<40x128xf32, #tpu.memory_space<vmem_shared>>
        %dma_start3A_33 = arith.constant 0 : i32
        %dma_start3A_34 = arith.constant 0 : i32
        %dma_start3A_35 = tpu.memref_slice %arg12[%dma_start3A_33, %dma_start3A_34] : memref<40x128xf32, #tpu.memory_space<vmem>> -> memref<40x128xf32, #tpu.memory_space<vmem>>
        tpu.enqueue_dma source(%dma_start3A_35 : memref<40x128xf32, #tpu.memory_space<vmem>>) target(%dma_start3A_32 : memref<40x128xf32, #tpu.memory_space<vmem_shared>>) target_semaphore(%run_scoped3A : memref<!tpu.dma_semaphore, #tpu.memory_space<semaphore_mem>>)
        %dma_wait3A = arith.constant 0 : i32
        %dma_wait3A_36 = arith.constant 0 : i32
        %dma_wait3A_37 = tpu.memref_slice %arg12[%dma_wait3A, %dma_wait3A_36] : memref<40x128xf32, #tpu.memory_space<vmem>> -> memref<40x128xf32, #tpu.memory_space<vmem>>
        %dma_wait3A_38 = arith.constant 9920 : i32
        %dma_wait3A_39 = arith.constant 0 : i32
        %dma_wait3A_40 = tpu.memref_slice %arg16[%dma_wait3A_38, %dma_wait3A_39] : memref<10000x128xf32, #tpu.memory_space<vmem_shared>> -> memref<40x128xf32, #tpu.memory_space<vmem_shared>>
        %dma_wait3A_41 = arith.constant 9920 : i32
        %dma_wait3A_42 = arith.constant 0 : i32
        %dma_wait3A_43 = tpu.memref_slice %arg16[%dma_wait3A_41, %dma_wait3A_42] : memref<10000x128xf32, #tpu.memory_space<vmem_shared>> -> memref<40x128xf32, #tpu.memory_space<vmem_shared>>
        %dma_wait3A_44 = arith.constant 0 : i32
        %dma_wait3A_45 = arith.constant 0 : i32
        %dma_wait3A_46 = tpu.memref_slice %arg12[%dma_wait3A_44, %dma_wait3A_45] : memref<40x128xf32, #tpu.memory_space<vmem>> -> memref<40x128xf32, #tpu.memory_space<vmem>>
        tpu.wait_dma2 semaphore(%run_scoped3A : memref<!tpu.dma_semaphore, #tpu.memory_space<semaphore_mem>>) src(%dma_wait3A_46 : memref<40x128xf32, #tpu.memory_space<vmem>>) dst(%dma_wait3A_43 : memref<40x128xf32, #tpu.memory_space<vmem_shared>>)
        tpu.yield
      }) : () -> ()
      "tpu.region"() ({
        %run_scoped3A = tpu.sem_alloc : memref<!tpu.dma_semaphore, #tpu.memory_space<semaphore_mem>>
        %dma_start3A = arith.constant 0 : i32
        %dma_start3A_25 = arith.constant 0 : i32
        %dma_start3A_26 = tpu.memref_slice %arg12[%dma_start3A, %dma_start3A_25] : memref<40x128xf32, #tpu.memory_space<vmem>> -> memref<40x128xf32, #tpu.memory_space<vmem>>
        %dma_start3A_27 = arith.constant 9960 : i32
        %dma_start3A_28 = arith.constant 0 : i32
        %dma_start3A_29 = tpu.memref_slice %arg16[%dma_start3A_27, %dma_start3A_28] : memref<10000x128xf32, #tpu.memory_space<vmem_shared>> -> memref<40x128xf32, #tpu.memory_space<vmem_shared>>
        %dma_start3A_30 = arith.constant 9960 : i32
        %dma_start3A_31 = arith.constant 0 : i32
        %dma_start3A_32 = tpu.memref_slice %arg16[%dma_start3A_30, %dma_start3A_31] : memref<10000x128xf32, #tpu.memory_space<vmem_shared>> -> memref<40x128xf32, #tpu.memory_space<vmem_shared>>
        %dma_start3A_33 = arith.constant 0 : i32
        %dma_start3A_34 = arith.constant 0 : i32
        %dma_start3A_35 = tpu.memref_slice %arg12[%dma_start3A_33, %dma_start3A_34] : memref<40x128xf32, #tpu.memory_space<vmem>> -> memref<40x128xf32, #tpu.memory_space<vmem>>
        tpu.enqueue_dma source(%dma_start3A_35 : memref<40x128xf32, #tpu.memory_space<vmem>>) target(%dma_start3A_32 : memref<40x128xf32, #tpu.memory_space<vmem_shared>>) target_semaphore(%run_scoped3A : memref<!tpu.dma_semaphore, #tpu.memory_space<semaphore_mem>>)
        %dma_wait3A = arith.constant 0 : i32
        %dma_wait3A_36 = arith.constant 0 : i32
        %dma_wait3A_37 = tpu.memref_slice %arg12[%dma_wait3A, %dma_wait3A_36] : memref<40x128xf32, #tpu.memory_space<vmem>> -> memref<40x128xf32, #tpu.memory_space<vmem>>
        %dma_wait3A_38 = arith.constant 9960 : i32
        %dma_wait3A_39 = arith.constant 0 : i32
        %dma_wait3A_40 = tpu.memref_slice %arg16[%dma_wait3A_38, %dma_wait3A_39] : memref<10000x128xf32, #tpu.memory_space<vmem_shared>> -> memref<40x128xf32, #tpu.memory_space<vmem_shared>>
        %dma_wait3A_41 = arith.constant 9960 : i32
        %dma_wait3A_42 = arith.constant 0 : i32
        %dma_wait3A_43 = tpu.memref_slice %arg16[%dma_wait3A_41, %dma_wait3A_42] : memref<10000x128xf32, #tpu.memory_space<vmem_shared>> -> memref<40x128xf32, #tpu.memory_space<vmem_shared>>
        %dma_wait3A_44 = arith.constant 0 : i32
        %dma_wait3A_45 = arith.constant 0 : i32
        %dma_wait3A_46 = tpu.memref_slice %arg12[%dma_wait3A_44, %dma_wait3A_45] : memref<40x128xf32, #tpu.memory_space<vmem>> -> memref<40x128xf32, #tpu.memory_space<vmem>>
        tpu.wait_dma2 semaphore(%run_scoped3A : memref<!tpu.dma_semaphore, #tpu.memory_space<semaphore_mem>>) src(%dma_wait3A_46 : memref<40x128xf32, #tpu.memory_space<vmem>>) dst(%dma_wait3A_43 : memref<40x128xf32, #tpu.memory_space<vmem_shared>>)
        tpu.yield
      }) : () -> ()
    } else {
    }
    %barrier3A = arith.constant 0 : index
    tpu.barrier barrier_id(%barrier3A)
    %scan3A = arith.constant 0 : i32
    %scan3A_9 = arith.constant 0 : i32
    %scan3A_10 = arith.constant 125 : i32
    %scan3A_11 = arith.addi %scan3A_9, %scan3A_10 : i32
    %scan3A_12 = arith.constant 1 : i32
    scf.for %scan3A_25 = %scan3A_9 to %scan3A_11 step %scan3A_12  : i32 {
      %mul3A_26 = arith.constant 2 : i32
      %mul3A_27 = arith.muli %scan3A_25, %mul3A_26 : i32
      %add3A_28 = arith.constant 0 : i32
      %add3A_29 = arith.addi %mul3A_27, %add3A_28 : i32
      %mul3A_30 = arith.constant 40 : i32
      %mul3A_31 = arith.muli %add3A_29, %mul3A_30 : i32
      %add3A_32 = arith.addi %mul3A_2, %mul3A_31 : i32
      %dma_start3A = tpu.memref_slice %arg4[%add3A_32] : memref<320000xi32, #tpu.memory_space<hbm>> -> memref<40xi32, #tpu.memory_space<hbm>>
      %dma_start3A_33 = tpu.memref_slice %arg4[%add3A_32] : memref<320000xi32, #tpu.memory_space<hbm>> -> memref<40xi32, #tpu.memory_space<hbm>>
      tpu.enqueue_dma source(%dma_start3A_33 : memref<40xi32, #tpu.memory_space<hbm>>) target(%arg8 : memref<40xi32, #tpu.memory_space<vmem>>) target_semaphore(%arg17 : memref<!tpu.dma_semaphore, #tpu.memory_space<semaphore_mem>>)
      %dma_start3A_34 = tpu.memref_slice %arg5[%add3A_32] : memref<320000xi32, #tpu.memory_space<hbm>> -> memref<40xi32, #tpu.memory_space<hbm>>
      %dma_start3A_35 = tpu.memref_slice %arg5[%add3A_32] : memref<320000xi32, #tpu.memory_space<hbm>> -> memref<40xi32, #tpu.memory_space<hbm>>
      tpu.enqueue_dma source(%dma_start3A_35 : memref<40xi32, #tpu.memory_space<hbm>>) target(%arg10 : memref<40xi32, #tpu.memory_space<vmem>>) target_semaphore(%arg17 : memref<!tpu.dma_semaphore, #tpu.memory_space<semaphore_mem>>)
      %mul3A_36 = arith.constant 2 : i32
      %mul3A_37 = arith.muli %scan3A_25, %mul3A_36 : i32
      %add3A_38 = arith.constant 1 : i32
      %add3A_39 = arith.addi %mul3A_37, %add3A_38 : i32
      %mul3A_40 = arith.constant 40 : i32
      %mul3A_41 = arith.muli %add3A_39, %mul3A_40 : i32
      %add3A_42 = arith.addi %mul3A_2, %mul3A_41 : i32
      %dma_start3A_43 = tpu.memref_slice %arg4[%add3A_42] : memref<320000xi32, #tpu.memory_space<hbm>> -> memref<40xi32, #tpu.memory_space<hbm>>
      %dma_start3A_44 = tpu.memref_slice %arg4[%add3A_42] : memref<320000xi32, #tpu.memory_space<hbm>> -> memref<40xi32, #tpu.memory_space<hbm>>
      tpu.enqueue_dma source(%dma_start3A_44 : memref<40xi32, #tpu.memory_space<hbm>>) target(%arg9 : memref<40xi32, #tpu.memory_space<vmem>>) target_semaphore(%arg18 : memref<!tpu.dma_semaphore, #tpu.memory_space<semaphore_mem>>)
      %dma_start3A_45 = tpu.memref_slice %arg5[%add3A_42] : memref<320000xi32, #tpu.memory_space<hbm>> -> memref<40xi32, #tpu.memory_space<hbm>>
      %dma_start3A_46 = tpu.memref_slice %arg5[%add3A_42] : memref<320000xi32, #tpu.memory_space<hbm>> -> memref<40xi32, #tpu.memory_space<hbm>>
      tpu.enqueue_dma source(%dma_start3A_46 : memref<40xi32, #tpu.memory_space<hbm>>) target(%arg11 : memref<40xi32, #tpu.memory_space<vmem>>) target_semaphore(%arg18 : memref<!tpu.dma_semaphore, #tpu.memory_space<semaphore_mem>>)
      %dma_wait3A = tpu.memref_slice %arg4[%add3A_32] : memref<320000xi32, #tpu.memory_space<hbm>> -> memref<40xi32, #tpu.memory_space<hbm>>
      %dma_wait3A_47 = tpu.memref_slice %arg4[%add3A_32] : memref<320000xi32, #tpu.memory_space<hbm>> -> memref<40xi32, #tpu.memory_space<hbm>>
      tpu.wait_dma2 semaphore(%arg17 : memref<!tpu.dma_semaphore, #tpu.memory_space<semaphore_mem>>) src(%dma_wait3A_47 : memref<40xi32, #tpu.memory_space<hbm>>) dst(%arg8 : memref<40xi32, #tpu.memory_space<vmem>>)
      %dma_wait3A_48 = tpu.memref_slice %arg5[%add3A_32] : memref<320000xi32, #tpu.memory_space<hbm>> -> memref<40xi32, #tpu.memory_space<hbm>>
      %dma_wait3A_49 = tpu.memref_slice %arg5[%add3A_32] : memref<320000xi32, #tpu.memory_space<hbm>> -> memref<40xi32, #tpu.memory_space<hbm>>
      tpu.wait_dma2 semaphore(%arg17 : memref<!tpu.dma_semaphore, #tpu.memory_space<semaphore_mem>>) src(%dma_wait3A_49 : memref<40xi32, #tpu.memory_space<hbm>>) dst(%arg10 : memref<40xi32, #tpu.memory_space<vmem>>)
      %dma_start3A_50 = arith.constant 0 : i32
      %dma_start3A_51 = arith.constant 0 : i32
      %dma_start3A_52 = tpu.memref_slice %arg2[%dma_start3A_50, %dma_start3A_51] : memref<10000x128xf32, #tpu.memory_space<hbm>> -> memref<10000x128xf32, #tpu.memory_space<hbm>>
      tpu.enqueue_indirect_dma source(%dma_start3A_52 : memref<10000x128xf32, #tpu.memory_space<hbm>>) target(%arg12 : memref<40x128xf32, #tpu.memory_space<vmem>>) offsets(%arg8 : memref<40xi32, #tpu.memory_space<vmem>>) semaphore(%arg19 : memref<!tpu.dma_semaphore, #tpu.memory_space<semaphore_mem>>)
      %dma_start3A_53 = arith.constant 0 : i32
      %dma_start3A_54 = tpu.memref_slice %arg3[%add3A_32, %dma_start3A_53] : memref<320000x128xf32, #tpu.memory_space<hbm>> -> memref<40x128xf32, #tpu.memory_space<hbm>>
      %dma_start3A_55 = arith.constant 0 : i32
      %dma_start3A_56 = tpu.memref_slice %arg3[%add3A_32, %dma_start3A_55] : memref<320000x128xf32, #tpu.memory_space<hbm>> -> memref<40x128xf32, #tpu.memory_space<hbm>>
      tpu.enqueue_dma source(%dma_start3A_56 : memref<40x128xf32, #tpu.memory_space<hbm>>) target(%arg14 : memref<40x128xf32, #tpu.memory_space<vmem>>) target_semaphore(%arg19 : memref<!tpu.dma_semaphore, #tpu.memory_space<semaphore_mem>>)
      %dma_wait3A_57 = tpu.memref_slice %arg4[%add3A_42] : memref<320000xi32, #tpu.memory_space<hbm>> -> memref<40xi32, #tpu.memory_space<hbm>>
      %dma_wait3A_58 = tpu.memref_slice %arg4[%add3A_42] : memref<320000xi32, #tpu.memory_space<hbm>> -> memref<40xi32, #tpu.memory_space<hbm>>
      tpu.wait_dma2 semaphore(%arg18 : memref<!tpu.dma_semaphore, #tpu.memory_space<semaphore_mem>>) src(%dma_wait3A_58 : memref<40xi32, #tpu.memory_space<hbm>>) dst(%arg9 : memref<40xi32, #tpu.memory_space<vmem>>)
      %dma_wait3A_59 = tpu.memref_slice %arg5[%add3A_42] : memref<320000xi32, #tpu.memory_space<hbm>> -> memref<40xi32, #tpu.memory_space<hbm>>
      %dma_wait3A_60 = tpu.memref_slice %arg5[%add3A_42] : memref<320000xi32, #tpu.memory_space<hbm>> -> memref<40xi32, #tpu.memory_space<hbm>>
      tpu.wait_dma2 semaphore(%arg18 : memref<!tpu.dma_semaphore, #tpu.memory_space<semaphore_mem>>) src(%dma_wait3A_60 : memref<40xi32, #tpu.memory_space<hbm>>) dst(%arg11 : memref<40xi32, #tpu.memory_space<vmem>>)
      %dma_start3A_61 = arith.constant 0 : i32
      %dma_start3A_62 = arith.constant 0 : i32
      %dma_start3A_63 = tpu.memref_slice %arg2[%dma_start3A_61, %dma_start3A_62] : memref<10000x128xf32, #tpu.memory_space<hbm>> -> memref<10000x128xf32, #tpu.memory_space<hbm>>
      tpu.enqueue_indirect_dma source(%dma_start3A_63 : memref<10000x128xf32, #tpu.memory_space<hbm>>) target(%arg13 : memref<40x128xf32, #tpu.memory_space<vmem>>) offsets(%arg9 : memref<40xi32, #tpu.memory_space<vmem>>) semaphore(%arg20 : memref<!tpu.dma_semaphore, #tpu.memory_space<semaphore_mem>>)
      %dma_start3A_64 = arith.constant 0 : i32
      %dma_start3A_65 = tpu.memref_slice %arg3[%add3A_42, %dma_start3A_64] : memref<320000x128xf32, #tpu.memory_space<hbm>> -> memref<40x128xf32, #tpu.memory_space<hbm>>
      %dma_start3A_66 = arith.constant 0 : i32
      %dma_start3A_67 = tpu.memref_slice %arg3[%add3A_42, %dma_start3A_66] : memref<320000x128xf32, #tpu.memory_space<hbm>> -> memref<40x128xf32, #tpu.memory_space<hbm>>
      tpu.enqueue_dma source(%dma_start3A_67 : memref<40x128xf32, #tpu.memory_space<hbm>>) target(%arg15 : memref<40x128xf32, #tpu.memory_space<vmem>>) target_semaphore(%arg20 : memref<!tpu.dma_semaphore, #tpu.memory_space<semaphore_mem>>)
      %dma_wait3A_68 = arith.constant 0 : i32
      %dma_wait3A_69 = arith.constant 0 : i32
      %dma_wait3A_70 = tpu.memref_slice %arg2[%dma_wait3A_68, %dma_wait3A_69] : memref<10000x128xf32, #tpu.memory_space<hbm>> -> memref<10000x128xf32, #tpu.memory_space<hbm>>
      tpu.wait_indirect_dma semaphore(%arg19 : memref<!tpu.dma_semaphore, #tpu.memory_space<semaphore_mem>>) src(%dma_wait3A_70 : memref<10000x128xf32, #tpu.memory_space<hbm>>) dst(%arg12 : memref<40x128xf32, #tpu.memory_space<vmem>>)
      %dma_wait3A_71 = arith.constant 0 : i32
      %dma_wait3A_72 = tpu.memref_slice %arg3[%add3A_32, %dma_wait3A_71] : memref<320000x128xf32, #tpu.memory_space<hbm>> -> memref<40x128xf32, #tpu.memory_space<hbm>>
      %dma_wait3A_73 = arith.constant 0 : i32
      %dma_wait3A_74 = tpu.memref_slice %arg3[%add3A_32, %dma_wait3A_73] : memref<320000x128xf32, #tpu.memory_space<hbm>> -> memref<40x128xf32, #tpu.memory_space<hbm>>
      tpu.wait_dma2 semaphore(%arg19 : memref<!tpu.dma_semaphore, #tpu.memory_space<semaphore_mem>>) src(%dma_wait3A_74 : memref<40x128xf32, #tpu.memory_space<hbm>>) dst(%arg14 : memref<40x128xf32, #tpu.memory_space<vmem>>)
      %dma_start3A_75 = arith.constant 0 : i32
      %dma_start3A_76 = arith.constant 0 : i32
      %dma_start3A_77 = tpu.memref_slice %arg16[%dma_start3A_75, %dma_start3A_76] : memref<10000x128xf32, #tpu.memory_space<vmem_shared>> -> memref<10000x128xf32, #tpu.memory_space<vmem_shared>>
      tpu.enqueue_indirect_dma source(%arg12 : memref<40x128xf32, #tpu.memory_space<vmem>>) target(%dma_start3A_77 : memref<10000x128xf32, #tpu.memory_space<vmem_shared>>) offsets(%arg10 : memref<40xi32, #tpu.memory_space<vmem>>) semaphore(%arg21 : memref<!tpu.dma_semaphore, #tpu.memory_space<semaphore_mem>>) {add = true}
      %dma_start3A_78 = arith.constant 0 : i32
      %dma_start3A_79 = arith.constant 0 : i32
      %dma_start3A_80 = tpu.memref_slice %arg16[%dma_start3A_78, %dma_start3A_79] : memref<10000x128xf32, #tpu.memory_space<vmem_shared>> -> memref<10000x128xf32, #tpu.memory_space<vmem_shared>>
      tpu.enqueue_indirect_dma source(%arg14 : memref<40x128xf32, #tpu.memory_space<vmem>>) target(%dma_start3A_80 : memref<10000x128xf32, #tpu.memory_space<vmem_shared>>) offsets(%arg10 : memref<40xi32, #tpu.memory_space<vmem>>) semaphore(%arg21 : memref<!tpu.dma_semaphore, #tpu.memory_space<semaphore_mem>>) {add = true}
      %dma_wait3A_81 = arith.constant 0 : i32
      %dma_wait3A_82 = arith.constant 0 : i32
      %dma_wait3A_83 = tpu.memref_slice %arg2[%dma_wait3A_81, %dma_wait3A_82] : memref<10000x128xf32, #tpu.memory_space<hbm>> -> memref<10000x128xf32, #tpu.memory_space<hbm>>
      tpu.wait_indirect_dma semaphore(%arg20 : memref<!tpu.dma_semaphore, #tpu.memory_space<semaphore_mem>>) src(%dma_wait3A_83 : memref<10000x128xf32, #tpu.memory_space<hbm>>) dst(%arg13 : memref<40x128xf32, #tpu.memory_space<vmem>>)
      %dma_wait3A_84 = arith.constant 0 : i32
      %dma_wait3A_85 = tpu.memref_slice %arg3[%add3A_42, %dma_wait3A_84] : memref<320000x128xf32, #tpu.memory_space<hbm>> -> memref<40x128xf32, #tpu.memory_space<hbm>>
      %dma_wait3A_86 = arith.constant 0 : i32
      %dma_wait3A_87 = tpu.memref_slice %arg3[%add3A_42, %dma_wait3A_86] : memref<320000x128xf32, #tpu.memory_space<hbm>> -> memref<40x128xf32, #tpu.memory_space<hbm>>
      tpu.wait_dma2 semaphore(%arg20 : memref<!tpu.dma_semaphore, #tpu.memory_space<semaphore_mem>>) src(%dma_wait3A_87 : memref<40x128xf32, #tpu.memory_space<hbm>>) dst(%arg15 : memref<40x128xf32, #tpu.memory_space<vmem>>)
      %dma_start3A_88 = arith.constant 0 : i32
      %dma_start3A_89 = arith.constant 0 : i32
      %dma_start3A_90 = tpu.memref_slice %arg16[%dma_start3A_88, %dma_start3A_89] : memref<10000x128xf32, #tpu.memory_space<vmem_shared>> -> memref<10000x128xf32, #tpu.memory_space<vmem_shared>>
      tpu.enqueue_indirect_dma source(%arg13 : memref<40x128xf32, #tpu.memory_space<vmem>>) target(%dma_start3A_90 : memref<10000x128xf32, #tpu.memory_space<vmem_shared>>) offsets(%arg11 : memref<40xi32, #tpu.memory_space<vmem>>) semaphore(%arg22 : memref<!tpu.dma_semaphore, #tpu.memory_space<semaphore_mem>>) {add = true}
      %dma_start3A_91 = arith.constant 0 : i32
      %dma_start3A_92 = arith.constant 0 : i32
      %dma_start3A_93 = tpu.memref_slice %arg16[%dma_start3A_91, %dma_start3A_92] : memref<10000x128xf32, #tpu.memory_space<vmem_shared>> -> memref<10000x128xf32, #tpu.memory_space<vmem_shared>>
      tpu.enqueue_indirect_dma source(%arg15 : memref<40x128xf32, #tpu.memory_space<vmem>>) target(%dma_start3A_93 : memref<10000x128xf32, #tpu.memory_space<vmem_shared>>) offsets(%arg11 : memref<40xi32, #tpu.memory_space<vmem>>) semaphore(%arg22 : memref<!tpu.dma_semaphore, #tpu.memory_space<semaphore_mem>>) {add = true}
      %dma_wait3A_94 = arith.constant 0 : i32
      %dma_wait3A_95 = arith.constant 0 : i32
      %dma_wait3A_96 = tpu.memref_slice %arg16[%dma_wait3A_94, %dma_wait3A_95] : memref<10000x128xf32, #tpu.memory_space<vmem_shared>> -> memref<10000x128xf32, #tpu.memory_space<vmem_shared>>
      tpu.wait_indirect_dma semaphore(%arg21 : memref<!tpu.dma_semaphore, #tpu.memory_space<semaphore_mem>>) src(%arg12 : memref<40x128xf32, #tpu.memory_space<vmem>>) dst(%dma_wait3A_96 : memref<10000x128xf32, #tpu.memory_space<vmem_shared>>)
      %dma_wait3A_97 = arith.constant 0 : i32
      %dma_wait3A_98 = arith.constant 0 : i32
      %dma_wait3A_99 = tpu.memref_slice %arg16[%dma_wait3A_97, %dma_wait3A_98] : memref<10000x128xf32, #tpu.memory_space<vmem_shared>> -> memref<10000x128xf32, #tpu.memory_space<vmem_shared>>
      tpu.wait_indirect_dma semaphore(%arg21 : memref<!tpu.dma_semaphore, #tpu.memory_space<semaphore_mem>>) src(%arg14 : memref<40x128xf32, #tpu.memory_space<vmem>>) dst(%dma_wait3A_99 : memref<10000x128xf32, #tpu.memory_space<vmem_shared>>)
      %dma_wait3A_100 = arith.constant 0 : i32
      %dma_wait3A_101 = arith.constant 0 : i32
      %dma_wait3A_102 = tpu.memref_slice %arg16[%dma_wait3A_100, %dma_wait3A_101] : memref<10000x128xf32, #tpu.memory_space<vmem_shared>> -> memref<10000x128xf32, #tpu.memory_space<vmem_shared>>
      tpu.wait_indirect_dma semaphore(%arg22 : memref<!tpu.dma_semaphore, #tpu.memory_space<semaphore_mem>>) src(%arg13 : memref<40x128xf32, #tpu.memory_space<vmem>>) dst(%dma_wait3A_102 : memref<10000x128xf32, #tpu.memory_space<vmem_shared>>)
      %dma_wait3A_103 = arith.constant 0 : i32
      %dma_wait3A_104 = arith.constant 0 : i32
      %dma_wait3A_105 = tpu.memref_slice %arg16[%dma_wait3A_103, %dma_wait3A_104] : memref<10000x128xf32, #tpu.memory_space<vmem_shared>> -> memref<10000x128xf32, #tpu.memory_space<vmem_shared>>
      tpu.wait_indirect_dma semaphore(%arg22 : memref<!tpu.dma_semaphore, #tpu.memory_space<semaphore_mem>>) src(%arg15 : memref<40x128xf32, #tpu.memory_space<vmem>>) dst(%dma_wait3A_105 : memref<10000x128xf32, #tpu.memory_space<vmem_shared>>)
    }
    %scan3A_13 = arith.constant 125 : i32
    %barrier3A_14 = arith.constant 0 : index
    tpu.barrier barrier_id(%barrier3A_14)
    %lt3A_15 = arith.constant 15 : i32
    %lt3A_16 = arith.cmpi slt, %arg1, %lt3A_15 : i32
    %convert_element_type3A_17 = arith.extui %lt3A_16 : i1 to i32
    %cond3A_18 = arith.constant 0 : i32
    %cond3A_19 = arith.cmpi ne, %convert_element_type3A_17, %cond3A_18 : i32
    scf.if %cond3A_19 {
      %mul3A_25 = arith.constant 640 : i32
      %mul3A_26 = arith.muli %arg1, %mul3A_25 : i32
      %add3A_27 = arith.constant 0 : i32
      %add3A_28 = arith.addi %mul3A_26, %add3A_27 : i32
      "tpu.region"() ({
        %run_scoped3A = tpu.sem_alloc : memref<!tpu.dma_semaphore, #tpu.memory_space<semaphore_mem>>
        %dma_start3A = arith.constant 0 : i32
        %dma_start3A_137 = arith.constant 0 : i32
        %dma_start3A_138 = tpu.memref_slice %arg12[%dma_start3A, %dma_start3A_137] : memref<40x128xf32, #tpu.memory_space<vmem>> -> memref<40x128xf32, #tpu.memory_space<vmem>>
        %dma_start3A_139 = arith.constant 0 : i32
        %dma_start3A_140 = tpu.memref_slice %arg16[%add3A_28, %dma_start3A_139] : memref<10000x128xf32, #tpu.memory_space<vmem_shared>> -> memref<40x128xf32, #tpu.memory_space<vmem_shared>>
        %dma_start3A_141 = arith.constant 0 : i32
        %dma_start3A_142 = arith.constant 0 : i32
        %dma_start3A_143 = tpu.memref_slice %arg12[%dma_start3A_141, %dma_start3A_142] : memref<40x128xf32, #tpu.memory_space<vmem>> -> memref<40x128xf32, #tpu.memory_space<vmem>>
        %dma_start3A_144 = arith.constant 0 : i32
        %dma_start3A_145 = tpu.memref_slice %arg16[%add3A_28, %dma_start3A_144] : memref<10000x128xf32, #tpu.memory_space<vmem_shared>> -> memref<40x128xf32, #tpu.memory_space<vmem_shared>>
        tpu.enqueue_dma source(%dma_start3A_145 : memref<40x128xf32, #tpu.memory_space<vmem_shared>>) target(%dma_start3A_143 : memref<40x128xf32, #tpu.memory_space<vmem>>) target_semaphore(%run_scoped3A : memref<!tpu.dma_semaphore, #tpu.memory_space<semaphore_mem>>)
        %dma_wait3A = arith.constant 0 : i32
        %dma_wait3A_146 = arith.constant 0 : i32
        %dma_wait3A_147 = tpu.memref_slice %arg12[%dma_wait3A, %dma_wait3A_146] : memref<40x128xf32, #tpu.memory_space<vmem>> -> memref<40x128xf32, #tpu.memory_space<vmem>>
        %dma_wait3A_148 = arith.constant 0 : i32
        %dma_wait3A_149 = tpu.memref_slice %arg16[%add3A_28, %dma_wait3A_148] : memref<10000x128xf32, #tpu.memory_space<vmem_shared>> -> memref<40x128xf32, #tpu.memory_space<vmem_shared>>
        %dma_wait3A_150 = arith.constant 0 : i32
        %dma_wait3A_151 = arith.constant 0 : i32
        %dma_wait3A_152 = tpu.memref_slice %arg12[%dma_wait3A_150, %dma_wait3A_151] : memref<40x128xf32, #tpu.memory_space<vmem>> -> memref<40x128xf32, #tpu.memory_space<vmem>>
        %dma_wait3A_153 = arith.constant 0 : i32
        %dma_wait3A_154 = tpu.memref_slice %arg16[%add3A_28, %dma_wait3A_153] : memref<10000x128xf32, #tpu.memory_space<vmem_shared>> -> memref<40x128xf32, #tpu.memory_space<vmem_shared>>
        tpu.wait_dma2 semaphore(%run_scoped3A : memref<!tpu.dma_semaphore, #tpu.memory_space<semaphore_mem>>) src(%dma_wait3A_154 : memref<40x128xf32, #tpu.memory_space<vmem_shared>>) dst(%dma_wait3A_152 : memref<40x128xf32, #tpu.memory_space<vmem>>)
        tpu.yield
      }) : () -> ()
      %mul3A_29 = arith.constant 10000 : i32
      %mul3A_30 = arith.muli %arg0, %mul3A_29 : i32
      %add3A_31 = arith.addi %mul3A_30, %add3A_28 : i32
      "tpu.region"() ({
        %run_scoped3A = tpu.sem_alloc : memref<!tpu.dma_semaphore, #tpu.memory_space<semaphore_mem>>
        %dma_start3A = arith.constant 0 : i32
        %dma_start3A_137 = arith.constant 0 : i32
        %dma_start3A_138 = tpu.memref_slice %arg12[%dma_start3A, %dma_start3A_137] : memref<40x128xf32, #tpu.memory_space<vmem>> -> memref<40x128xf32, #tpu.memory_space<vmem>>
        %dma_start3A_139 = arith.constant 0 : i32
        %dma_start3A_140 = tpu.memref_slice %arg7[%add3A_31, %dma_start3A_139] : memref<20000x128xf32, #tpu.memory_space<hbm>> -> memref<40x128xf32, #tpu.memory_space<hbm>>
        %dma_start3A_141 = arith.constant 0 : i32
        %dma_start3A_142 = tpu.memref_slice %arg7[%add3A_31, %dma_start3A_141] : memref<20000x128xf32, #tpu.memory_space<hbm>> -> memref<40x128xf32, #tpu.memory_space<hbm>>
        %dma_start3A_143 = arith.constant 0 : i32
        %dma_start3A_144 = arith.constant 0 : i32
        %dma_start3A_145 = tpu.memref_slice %arg12[%dma_start3A_143, %dma_start3A_144] : memref<40x128xf32, #tpu.memory_space<vmem>> -> memref<40x128xf32, #tpu.memory_space<vmem>>
        tpu.enqueue_dma source(%dma_start3A_145 : memref<40x128xf32, #tpu.memory_space<vmem>>) target(%dma_start3A_142 : memref<40x128xf32, #tpu.memory_space<hbm>>) target_semaphore(%run_scoped3A : memref<!tpu.dma_semaphore, #tpu.memory_space<semaphore_mem>>)
        %dma_wait3A = arith.constant 0 : i32
        %dma_wait3A_146 = arith.constant 0 : i32
        %dma_wait3A_147 = tpu.memref_slice %arg12[%dma_wait3A, %dma_wait3A_146] : memref<40x128xf32, #tpu.memory_space<vmem>> -> memref<40x128xf32, #tpu.memory_space<vmem>>
        %dma_wait3A_148 = arith.constant 0 : i32
        %dma_wait3A_149 = tpu.memref_slice %arg7[%add3A_31, %dma_wait3A_148] : memref<20000x128xf32, #tpu.memory_space<hbm>> -> memref<40x128xf32, #tpu.memory_space<hbm>>
        %dma_wait3A_150 = arith.constant 0 : i32
        %dma_wait3A_151 = tpu.memref_slice %arg7[%add3A_31, %dma_wait3A_150] : memref<20000x128xf32, #tpu.memory_space<hbm>> -> memref<40x128xf32, #tpu.memory_space<hbm>>
        %dma_wait3A_152 = arith.constant 0 : i32
        %dma_wait3A_153 = arith.constant 0 : i32
        %dma_wait3A_154 = tpu.memref_slice %arg12[%dma_wait3A_152, %dma_wait3A_153] : memref<40x128xf32, #tpu.memory_space<vmem>> -> memref<40x128xf32, #tpu.memory_space<vmem>>
        tpu.wait_dma2 semaphore(%run_scoped3A : memref<!tpu.dma_semaphore, #tpu.memory_space<semaphore_mem>>) src(%dma_wait3A_154 : memref<40x128xf32, #tpu.memory_space<vmem>>) dst(%dma_wait3A_151 : memref<40x128xf32, #tpu.memory_space<hbm>>)
        tpu.yield
      }) : () -> ()
      %mul3A_32 = arith.constant 640 : i32
      %mul3A_33 = arith.muli %arg1, %mul3A_32 : i32
      %add3A_34 = arith.constant 40 : i32
      %add3A_35 = arith.addi %mul3A_33, %add3A_34 : i32
      "tpu.region"() ({
        %run_scoped3A = tpu.sem_alloc : memref<!tpu.dma_semaphore, #tpu.memory_space<semaphore_mem>>
        %dma_start3A = arith.constant 0 : i32
        %dma_start3A_137 = arith.constant 0 : i32
        %dma_start3A_138 = tpu.memref_slice %arg12[%dma_start3A, %dma_start3A_137] : memref<40x128xf32, #tpu.memory_space<vmem>> -> memref<40x128xf32, #tpu.memory_space<vmem>>
        %dma_start3A_139 = arith.constant 0 : i32
        %dma_start3A_140 = tpu.memref_slice %arg16[%add3A_35, %dma_start3A_139] : memref<10000x128xf32, #tpu.memory_space<vmem_shared>> -> memref<40x128xf32, #tpu.memory_space<vmem_shared>>
        %dma_start3A_141 = arith.constant 0 : i32
        %dma_start3A_142 = arith.constant 0 : i32
        %dma_start3A_143 = tpu.memref_slice %arg12[%dma_start3A_141, %dma_start3A_142] : memref<40x128xf32, #tpu.memory_space<vmem>> -> memref<40x128xf32, #tpu.memory_space<vmem>>
        %dma_start3A_144 = arith.constant 0 : i32
        %dma_start3A_145 = tpu.memref_slice %arg16[%add3A_35, %dma_start3A_144] : memref<10000x128xf32, #tpu.memory_space<vmem_shared>> -> memref<40x128xf32, #tpu.memory_space<vmem_shared>>
        tpu.enqueue_dma source(%dma_start3A_145 : memref<40x128xf32, #tpu.memory_space<vmem_shared>>) target(%dma_start3A_143 : memref<40x128xf32, #tpu.memory_space<vmem>>) target_semaphore(%run_scoped3A : memref<!tpu.dma_semaphore, #tpu.memory_space<semaphore_mem>>)
        %dma_wait3A = arith.constant 0 : i32
        %dma_wait3A_146 = arith.constant 0 : i32
        %dma_wait3A_147 = tpu.memref_slice %arg12[%dma_wait3A, %dma_wait3A_146] : memref<40x128xf32, #tpu.memory_space<vmem>> -> memref<40x128xf32, #tpu.memory_space<vmem>>
        %dma_wait3A_148 = arith.constant 0 : i32
        %dma_wait3A_149 = tpu.memref_slice %arg16[%add3A_35, %dma_wait3A_148] : memref<10000x128xf32, #tpu.memory_space<vmem_shared>> -> memref<40x128xf32, #tpu.memory_space<vmem_shared>>
        %dma_wait3A_150 = arith.constant 0 : i32
        %dma_wait3A_151 = arith.constant 0 : i32
        %dma_wait3A_152 = tpu.memref_slice %arg12[%dma_wait3A_150, %dma_wait3A_151] : memref<40x128xf32, #tpu.memory_space<vmem>> -> memref<40x128xf32, #tpu.memory_space<vmem>>
        %dma_wait3A_153 = arith.constant 0 : i32
        %dma_wait3A_154 = tpu.memref_slice %arg16[%add3A_35, %dma_wait3A_153] : memref<10000x128xf32, #tpu.memory_space<vmem_shared>> -> memref<40x128xf32, #tpu.memory_space<vmem_shared>>
        tpu.wait_dma2 semaphore(%run_scoped3A : memref<!tpu.dma_semaphore, #tpu.memory_space<semaphore_mem>>) src(%dma_wait3A_154 : memref<40x128xf32, #tpu.memory_space<vmem_shared>>) dst(%dma_wait3A_152 : memref<40x128xf32, #tpu.memory_space<vmem>>)
        tpu.yield
      }) : () -> ()
      %mul3A_36 = arith.constant 10000 : i32
      %mul3A_37 = arith.muli %arg0, %mul3A_36 : i32
      %add3A_38 = arith.addi %mul3A_37, %add3A_35 : i32
      "tpu.region"() ({
        %run_scoped3A = tpu.sem_alloc : memref<!tpu.dma_semaphore, #tpu.memory_space<semaphore_mem>>
        %dma_start3A = arith.constant 0 : i32
        %dma_start3A_137 = arith.constant 0 : i32
        %dma_start3A_138 = tpu.memref_slice %arg12[%dma_start3A, %dma_start3A_137] : memref<40x128xf32, #tpu.memory_space<vmem>> -> memref<40x128xf32, #tpu.memory_space<vmem>>
        %dma_start3A_139 = arith.constant 0 : i32
        %dma_start3A_140 = tpu.memref_slice %arg7[%add3A_38, %dma_start3A_139] : memref<20000x128xf32, #tpu.memory_space<hbm>> -> memref<40x128xf32, #tpu.memory_space<hbm>>
        %dma_start3A_141 = arith.constant 0 : i32
        %dma_start3A_142 = tpu.memref_slice %arg7[%add3A_38, %dma_start3A_141] : memref<20000x128xf32, #tpu.memory_space<hbm>> -> memref<40x128xf32, #tpu.memory_space<hbm>>
        %dma_start3A_143 = arith.constant 0 : i32
        %dma_start3A_144 = arith.constant 0 : i32
        %dma_start3A_145 = tpu.memref_slice %arg12[%dma_start3A_143, %dma_start3A_144] : memref<40x128xf32, #tpu.memory_space<vmem>> -> memref<40x128xf32, #tpu.memory_space<vmem>>
        tpu.enqueue_dma source(%dma_start3A_145 : memref<40x128xf32, #tpu.memory_space<vmem>>) target(%dma_start3A_142 : memref<40x128xf32, #tpu.memory_space<hbm>>) target_semaphore(%run_scoped3A : memref<!tpu.dma_semaphore, #tpu.memory_space<semaphore_mem>>)
        %dma_wait3A = arith.constant 0 : i32
        %dma_wait3A_146 = arith.constant 0 : i32
        %dma_wait3A_147 = tpu.memref_slice %arg12[%dma_wait3A, %dma_wait3A_146] : memref<40x128xf32, #tpu.memory_space<vmem>> -> memref<40x128xf32, #tpu.memory_space<vmem>>
        %dma_wait3A_148 = arith.constant 0 : i32
        %dma_wait3A_149 = tpu.memref_slice %arg7[%add3A_38, %dma_wait3A_148] : memref<20000x128xf32, #tpu.memory_space<hbm>> -> memref<40x128xf32, #tpu.memory_space<hbm>>
        %dma_wait3A_150 = arith.constant 0 : i32
        %dma_wait3A_151 = tpu.memref_slice %arg7[%add3A_38, %dma_wait3A_150] : memref<20000x128xf32, #tpu.memory_space<hbm>> -> memref<40x128xf32, #tpu.memory_space<hbm>>
        %dma_wait3A_152 = arith.constant 0 : i32
        %dma_wait3A_153 = arith.constant 0 : i32
        %dma_wait3A_154 = tpu.memref_slice %arg12[%dma_wait3A_152, %dma_wait3A_153] : memref<40x128xf32, #tpu.memory_space<vmem>> -> memref<40x128xf32, #tpu.memory_space<vmem>>
        tpu.wait_dma2 semaphore(%run_scoped3A : memref<!tpu.dma_semaphore, #tpu.memory_space<semaphore_mem>>) src(%dma_wait3A_154 : memref<40x128xf32, #tpu.memory_space<vmem>>) dst(%dma_wait3A_151 : memref<40x128xf32, #tpu.memory_space<hbm>>)
        tpu.yield
      }) : () -> ()
      %mul3A_39 = arith.constant 640 : i32
      %mul3A_40 = arith.muli %arg1, %mul3A_39 : i32
      %add3A_41 = arith.constant 80 : i32
      %add3A_42 = arith.addi %mul3A_40, %add3A_41 : i32
      "tpu.region"() ({
        %run_scoped3A = tpu.sem_alloc : memref<!tpu.dma_semaphore, #tpu.memory_space<semaphore_mem>>
        %dma_start3A = arith.constant 0 : i32
        %dma_start3A_137 = arith.constant 0 : i32
        %dma_start3A_138 = tpu.memref_slice %arg12[%dma_start3A, %dma_start3A_137] : memref<40x128xf32, #tpu.memory_space<vmem>> -> memref<40x128xf32, #tpu.memory_space<vmem>>
        %dma_start3A_139 = arith.constant 0 : i32
        %dma_start3A_140 = tpu.memref_slice %arg16[%add3A_42, %dma_start3A_139] : memref<10000x128xf32, #tpu.memory_space<vmem_shared>> -> memref<40x128xf32, #tpu.memory_space<vmem_shared>>
        %dma_start3A_141 = arith.constant 0 : i32
        %dma_start3A_142 = arith.constant 0 : i32
        %dma_start3A_143 = tpu.memref_slice %arg12[%dma_start3A_141, %dma_start3A_142] : memref<40x128xf32, #tpu.memory_space<vmem>> -> memref<40x128xf32, #tpu.memory_space<vmem>>
        %dma_start3A_144 = arith.constant 0 : i32
        %dma_start3A_145 = tpu.memref_slice %arg16[%add3A_42, %dma_start3A_144] : memref<10000x128xf32, #tpu.memory_space<vmem_shared>> -> memref<40x128xf32, #tpu.memory_space<vmem_shared>>
        tpu.enqueue_dma source(%dma_start3A_145 : memref<40x128xf32, #tpu.memory_space<vmem_shared>>) target(%dma_start3A_143 : memref<40x128xf32, #tpu.memory_space<vmem>>) target_semaphore(%run_scoped3A : memref<!tpu.dma_semaphore, #tpu.memory_space<semaphore_mem>>)
        %dma_wait3A = arith.constant 0 : i32
        %dma_wait3A_146 = arith.constant 0 : i32
        %dma_wait3A_147 = tpu.memref_slice %arg12[%dma_wait3A, %dma_wait3A_146] : memref<40x128xf32, #tpu.memory_space<vmem>> -> memref<40x128xf32, #tpu.memory_space<vmem>>
        %dma_wait3A_148 = arith.constant 0 : i32
        %dma_wait3A_149 = tpu.memref_slice %arg16[%add3A_42, %dma_wait3A_148] : memref<10000x128xf32, #tpu.memory_space<vmem_shared>> -> memref<40x128xf32, #tpu.memory_space<vmem_shared>>
        %dma_wait3A_150 = arith.constant 0 : i32
        %dma_wait3A_151 = arith.constant 0 : i32
        %dma_wait3A_152 = tpu.memref_slice %arg12[%dma_wait3A_150, %dma_wait3A_151] : memref<40x128xf32, #tpu.memory_space<vmem>> -> memref<40x128xf32, #tpu.memory_space<vmem>>
        %dma_wait3A_153 = arith.constant 0 : i32
        %dma_wait3A_154 = tpu.memref_slice %arg16[%add3A_42, %dma_wait3A_153] : memref<10000x128xf32, #tpu.memory_space<vmem_shared>> -> memref<40x128xf32, #tpu.memory_space<vmem_shared>>
        tpu.wait_dma2 semaphore(%run_scoped3A : memref<!tpu.dma_semaphore, #tpu.memory_space<semaphore_mem>>) src(%dma_wait3A_154 : memref<40x128xf32, #tpu.memory_space<vmem_shared>>) dst(%dma_wait3A_152 : memref<40x128xf32, #tpu.memory_space<vmem>>)
        tpu.yield
      }) : () -> ()
      %mul3A_43 = arith.constant 10000 : i32
      %mul3A_44 = arith.muli %arg0, %mul3A_43 : i32
      %add3A_45 = arith.addi %mul3A_44, %add3A_42 : i32
      "tpu.region"() ({
        %run_scoped3A = tpu.sem_alloc : memref<!tpu.dma_semaphore, #tpu.memory_space<semaphore_mem>>
        %dma_start3A = arith.constant 0 : i32
        %dma_start3A_137 = arith.constant 0 : i32
        %dma_start3A_138 = tpu.memref_slice %arg12[%dma_start3A, %dma_start3A_137] : memref<40x128xf32, #tpu.memory_space<vmem>> -> memref<40x128xf32, #tpu.memory_space<vmem>>
        %dma_start3A_139 = arith.constant 0 : i32
        %dma_start3A_140 = tpu.memref_slice %arg7[%add3A_45, %dma_start3A_139] : memref<20000x128xf32, #tpu.memory_space<hbm>> -> memref<40x128xf32, #tpu.memory_space<hbm>>
        %dma_start3A_141 = arith.constant 0 : i32
        %dma_start3A_142 = tpu.memref_slice %arg7[%add3A_45, %dma_start3A_141] : memref<20000x128xf32, #tpu.memory_space<hbm>> -> memref<40x128xf32, #tpu.memory_space<hbm>>
        %dma_start3A_143 = arith.constant 0 : i32
        %dma_start3A_144 = arith.constant 0 : i32
        %dma_start3A_145 = tpu.memref_slice %arg12[%dma_start3A_143, %dma_start3A_144] : memref<40x128xf32, #tpu.memory_space<vmem>> -> memref<40x128xf32, #tpu.memory_space<vmem>>
        tpu.enqueue_dma source(%dma_start3A_145 : memref<40x128xf32, #tpu.memory_space<vmem>>) target(%dma_start3A_142 : memref<40x128xf32, #tpu.memory_space<hbm>>) target_semaphore(%run_scoped3A : memref<!tpu.dma_semaphore, #tpu.memory_space<semaphore_mem>>)
        %dma_wait3A = arith.constant 0 : i32
        %dma_wait3A_146 = arith.constant 0 : i32
        %dma_wait3A_147 = tpu.memref_slice %arg12[%dma_wait3A, %dma_wait3A_146] : memref<40x128xf32, #tpu.memory_space<vmem>> -> memref<40x128xf32, #tpu.memory_space<vmem>>
        %dma_wait3A_148 = arith.constant 0 : i32
        %dma_wait3A_149 = tpu.memref_slice %arg7[%add3A_45, %dma_wait3A_148] : memref<20000x128xf32, #tpu.memory_space<hbm>> -> memref<40x128xf32, #tpu.memory_space<hbm>>
        %dma_wait3A_150 = arith.constant 0 : i32
        %dma_wait3A_151 = tpu.memref_slice %arg7[%add3A_45, %dma_wait3A_150] : memref<20000x128xf32, #tpu.memory_space<hbm>> -> memref<40x128xf32, #tpu.memory_space<hbm>>
        %dma_wait3A_152 = arith.constant 0 : i32
        %dma_wait3A_153 = arith.constant 0 : i32
        %dma_wait3A_154 = tpu.memref_slice %arg12[%dma_wait3A_152, %dma_wait3A_153] : memref<40x128xf32, #tpu.memory_space<vmem>> -> memref<40x128xf32, #tpu.memory_space<vmem>>
        tpu.wait_dma2 semaphore(%run_scoped3A : memref<!tpu.dma_semaphore, #tpu.memory_space<semaphore_mem>>) src(%dma_wait3A_154 : memref<40x128xf32, #tpu.memory_space<vmem>>) dst(%dma_wait3A_151 : memref<40x128xf32, #tpu.memory_space<hbm>>)
        tpu.yield
      }) : () -> ()
      %mul3A_46 = arith.constant 640 : i32
      %mul3A_47 = arith.muli %arg1, %mul3A_46 : i32
      %add3A_48 = arith.constant 120 : i32
      %add3A_49 = arith.addi %mul3A_47, %add3A_48 : i32
      "tpu.region"() ({
        %run_scoped3A = tpu.sem_alloc : memref<!tpu.dma_semaphore, #tpu.memory_space<semaphore_mem>>
        %dma_start3A = arith.constant 0 : i32
        %dma_start3A_137 = arith.constant 0 : i32
        %dma_start3A_138 = tpu.memref_slice %arg12[%dma_start3A, %dma_start3A_137] : memref<40x128xf32, #tpu.memory_space<vmem>> -> memref<40x128xf32, #tpu.memory_space<vmem>>
        %dma_start3A_139 = arith.constant 0 : i32
        %dma_start3A_140 = tpu.memref_slice %arg16[%add3A_49, %dma_start3A_139] : memref<10000x128xf32, #tpu.memory_space<vmem_shared>> -> memref<40x128xf32, #tpu.memory_space<vmem_shared>>
        %dma_start3A_141 = arith.constant 0 : i32
        %dma_start3A_142 = arith.constant 0 : i32
        %dma_start3A_143 = tpu.memref_slice %arg12[%dma_start3A_141, %dma_start3A_142] : memref<40x128xf32, #tpu.memory_space<vmem>> -> memref<40x128xf32, #tpu.memory_space<vmem>>
        %dma_start3A_144 = arith.constant 0 : i32
        %dma_start3A_145 = tpu.memref_slice %arg16[%add3A_49, %dma_start3A_144] : memref<10000x128xf32, #tpu.memory_space<vmem_shared>> -> memref<40x128xf32, #tpu.memory_space<vmem_shared>>
        tpu.enqueue_dma source(%dma_start3A_145 : memref<40x128xf32, #tpu.memory_space<vmem_shared>>) target(%dma_start3A_143 : memref<40x128xf32, #tpu.memory_space<vmem>>) target_semaphore(%run_scoped3A : memref<!tpu.dma_semaphore, #tpu.memory_space<semaphore_mem>>)
        %dma_wait3A = arith.constant 0 : i32
        %dma_wait3A_146 = arith.constant 0 : i32
        %dma_wait3A_147 = tpu.memref_slice %arg12[%dma_wait3A, %dma_wait3A_146] : memref<40x128xf32, #tpu.memory_space<vmem>> -> memref<40x128xf32, #tpu.memory_space<vmem>>
        %dma_wait3A_148 = arith.constant 0 : i32
        %dma_wait3A_149 = tpu.memref_slice %arg16[%add3A_49, %dma_wait3A_148] : memref<10000x128xf32, #tpu.memory_space<vmem_shared>> -> memref<40x128xf32, #tpu.memory_space<vmem_shared>>
        %dma_wait3A_150 = arith.constant 0 : i32
        %dma_wait3A_151 = arith.constant 0 : i32
        %dma_wait3A_152 = tpu.memref_slice %arg12[%dma_wait3A_150, %dma_wait3A_151] : memref<40x128xf32, #tpu.memory_space<vmem>> -> memref<40x128xf32, #tpu.memory_space<vmem>>
        %dma_wait3A_153 = arith.constant 0 : i32
        %dma_wait3A_154 = tpu.memref_slice %arg16[%add3A_49, %dma_wait3A_153] : memref<10000x128xf32, #tpu.memory_space<vmem_shared>> -> memref<40x128xf32, #tpu.memory_space<vmem_shared>>
        tpu.wait_dma2 semaphore(%run_scoped3A : memref<!tpu.dma_semaphore, #tpu.memory_space<semaphore_mem>>) src(%dma_wait3A_154 : memref<40x128xf32, #tpu.memory_space<vmem_shared>>) dst(%dma_wait3A_152 : memref<40x128xf32, #tpu.memory_space<vmem>>)
        tpu.yield
      }) : () -> ()
      %mul3A_50 = arith.constant 10000 : i32
      %mul3A_51 = arith.muli %arg0, %mul3A_50 : i32
      %add3A_52 = arith.addi %mul3A_51, %add3A_49 : i32
      "tpu.region"() ({
        %run_scoped3A = tpu.sem_alloc : memref<!tpu.dma_semaphore, #tpu.memory_space<semaphore_mem>>
        %dma_start3A = arith.constant 0 : i32
        %dma_start3A_137 = arith.constant 0 : i32
        %dma_start3A_138 = tpu.memref_slice %arg12[%dma_start3A, %dma_start3A_137] : memref<40x128xf32, #tpu.memory_space<vmem>> -> memref<40x128xf32, #tpu.memory_space<vmem>>
        %dma_start3A_139 = arith.constant 0 : i32
        %dma_start3A_140 = tpu.memref_slice %arg7[%add3A_52, %dma_start3A_139] : memref<20000x128xf32, #tpu.memory_space<hbm>> -> memref<40x128xf32, #tpu.memory_space<hbm>>
        %dma_start3A_141 = arith.constant 0 : i32
        %dma_start3A_142 = tpu.memref_slice %arg7[%add3A_52, %dma_start3A_141] : memref<20000x128xf32, #tpu.memory_space<hbm>> -> memref<40x128xf32, #tpu.memory_space<hbm>>
        %dma_start3A_143 = arith.constant 0 : i32
        %dma_start3A_144 = arith.constant 0 : i32
        %dma_start3A_145 = tpu.memref_slice %arg12[%dma_start3A_143, %dma_start3A_144] : memref<40x128xf32, #tpu.memory_space<vmem>> -> memref<40x128xf32, #tpu.memory_space<vmem>>
        tpu.enqueue_dma source(%dma_start3A_145 : memref<40x128xf32, #tpu.memory_space<vmem>>) target(%dma_start3A_142 : memref<40x128xf32, #tpu.memory_space<hbm>>) target_semaphore(%run_scoped3A : memref<!tpu.dma_semaphore, #tpu.memory_space<semaphore_mem>>)
        %dma_wait3A = arith.constant 0 : i32
        %dma_wait3A_146 = arith.constant 0 : i32
        %dma_wait3A_147 = tpu.memref_slice %arg12[%dma_wait3A, %dma_wait3A_146] : memref<40x128xf32, #tpu.memory_space<vmem>> -> memref<40x128xf32, #tpu.memory_space<vmem>>
        %dma_wait3A_148 = arith.constant 0 : i32
        %dma_wait3A_149 = tpu.memref_slice %arg7[%add3A_52, %dma_wait3A_148] : memref<20000x128xf32, #tpu.memory_space<hbm>> -> memref<40x128xf32, #tpu.memory_space<hbm>>
        %dma_wait3A_150 = arith.constant 0 : i32
        %dma_wait3A_151 = tpu.memref_slice %arg7[%add3A_52, %dma_wait3A_150] : memref<20000x128xf32, #tpu.memory_space<hbm>> -> memref<40x128xf32, #tpu.memory_space<hbm>>
        %dma_wait3A_152 = arith.constant 0 : i32
        %dma_wait3A_153 = arith.constant 0 : i32
        %dma_wait3A_154 = tpu.memref_slice %arg12[%dma_wait3A_152, %dma_wait3A_153] : memref<40x128xf32, #tpu.memory_space<vmem>> -> memref<40x128xf32, #tpu.memory_space<vmem>>
        tpu.wait_dma2 semaphore(%run_scoped3A : memref<!tpu.dma_semaphore, #tpu.memory_space<semaphore_mem>>) src(%dma_wait3A_154 : memref<40x128xf32, #tpu.memory_space<vmem>>) dst(%dma_wait3A_151 : memref<40x128xf32, #tpu.memory_space<hbm>>)
        tpu.yield
      }) : () -> ()
      %mul3A_53 = arith.constant 640 : i32
      %mul3A_54 = arith.muli %arg1, %mul3A_53 : i32
      %add3A_55 = arith.constant 160 : i32
      %add3A_56 = arith.addi %mul3A_54, %add3A_55 : i32
      "tpu.region"() ({
        %run_scoped3A = tpu.sem_alloc : memref<!tpu.dma_semaphore, #tpu.memory_space<semaphore_mem>>
        %dma_start3A = arith.constant 0 : i32
        %dma_start3A_137 = arith.constant 0 : i32
        %dma_start3A_138 = tpu.memref_slice %arg12[%dma_start3A, %dma_start3A_137] : memref<40x128xf32, #tpu.memory_space<vmem>> -> memref<40x128xf32, #tpu.memory_space<vmem>>
        %dma_start3A_139 = arith.constant 0 : i32
        %dma_start3A_140 = tpu.memref_slice %arg16[%add3A_56, %dma_start3A_139] : memref<10000x128xf32, #tpu.memory_space<vmem_shared>> -> memref<40x128xf32, #tpu.memory_space<vmem_shared>>
        %dma_start3A_141 = arith.constant 0 : i32
        %dma_start3A_142 = arith.constant 0 : i32
        %dma_start3A_143 = tpu.memref_slice %arg12[%dma_start3A_141, %dma_start3A_142] : memref<40x128xf32, #tpu.memory_space<vmem>> -> memref<40x128xf32, #tpu.memory_space<vmem>>
        %dma_start3A_144 = arith.constant 0 : i32
        %dma_start3A_145 = tpu.memref_slice %arg16[%add3A_56, %dma_start3A_144] : memref<10000x128xf32, #tpu.memory_space<vmem_shared>> -> memref<40x128xf32, #tpu.memory_space<vmem_shared>>
        tpu.enqueue_dma source(%dma_start3A_145 : memref<40x128xf32, #tpu.memory_space<vmem_shared>>) target(%dma_start3A_143 : memref<40x128xf32, #tpu.memory_space<vmem>>) target_semaphore(%run_scoped3A : memref<!tpu.dma_semaphore, #tpu.memory_space<semaphore_mem>>)
        %dma_wait3A = arith.constant 0 : i32
        %dma_wait3A_146 = arith.constant 0 : i32
        %dma_wait3A_147 = tpu.memref_slice %arg12[%dma_wait3A, %dma_wait3A_146] : memref<40x128xf32, #tpu.memory_space<vmem>> -> memref<40x128xf32, #tpu.memory_space<vmem>>
        %dma_wait3A_148 = arith.constant 0 : i32
        %dma_wait3A_149 = tpu.memref_slice %arg16[%add3A_56, %dma_wait3A_148] : memref<10000x128xf32, #tpu.memory_space<vmem_shared>> -> memref<40x128xf32, #tpu.memory_space<vmem_shared>>
        %dma_wait3A_150 = arith.constant 0 : i32
        %dma_wait3A_151 = arith.constant 0 : i32
        %dma_wait3A_152 = tpu.memref_slice %arg12[%dma_wait3A_150, %dma_wait3A_151] : memref<40x128xf32, #tpu.memory_space<vmem>> -> memref<40x128xf32, #tpu.memory_space<vmem>>
        %dma_wait3A_153 = arith.constant 0 : i32
        %dma_wait3A_154 = tpu.memref_slice %arg16[%add3A_56, %dma_wait3A_153] : memref<10000x128xf32, #tpu.memory_space<vmem_shared>> -> memref<40x128xf32, #tpu.memory_space<vmem_shared>>
        tpu.wait_dma2 semaphore(%run_scoped3A : memref<!tpu.dma_semaphore, #tpu.memory_space<semaphore_mem>>) src(%dma_wait3A_154 : memref<40x128xf32, #tpu.memory_space<vmem_shared>>) dst(%dma_wait3A_152 : memref<40x128xf32, #tpu.memory_space<vmem>>)
        tpu.yield
      }) : () -> ()
      %mul3A_57 = arith.constant 10000 : i32
      %mul3A_58 = arith.muli %arg0, %mul3A_57 : i32
      %add3A_59 = arith.addi %mul3A_58, %add3A_56 : i32
      "tpu.region"() ({
        %run_scoped3A = tpu.sem_alloc : memref<!tpu.dma_semaphore, #tpu.memory_space<semaphore_mem>>
        %dma_start3A = arith.constant 0 : i32
        %dma_start3A_137 = arith.constant 0 : i32
        %dma_start3A_138 = tpu.memref_slice %arg12[%dma_start3A, %dma_start3A_137] : memref<40x128xf32, #tpu.memory_space<vmem>> -> memref<40x128xf32, #tpu.memory_space<vmem>>
        %dma_start3A_139 = arith.constant 0 : i32
        %dma_start3A_140 = tpu.memref_slice %arg7[%add3A_59, %dma_start3A_139] : memref<20000x128xf32, #tpu.memory_space<hbm>> -> memref<40x128xf32, #tpu.memory_space<hbm>>
        %dma_start3A_141 = arith.constant 0 : i32
        %dma_start3A_142 = tpu.memref_slice %arg7[%add3A_59, %dma_start3A_141] : memref<20000x128xf32, #tpu.memory_space<hbm>> -> memref<40x128xf32, #tpu.memory_space<hbm>>
        %dma_start3A_143 = arith.constant 0 : i32
        %dma_start3A_144 = arith.constant 0 : i32
        %dma_start3A_145 = tpu.memref_slice %arg12[%dma_start3A_143, %dma_start3A_144] : memref<40x128xf32, #tpu.memory_space<vmem>> -> memref<40x128xf32, #tpu.memory_space<vmem>>
        tpu.enqueue_dma source(%dma_start3A_145 : memref<40x128xf32, #tpu.memory_space<vmem>>) target(%dma_start3A_142 : memref<40x128xf32, #tpu.memory_space<hbm>>) target_semaphore(%run_scoped3A : memref<!tpu.dma_semaphore, #tpu.memory_space<semaphore_mem>>)
        %dma_wait3A = arith.constant 0 : i32
        %dma_wait3A_146 = arith.constant 0 : i32
        %dma_wait3A_147 = tpu.memref_slice %arg12[%dma_wait3A, %dma_wait3A_146] : memref<40x128xf32, #tpu.memory_space<vmem>> -> memref<40x128xf32, #tpu.memory_space<vmem>>
        %dma_wait3A_148 = arith.constant 0 : i32
        %dma_wait3A_149 = tpu.memref_slice %arg7[%add3A_59, %dma_wait3A_148] : memref<20000x128xf32, #tpu.memory_space<hbm>> -> memref<40x128xf32, #tpu.memory_space<hbm>>
        %dma_wait3A_150 = arith.constant 0 : i32
        %dma_wait3A_151 = tpu.memref_slice %arg7[%add3A_59, %dma_wait3A_150] : memref<20000x128xf32, #tpu.memory_space<hbm>> -> memref<40x128xf32, #tpu.memory_space<hbm>>
        %dma_wait3A_152 = arith.constant 0 : i32
        %dma_wait3A_153 = arith.constant 0 : i32
        %dma_wait3A_154 = tpu.memref_slice %arg12[%dma_wait3A_152, %dma_wait3A_153] : memref<40x128xf32, #tpu.memory_space<vmem>> -> memref<40x128xf32, #tpu.memory_space<vmem>>
        tpu.wait_dma2 semaphore(%run_scoped3A : memref<!tpu.dma_semaphore, #tpu.memory_space<semaphore_mem>>) src(%dma_wait3A_154 : memref<40x128xf32, #tpu.memory_space<vmem>>) dst(%dma_wait3A_151 : memref<40x128xf32, #tpu.memory_space<hbm>>)
        tpu.yield
      }) : () -> ()
      %mul3A_60 = arith.constant 640 : i32
      %mul3A_61 = arith.muli %arg1, %mul3A_60 : i32
      %add3A_62 = arith.constant 200 : i32
      %add3A_63 = arith.addi %mul3A_61, %add3A_62 : i32
      "tpu.region"() ({
        %run_scoped3A = tpu.sem_alloc : memref<!tpu.dma_semaphore, #tpu.memory_space<semaphore_mem>>
        %dma_start3A = arith.constant 0 : i32
        %dma_start3A_137 = arith.constant 0 : i32
        %dma_start3A_138 = tpu.memref_slice %arg12[%dma_start3A, %dma_start3A_137] : memref<40x128xf32, #tpu.memory_space<vmem>> -> memref<40x128xf32, #tpu.memory_space<vmem>>
        %dma_start3A_139 = arith.constant 0 : i32
        %dma_start3A_140 = tpu.memref_slice %arg16[%add3A_63, %dma_start3A_139] : memref<10000x128xf32, #tpu.memory_space<vmem_shared>> -> memref<40x128xf32, #tpu.memory_space<vmem_shared>>
        %dma_start3A_141 = arith.constant 0 : i32
        %dma_start3A_142 = arith.constant 0 : i32
        %dma_start3A_143 = tpu.memref_slice %arg12[%dma_start3A_141, %dma_start3A_142] : memref<40x128xf32, #tpu.memory_space<vmem>> -> memref<40x128xf32, #tpu.memory_space<vmem>>
        %dma_start3A_144 = arith.constant 0 : i32
        %dma_start3A_145 = tpu.memref_slice %arg16[%add3A_63, %dma_start3A_144] : memref<10000x128xf32, #tpu.memory_space<vmem_shared>> -> memref<40x128xf32, #tpu.memory_space<vmem_shared>>
        tpu.enqueue_dma source(%dma_start3A_145 : memref<40x128xf32, #tpu.memory_space<vmem_shared>>) target(%dma_start3A_143 : memref<40x128xf32, #tpu.memory_space<vmem>>) target_semaphore(%run_scoped3A : memref<!tpu.dma_semaphore, #tpu.memory_space<semaphore_mem>>)
        %dma_wait3A = arith.constant 0 : i32
        %dma_wait3A_146 = arith.constant 0 : i32
        %dma_wait3A_147 = tpu.memref_slice %arg12[%dma_wait3A, %dma_wait3A_146] : memref<40x128xf32, #tpu.memory_space<vmem>> -> memref<40x128xf32, #tpu.memory_space<vmem>>
        %dma_wait3A_148 = arith.constant 0 : i32
        %dma_wait3A_149 = tpu.memref_slice %arg16[%add3A_63, %dma_wait3A_148] : memref<10000x128xf32, #tpu.memory_space<vmem_shared>> -> memref<40x128xf32, #tpu.memory_space<vmem_shared>>
        %dma_wait3A_150 = arith.constant 0 : i32
        %dma_wait3A_151 = arith.constant 0 : i32
        %dma_wait3A_152 = tpu.memref_slice %arg12[%dma_wait3A_150, %dma_wait3A_151] : memref<40x128xf32, #tpu.memory_space<vmem>> -> memref<40x128xf32, #tpu.memory_space<vmem>>
        %dma_wait3A_153 = arith.constant 0 : i32
        %dma_wait3A_154 = tpu.memref_slice %arg16[%add3A_63, %dma_wait3A_153] : memref<10000x128xf32, #tpu.memory_space<vmem_shared>> -> memref<40x128xf32, #tpu.memory_space<vmem_shared>>
        tpu.wait_dma2 semaphore(%run_scoped3A : memref<!tpu.dma_semaphore, #tpu.memory_space<semaphore_mem>>) src(%dma_wait3A_154 : memref<40x128xf32, #tpu.memory_space<vmem_shared>>) dst(%dma_wait3A_152 : memref<40x128xf32, #tpu.memory_space<vmem>>)
        tpu.yield
      }) : () -> ()
      %mul3A_64 = arith.constant 10000 : i32
      %mul3A_65 = arith.muli %arg0, %mul3A_64 : i32
      %add3A_66 = arith.addi %mul3A_65, %add3A_63 : i32
      "tpu.region"() ({
        %run_scoped3A = tpu.sem_alloc : memref<!tpu.dma_semaphore, #tpu.memory_space<semaphore_mem>>
        %dma_start3A = arith.constant 0 : i32
        %dma_start3A_137 = arith.constant 0 : i32
        %dma_start3A_138 = tpu.memref_slice %arg12[%dma_start3A, %dma_start3A_137] : memref<40x128xf32, #tpu.memory_space<vmem>> -> memref<40x128xf32, #tpu.memory_space<vmem>>
        %dma_start3A_139 = arith.constant 0 : i32
        %dma_start3A_140 = tpu.memref_slice %arg7[%add3A_66, %dma_start3A_139] : memref<20000x128xf32, #tpu.memory_space<hbm>> -> memref<40x128xf32, #tpu.memory_space<hbm>>
        %dma_start3A_141 = arith.constant 0 : i32
        %dma_start3A_142 = tpu.memref_slice %arg7[%add3A_66, %dma_start3A_141] : memref<20000x128xf32, #tpu.memory_space<hbm>> -> memref<40x128xf32, #tpu.memory_space<hbm>>
        %dma_start3A_143 = arith.constant 0 : i32
        %dma_start3A_144 = arith.constant 0 : i32
        %dma_start3A_145 = tpu.memref_slice %arg12[%dma_start3A_143, %dma_start3A_144] : memref<40x128xf32, #tpu.memory_space<vmem>> -> memref<40x128xf32, #tpu.memory_space<vmem>>
        tpu.enqueue_dma source(%dma_start3A_145 : memref<40x128xf32, #tpu.memory_space<vmem>>) target(%dma_start3A_142 : memref<40x128xf32, #tpu.memory_space<hbm>>) target_semaphore(%run_scoped3A : memref<!tpu.dma_semaphore, #tpu.memory_space<semaphore_mem>>)
        %dma_wait3A = arith.constant 0 : i32
        %dma_wait3A_146 = arith.constant 0 : i32
        %dma_wait3A_147 = tpu.memref_slice %arg12[%dma_wait3A, %dma_wait3A_146] : memref<40x128xf32, #tpu.memory_space<vmem>> -> memref<40x128xf32, #tpu.memory_space<vmem>>
        %dma_wait3A_148 = arith.constant 0 : i32
        %dma_wait3A_149 = tpu.memref_slice %arg7[%add3A_66, %dma_wait3A_148] : memref<20000x128xf32, #tpu.memory_space<hbm>> -> memref<40x128xf32, #tpu.memory_space<hbm>>
        %dma_wait3A_150 = arith.constant 0 : i32
        %dma_wait3A_151 = tpu.memref_slice %arg7[%add3A_66, %dma_wait3A_150] : memref<20000x128xf32, #tpu.memory_space<hbm>> -> memref<40x128xf32, #tpu.memory_space<hbm>>
        %dma_wait3A_152 = arith.constant 0 : i32
        %dma_wait3A_153 = arith.constant 0 : i32
        %dma_wait3A_154 = tpu.memref_slice %arg12[%dma_wait3A_152, %dma_wait3A_153] : memref<40x128xf32, #tpu.memory_space<vmem>> -> memref<40x128xf32, #tpu.memory_space<vmem>>
        tpu.wait_dma2 semaphore(%run_scoped3A : memref<!tpu.dma_semaphore, #tpu.memory_space<semaphore_mem>>) src(%dma_wait3A_154 : memref<40x128xf32, #tpu.memory_space<vmem>>) dst(%dma_wait3A_151 : memref<40x128xf32, #tpu.memory_space<hbm>>)
        tpu.yield
      }) : () -> ()
      %mul3A_67 = arith.constant 640 : i32
      %mul3A_68 = arith.muli %arg1, %mul3A_67 : i32
      %add3A_69 = arith.constant 240 : i32
      %add3A_70 = arith.addi %mul3A_68, %add3A_69 : i32
      "tpu.region"() ({
        %run_scoped3A = tpu.sem_alloc : memref<!tpu.dma_semaphore, #tpu.memory_space<semaphore_mem>>
        %dma_start3A = arith.constant 0 : i32
        %dma_start3A_137 = arith.constant 0 : i32
        %dma_start3A_138 = tpu.memref_slice %arg12[%dma_start3A, %dma_start3A_137] : memref<40x128xf32, #tpu.memory_space<vmem>> -> memref<40x128xf32, #tpu.memory_space<vmem>>
        %dma_start3A_139 = arith.constant 0 : i32
        %dma_start3A_140 = tpu.memref_slice %arg16[%add3A_70, %dma_start3A_139] : memref<10000x128xf32, #tpu.memory_space<vmem_shared>> -> memref<40x128xf32, #tpu.memory_space<vmem_shared>>
        %dma_start3A_141 = arith.constant 0 : i32
        %dma_start3A_142 = arith.constant 0 : i32
        %dma_start3A_143 = tpu.memref_slice %arg12[%dma_start3A_141, %dma_start3A_142] : memref<40x128xf32, #tpu.memory_space<vmem>> -> memref<40x128xf32, #tpu.memory_space<vmem>>
        %dma_start3A_144 = arith.constant 0 : i32
        %dma_start3A_145 = tpu.memref_slice %arg16[%add3A_70, %dma_start3A_144] : memref<10000x128xf32, #tpu.memory_space<vmem_shared>> -> memref<40x128xf32, #tpu.memory_space<vmem_shared>>
        tpu.enqueue_dma source(%dma_start3A_145 : memref<40x128xf32, #tpu.memory_space<vmem_shared>>) target(%dma_start3A_143 : memref<40x128xf32, #tpu.memory_space<vmem>>) target_semaphore(%run_scoped3A : memref<!tpu.dma_semaphore, #tpu.memory_space<semaphore_mem>>)
        %dma_wait3A = arith.constant 0 : i32
        %dma_wait3A_146 = arith.constant 0 : i32
        %dma_wait3A_147 = tpu.memref_slice %arg12[%dma_wait3A, %dma_wait3A_146] : memref<40x128xf32, #tpu.memory_space<vmem>> -> memref<40x128xf32, #tpu.memory_space<vmem>>
        %dma_wait3A_148 = arith.constant 0 : i32
        %dma_wait3A_149 = tpu.memref_slice %arg16[%add3A_70, %dma_wait3A_148] : memref<10000x128xf32, #tpu.memory_space<vmem_shared>> -> memref<40x128xf32, #tpu.memory_space<vmem_shared>>
        %dma_wait3A_150 = arith.constant 0 : i32
        %dma_wait3A_151 = arith.constant 0 : i32
        %dma_wait3A_152 = tpu.memref_slice %arg12[%dma_wait3A_150, %dma_wait3A_151] : memref<40x128xf32, #tpu.memory_space<vmem>> -> memref<40x128xf32, #tpu.memory_space<vmem>>
        %dma_wait3A_153 = arith.constant 0 : i32
        %dma_wait3A_154 = tpu.memref_slice %arg16[%add3A_70, %dma_wait3A_153] : memref<10000x128xf32, #tpu.memory_space<vmem_shared>> -> memref<40x128xf32, #tpu.memory_space<vmem_shared>>
        tpu.wait_dma2 semaphore(%run_scoped3A : memref<!tpu.dma_semaphore, #tpu.memory_space<semaphore_mem>>) src(%dma_wait3A_154 : memref<40x128xf32, #tpu.memory_space<vmem_shared>>) dst(%dma_wait3A_152 : memref<40x128xf32, #tpu.memory_space<vmem>>)
        tpu.yield
      }) : () -> ()
      %mul3A_71 = arith.constant 10000 : i32
      %mul3A_72 = arith.muli %arg0, %mul3A_71 : i32
      %add3A_73 = arith.addi %mul3A_72, %add3A_70 : i32
      "tpu.region"() ({
        %run_scoped3A = tpu.sem_alloc : memref<!tpu.dma_semaphore, #tpu.memory_space<semaphore_mem>>
        %dma_start3A = arith.constant 0 : i32
        %dma_start3A_137 = arith.constant 0 : i32
        %dma_start3A_138 = tpu.memref_slice %arg12[%dma_start3A, %dma_start3A_137] : memref<40x128xf32, #tpu.memory_space<vmem>> -> memref<40x128xf32, #tpu.memory_space<vmem>>
        %dma_start3A_139 = arith.constant 0 : i32
        %dma_start3A_140 = tpu.memref_slice %arg7[%add3A_73, %dma_start3A_139] : memref<20000x128xf32, #tpu.memory_space<hbm>> -> memref<40x128xf32, #tpu.memory_space<hbm>>
        %dma_start3A_141 = arith.constant 0 : i32
        %dma_start3A_142 = tpu.memref_slice %arg7[%add3A_73, %dma_start3A_141] : memref<20000x128xf32, #tpu.memory_space<hbm>> -> memref<40x128xf32, #tpu.memory_space<hbm>>
        %dma_start3A_143 = arith.constant 0 : i32
        %dma_start3A_144 = arith.constant 0 : i32
        %dma_start3A_145 = tpu.memref_slice %arg12[%dma_start3A_143, %dma_start3A_144] : memref<40x128xf32, #tpu.memory_space<vmem>> -> memref<40x128xf32, #tpu.memory_space<vmem>>
        tpu.enqueue_dma source(%dma_start3A_145 : memref<40x128xf32, #tpu.memory_space<vmem>>) target(%dma_start3A_142 : memref<40x128xf32, #tpu.memory_space<hbm>>) target_semaphore(%run_scoped3A : memref<!tpu.dma_semaphore, #tpu.memory_space<semaphore_mem>>)
        %dma_wait3A = arith.constant 0 : i32
        %dma_wait3A_146 = arith.constant 0 : i32
        %dma_wait3A_147 = tpu.memref_slice %arg12[%dma_wait3A, %dma_wait3A_146] : memref<40x128xf32, #tpu.memory_space<vmem>> -> memref<40x128xf32, #tpu.memory_space<vmem>>
        %dma_wait3A_148 = arith.constant 0 : i32
        %dma_wait3A_149 = tpu.memref_slice %arg7[%add3A_73, %dma_wait3A_148] : memref<20000x128xf32, #tpu.memory_space<hbm>> -> memref<40x128xf32, #tpu.memory_space<hbm>>
        %dma_wait3A_150 = arith.constant 0 : i32
        %dma_wait3A_151 = tpu.memref_slice %arg7[%add3A_73, %dma_wait3A_150] : memref<20000x128xf32, #tpu.memory_space<hbm>> -> memref<40x128xf32, #tpu.memory_space<hbm>>
        %dma_wait3A_152 = arith.constant 0 : i32
        %dma_wait3A_153 = arith.constant 0 : i32
        %dma_wait3A_154 = tpu.memref_slice %arg12[%dma_wait3A_152, %dma_wait3A_153] : memref<40x128xf32, #tpu.memory_space<vmem>> -> memref<40x128xf32, #tpu.memory_space<vmem>>
        tpu.wait_dma2 semaphore(%run_scoped3A : memref<!tpu.dma_semaphore, #tpu.memory_space<semaphore_mem>>) src(%dma_wait3A_154 : memref<40x128xf32, #tpu.memory_space<vmem>>) dst(%dma_wait3A_151 : memref<40x128xf32, #tpu.memory_space<hbm>>)
        tpu.yield
      }) : () -> ()
      %mul3A_74 = arith.constant 640 : i32
      %mul3A_75 = arith.muli %arg1, %mul3A_74 : i32
      %add3A_76 = arith.constant 280 : i32
      %add3A_77 = arith.addi %mul3A_75, %add3A_76 : i32
      "tpu.region"() ({
        %run_scoped3A = tpu.sem_alloc : memref<!tpu.dma_semaphore, #tpu.memory_space<semaphore_mem>>
        %dma_start3A = arith.constant 0 : i32
        %dma_start3A_137 = arith.constant 0 : i32
        %dma_start3A_138 = tpu.memref_slice %arg12[%dma_start3A, %dma_start3A_137] : memref<40x128xf32, #tpu.memory_space<vmem>> -> memref<40x128xf32, #tpu.memory_space<vmem>>
        %dma_start3A_139 = arith.constant 0 : i32
        %dma_start3A_140 = tpu.memref_slice %arg16[%add3A_77, %dma_start3A_139] : memref<10000x128xf32, #tpu.memory_space<vmem_shared>> -> memref<40x128xf32, #tpu.memory_space<vmem_shared>>
        %dma_start3A_141 = arith.constant 0 : i32
        %dma_start3A_142 = arith.constant 0 : i32
        %dma_start3A_143 = tpu.memref_slice %arg12[%dma_start3A_141, %dma_start3A_142] : memref<40x128xf32, #tpu.memory_space<vmem>> -> memref<40x128xf32, #tpu.memory_space<vmem>>
        %dma_start3A_144 = arith.constant 0 : i32
        %dma_start3A_145 = tpu.memref_slice %arg16[%add3A_77, %dma_start3A_144] : memref<10000x128xf32, #tpu.memory_space<vmem_shared>> -> memref<40x128xf32, #tpu.memory_space<vmem_shared>>
        tpu.enqueue_dma source(%dma_start3A_145 : memref<40x128xf32, #tpu.memory_space<vmem_shared>>) target(%dma_start3A_143 : memref<40x128xf32, #tpu.memory_space<vmem>>) target_semaphore(%run_scoped3A : memref<!tpu.dma_semaphore, #tpu.memory_space<semaphore_mem>>)
        %dma_wait3A = arith.constant 0 : i32
        %dma_wait3A_146 = arith.constant 0 : i32
        %dma_wait3A_147 = tpu.memref_slice %arg12[%dma_wait3A, %dma_wait3A_146] : memref<40x128xf32, #tpu.memory_space<vmem>> -> memref<40x128xf32, #tpu.memory_space<vmem>>
        %dma_wait3A_148 = arith.constant 0 : i32
        %dma_wait3A_149 = tpu.memref_slice %arg16[%add3A_77, %dma_wait3A_148] : memref<10000x128xf32, #tpu.memory_space<vmem_shared>> -> memref<40x128xf32, #tpu.memory_space<vmem_shared>>
        %dma_wait3A_150 = arith.constant 0 : i32
        %dma_wait3A_151 = arith.constant 0 : i32
        %dma_wait3A_152 = tpu.memref_slice %arg12[%dma_wait3A_150, %dma_wait3A_151] : memref<40x128xf32, #tpu.memory_space<vmem>> -> memref<40x128xf32, #tpu.memory_space<vmem>>
        %dma_wait3A_153 = arith.constant 0 : i32
        %dma_wait3A_154 = tpu.memref_slice %arg16[%add3A_77, %dma_wait3A_153] : memref<10000x128xf32, #tpu.memory_space<vmem_shared>> -> memref<40x128xf32, #tpu.memory_space<vmem_shared>>
        tpu.wait_dma2 semaphore(%run_scoped3A : memref<!tpu.dma_semaphore, #tpu.memory_space<semaphore_mem>>) src(%dma_wait3A_154 : memref<40x128xf32, #tpu.memory_space<vmem_shared>>) dst(%dma_wait3A_152 : memref<40x128xf32, #tpu.memory_space<vmem>>)
        tpu.yield
      }) : () -> ()
      %mul3A_78 = arith.constant 10000 : i32
      %mul3A_79 = arith.muli %arg0, %mul3A_78 : i32
      %add3A_80 = arith.addi %mul3A_79, %add3A_77 : i32
      "tpu.region"() ({
        %run_scoped3A = tpu.sem_alloc : memref<!tpu.dma_semaphore, #tpu.memory_space<semaphore_mem>>
        %dma_start3A = arith.constant 0 : i32
        %dma_start3A_137 = arith.constant 0 : i32
        %dma_start3A_138 = tpu.memref_slice %arg12[%dma_start3A, %dma_start3A_137] : memref<40x128xf32, #tpu.memory_space<vmem>> -> memref<40x128xf32, #tpu.memory_space<vmem>>
        %dma_start3A_139 = arith.constant 0 : i32
        %dma_start3A_140 = tpu.memref_slice %arg7[%add3A_80, %dma_start3A_139] : memref<20000x128xf32, #tpu.memory_space<hbm>> -> memref<40x128xf32, #tpu.memory_space<hbm>>
        %dma_start3A_141 = arith.constant 0 : i32
        %dma_start3A_142 = tpu.memref_slice %arg7[%add3A_80, %dma_start3A_141] : memref<20000x128xf32, #tpu.memory_space<hbm>> -> memref<40x128xf32, #tpu.memory_space<hbm>>
        %dma_start3A_143 = arith.constant 0 : i32
        %dma_start3A_144 = arith.constant 0 : i32
        %dma_start3A_145 = tpu.memref_slice %arg12[%dma_start3A_143, %dma_start3A_144] : memref<40x128xf32, #tpu.memory_space<vmem>> -> memref<40x128xf32, #tpu.memory_space<vmem>>
        tpu.enqueue_dma source(%dma_start3A_145 : memref<40x128xf32, #tpu.memory_space<vmem>>) target(%dma_start3A_142 : memref<40x128xf32, #tpu.memory_space<hbm>>) target_semaphore(%run_scoped3A : memref<!tpu.dma_semaphore, #tpu.memory_space<semaphore_mem>>)
        %dma_wait3A = arith.constant 0 : i32
        %dma_wait3A_146 = arith.constant 0 : i32
        %dma_wait3A_147 = tpu.memref_slice %arg12[%dma_wait3A, %dma_wait3A_146] : memref<40x128xf32, #tpu.memory_space<vmem>> -> memref<40x128xf32, #tpu.memory_space<vmem>>
        %dma_wait3A_148 = arith.constant 0 : i32
        %dma_wait3A_149 = tpu.memref_slice %arg7[%add3A_80, %dma_wait3A_148] : memref<20000x128xf32, #tpu.memory_space<hbm>> -> memref<40x128xf32, #tpu.memory_space<hbm>>
        %dma_wait3A_150 = arith.constant 0 : i32
        %dma_wait3A_151 = tpu.memref_slice %arg7[%add3A_80, %dma_wait3A_150] : memref<20000x128xf32, #tpu.memory_space<hbm>> -> memref<40x128xf32, #tpu.memory_space<hbm>>
        %dma_wait3A_152 = arith.constant 0 : i32
        %dma_wait3A_153 = arith.constant 0 : i32
        %dma_wait3A_154 = tpu.memref_slice %arg12[%dma_wait3A_152, %dma_wait3A_153] : memref<40x128xf32, #tpu.memory_space<vmem>> -> memref<40x128xf32, #tpu.memory_space<vmem>>
        tpu.wait_dma2 semaphore(%run_scoped3A : memref<!tpu.dma_semaphore, #tpu.memory_space<semaphore_mem>>) src(%dma_wait3A_154 : memref<40x128xf32, #tpu.memory_space<vmem>>) dst(%dma_wait3A_151 : memref<40x128xf32, #tpu.memory_space<hbm>>)
        tpu.yield
      }) : () -> ()
      %mul3A_81 = arith.constant 640 : i32
      %mul3A_82 = arith.muli %arg1, %mul3A_81 : i32
      %add3A_83 = arith.constant 320 : i32
      %add3A_84 = arith.addi %mul3A_82, %add3A_83 : i32
      "tpu.region"() ({
        %run_scoped3A = tpu.sem_alloc : memref<!tpu.dma_semaphore, #tpu.memory_space<semaphore_mem>>
        %dma_start3A = arith.constant 0 : i32
        %dma_start3A_137 = arith.constant 0 : i32
        %dma_start3A_138 = tpu.memref_slice %arg12[%dma_start3A, %dma_start3A_137] : memref<40x128xf32, #tpu.memory_space<vmem>> -> memref<40x128xf32, #tpu.memory_space<vmem>>
        %dma_start3A_139 = arith.constant 0 : i32
        %dma_start3A_140 = tpu.memref_slice %arg16[%add3A_84, %dma_start3A_139] : memref<10000x128xf32, #tpu.memory_space<vmem_shared>> -> memref<40x128xf32, #tpu.memory_space<vmem_shared>>
        %dma_start3A_141 = arith.constant 0 : i32
        %dma_start3A_142 = arith.constant 0 : i32
        %dma_start3A_143 = tpu.memref_slice %arg12[%dma_start3A_141, %dma_start3A_142] : memref<40x128xf32, #tpu.memory_space<vmem>> -> memref<40x128xf32, #tpu.memory_space<vmem>>
        %dma_start3A_144 = arith.constant 0 : i32
        %dma_start3A_145 = tpu.memref_slice %arg16[%add3A_84, %dma_start3A_144] : memref<10000x128xf32, #tpu.memory_space<vmem_shared>> -> memref<40x128xf32, #tpu.memory_space<vmem_shared>>
        tpu.enqueue_dma source(%dma_start3A_145 : memref<40x128xf32, #tpu.memory_space<vmem_shared>>) target(%dma_start3A_143 : memref<40x128xf32, #tpu.memory_space<vmem>>) target_semaphore(%run_scoped3A : memref<!tpu.dma_semaphore, #tpu.memory_space<semaphore_mem>>)
        %dma_wait3A = arith.constant 0 : i32
        %dma_wait3A_146 = arith.constant 0 : i32
        %dma_wait3A_147 = tpu.memref_slice %arg12[%dma_wait3A, %dma_wait3A_146] : memref<40x128xf32, #tpu.memory_space<vmem>> -> memref<40x128xf32, #tpu.memory_space<vmem>>
        %dma_wait3A_148 = arith.constant 0 : i32
        %dma_wait3A_149 = tpu.memref_slice %arg16[%add3A_84, %dma_wait3A_148] : memref<10000x128xf32, #tpu.memory_space<vmem_shared>> -> memref<40x128xf32, #tpu.memory_space<vmem_shared>>
        %dma_wait3A_150 = arith.constant 0 : i32
        %dma_wait3A_151 = arith.constant 0 : i32
        %dma_wait3A_152 = tpu.memref_slice %arg12[%dma_wait3A_150, %dma_wait3A_151] : memref<40x128xf32, #tpu.memory_space<vmem>> -> memref<40x128xf32, #tpu.memory_space<vmem>>
        %dma_wait3A_153 = arith.constant 0 : i32
        %dma_wait3A_154 = tpu.memref_slice %arg16[%add3A_84, %dma_wait3A_153] : memref<10000x128xf32, #tpu.memory_space<vmem_shared>> -> memref<40x128xf32, #tpu.memory_space<vmem_shared>>
        tpu.wait_dma2 semaphore(%run_scoped3A : memref<!tpu.dma_semaphore, #tpu.memory_space<semaphore_mem>>) src(%dma_wait3A_154 : memref<40x128xf32, #tpu.memory_space<vmem_shared>>) dst(%dma_wait3A_152 : memref<40x128xf32, #tpu.memory_space<vmem>>)
        tpu.yield
      }) : () -> ()
      %mul3A_85 = arith.constant 10000 : i32
      %mul3A_86 = arith.muli %arg0, %mul3A_85 : i32
      %add3A_87 = arith.addi %mul3A_86, %add3A_84 : i32
      "tpu.region"() ({
        %run_scoped3A = tpu.sem_alloc : memref<!tpu.dma_semaphore, #tpu.memory_space<semaphore_mem>>
        %dma_start3A = arith.constant 0 : i32
        %dma_start3A_137 = arith.constant 0 : i32
        %dma_start3A_138 = tpu.memref_slice %arg12[%dma_start3A, %dma_start3A_137] : memref<40x128xf32, #tpu.memory_space<vmem>> -> memref<40x128xf32, #tpu.memory_space<vmem>>
        %dma_start3A_139 = arith.constant 0 : i32
        %dma_start3A_140 = tpu.memref_slice %arg7[%add3A_87, %dma_start3A_139] : memref<20000x128xf32, #tpu.memory_space<hbm>> -> memref<40x128xf32, #tpu.memory_space<hbm>>
        %dma_start3A_141 = arith.constant 0 : i32
        %dma_start3A_142 = tpu.memref_slice %arg7[%add3A_87, %dma_start3A_141] : memref<20000x128xf32, #tpu.memory_space<hbm>> -> memref<40x128xf32, #tpu.memory_space<hbm>>
        %dma_start3A_143 = arith.constant 0 : i32
        %dma_start3A_144 = arith.constant 0 : i32
        %dma_start3A_145 = tpu.memref_slice %arg12[%dma_start3A_143, %dma_start3A_144] : memref<40x128xf32, #tpu.memory_space<vmem>> -> memref<40x128xf32, #tpu.memory_space<vmem>>
        tpu.enqueue_dma source(%dma_start3A_145 : memref<40x128xf32, #tpu.memory_space<vmem>>) target(%dma_start3A_142 : memref<40x128xf32, #tpu.memory_space<hbm>>) target_semaphore(%run_scoped3A : memref<!tpu.dma_semaphore, #tpu.memory_space<semaphore_mem>>)
        %dma_wait3A = arith.constant 0 : i32
        %dma_wait3A_146 = arith.constant 0 : i32
        %dma_wait3A_147 = tpu.memref_slice %arg12[%dma_wait3A, %dma_wait3A_146] : memref<40x128xf32, #tpu.memory_space<vmem>> -> memref<40x128xf32, #tpu.memory_space<vmem>>
        %dma_wait3A_148 = arith.constant 0 : i32
        %dma_wait3A_149 = tpu.memref_slice %arg7[%add3A_87, %dma_wait3A_148] : memref<20000x128xf32, #tpu.memory_space<hbm>> -> memref<40x128xf32, #tpu.memory_space<hbm>>
        %dma_wait3A_150 = arith.constant 0 : i32
        %dma_wait3A_151 = tpu.memref_slice %arg7[%add3A_87, %dma_wait3A_150] : memref<20000x128xf32, #tpu.memory_space<hbm>> -> memref<40x128xf32, #tpu.memory_space<hbm>>
        %dma_wait3A_152 = arith.constant 0 : i32
        %dma_wait3A_153 = arith.constant 0 : i32
        %dma_wait3A_154 = tpu.memref_slice %arg12[%dma_wait3A_152, %dma_wait3A_153] : memref<40x128xf32, #tpu.memory_space<vmem>> -> memref<40x128xf32, #tpu.memory_space<vmem>>
        tpu.wait_dma2 semaphore(%run_scoped3A : memref<!tpu.dma_semaphore, #tpu.memory_space<semaphore_mem>>) src(%dma_wait3A_154 : memref<40x128xf32, #tpu.memory_space<vmem>>) dst(%dma_wait3A_151 : memref<40x128xf32, #tpu.memory_space<hbm>>)
        tpu.yield
      }) : () -> ()
      %mul3A_88 = arith.constant 640 : i32
      %mul3A_89 = arith.muli %arg1, %mul3A_88 : i32
      %add3A_90 = arith.constant 360 : i32
      %add3A_91 = arith.addi %mul3A_89, %add3A_90 : i32
      "tpu.region"() ({
        %run_scoped3A = tpu.sem_alloc : memref<!tpu.dma_semaphore, #tpu.memory_space<semaphore_mem>>
        %dma_start3A = arith.constant 0 : i32
        %dma_start3A_137 = arith.constant 0 : i32
        %dma_start3A_138 = tpu.memref_slice %arg12[%dma_start3A, %dma_start3A_137] : memref<40x128xf32, #tpu.memory_space<vmem>> -> memref<40x128xf32, #tpu.memory_space<vmem>>
        %dma_start3A_139 = arith.constant 0 : i32
        %dma_start3A_140 = tpu.memref_slice %arg16[%add3A_91, %dma_start3A_139] : memref<10000x128xf32, #tpu.memory_space<vmem_shared>> -> memref<40x128xf32, #tpu.memory_space<vmem_shared>>
        %dma_start3A_141 = arith.constant 0 : i32
        %dma_start3A_142 = arith.constant 0 : i32
        %dma_start3A_143 = tpu.memref_slice %arg12[%dma_start3A_141, %dma_start3A_142] : memref<40x128xf32, #tpu.memory_space<vmem>> -> memref<40x128xf32, #tpu.memory_space<vmem>>
        %dma_start3A_144 = arith.constant 0 : i32
        %dma_start3A_145 = tpu.memref_slice %arg16[%add3A_91, %dma_start3A_144] : memref<10000x128xf32, #tpu.memory_space<vmem_shared>> -> memref<40x128xf32, #tpu.memory_space<vmem_shared>>
        tpu.enqueue_dma source(%dma_start3A_145 : memref<40x128xf32, #tpu.memory_space<vmem_shared>>) target(%dma_start3A_143 : memref<40x128xf32, #tpu.memory_space<vmem>>) target_semaphore(%run_scoped3A : memref<!tpu.dma_semaphore, #tpu.memory_space<semaphore_mem>>)
        %dma_wait3A = arith.constant 0 : i32
        %dma_wait3A_146 = arith.constant 0 : i32
        %dma_wait3A_147 = tpu.memref_slice %arg12[%dma_wait3A, %dma_wait3A_146] : memref<40x128xf32, #tpu.memory_space<vmem>> -> memref<40x128xf32, #tpu.memory_space<vmem>>
        %dma_wait3A_148 = arith.constant 0 : i32
        %dma_wait3A_149 = tpu.memref_slice %arg16[%add3A_91, %dma_wait3A_148] : memref<10000x128xf32, #tpu.memory_space<vmem_shared>> -> memref<40x128xf32, #tpu.memory_space<vmem_shared>>
        %dma_wait3A_150 = arith.constant 0 : i32
        %dma_wait3A_151 = arith.constant 0 : i32
        %dma_wait3A_152 = tpu.memref_slice %arg12[%dma_wait3A_150, %dma_wait3A_151] : memref<40x128xf32, #tpu.memory_space<vmem>> -> memref<40x128xf32, #tpu.memory_space<vmem>>
        %dma_wait3A_153 = arith.constant 0 : i32
        %dma_wait3A_154 = tpu.memref_slice %arg16[%add3A_91, %dma_wait3A_153] : memref<10000x128xf32, #tpu.memory_space<vmem_shared>> -> memref<40x128xf32, #tpu.memory_space<vmem_shared>>
        tpu.wait_dma2 semaphore(%run_scoped3A : memref<!tpu.dma_semaphore, #tpu.memory_space<semaphore_mem>>) src(%dma_wait3A_154 : memref<40x128xf32, #tpu.memory_space<vmem_shared>>) dst(%dma_wait3A_152 : memref<40x128xf32, #tpu.memory_space<vmem>>)
        tpu.yield
      }) : () -> ()
      %mul3A_92 = arith.constant 10000 : i32
      %mul3A_93 = arith.muli %arg0, %mul3A_92 : i32
      %add3A_94 = arith.addi %mul3A_93, %add3A_91 : i32
      "tpu.region"() ({
        %run_scoped3A = tpu.sem_alloc : memref<!tpu.dma_semaphore, #tpu.memory_space<semaphore_mem>>
        %dma_start3A = arith.constant 0 : i32
        %dma_start3A_137 = arith.constant 0 : i32
        %dma_start3A_138 = tpu.memref_slice %arg12[%dma_start3A, %dma_start3A_137] : memref<40x128xf32, #tpu.memory_space<vmem>> -> memref<40x128xf32, #tpu.memory_space<vmem>>
        %dma_start3A_139 = arith.constant 0 : i32
        %dma_start3A_140 = tpu.memref_slice %arg7[%add3A_94, %dma_start3A_139] : memref<20000x128xf32, #tpu.memory_space<hbm>> -> memref<40x128xf32, #tpu.memory_space<hbm>>
        %dma_start3A_141 = arith.constant 0 : i32
        %dma_start3A_142 = tpu.memref_slice %arg7[%add3A_94, %dma_start3A_141] : memref<20000x128xf32, #tpu.memory_space<hbm>> -> memref<40x128xf32, #tpu.memory_space<hbm>>
        %dma_start3A_143 = arith.constant 0 : i32
        %dma_start3A_144 = arith.constant 0 : i32
        %dma_start3A_145 = tpu.memref_slice %arg12[%dma_start3A_143, %dma_start3A_144] : memref<40x128xf32, #tpu.memory_space<vmem>> -> memref<40x128xf32, #tpu.memory_space<vmem>>
        tpu.enqueue_dma source(%dma_start3A_145 : memref<40x128xf32, #tpu.memory_space<vmem>>) target(%dma_start3A_142 : memref<40x128xf32, #tpu.memory_space<hbm>>) target_semaphore(%run_scoped3A : memref<!tpu.dma_semaphore, #tpu.memory_space<semaphore_mem>>)
        %dma_wait3A = arith.constant 0 : i32
        %dma_wait3A_146 = arith.constant 0 : i32
        %dma_wait3A_147 = tpu.memref_slice %arg12[%dma_wait3A, %dma_wait3A_146] : memref<40x128xf32, #tpu.memory_space<vmem>> -> memref<40x128xf32, #tpu.memory_space<vmem>>
        %dma_wait3A_148 = arith.constant 0 : i32
        %dma_wait3A_149 = tpu.memref_slice %arg7[%add3A_94, %dma_wait3A_148] : memref<20000x128xf32, #tpu.memory_space<hbm>> -> memref<40x128xf32, #tpu.memory_space<hbm>>
        %dma_wait3A_150 = arith.constant 0 : i32
        %dma_wait3A_151 = tpu.memref_slice %arg7[%add3A_94, %dma_wait3A_150] : memref<20000x128xf32, #tpu.memory_space<hbm>> -> memref<40x128xf32, #tpu.memory_space<hbm>>
        %dma_wait3A_152 = arith.constant 0 : i32
        %dma_wait3A_153 = arith.constant 0 : i32
        %dma_wait3A_154 = tpu.memref_slice %arg12[%dma_wait3A_152, %dma_wait3A_153] : memref<40x128xf32, #tpu.memory_space<vmem>> -> memref<40x128xf32, #tpu.memory_space<vmem>>
        tpu.wait_dma2 semaphore(%run_scoped3A : memref<!tpu.dma_semaphore, #tpu.memory_space<semaphore_mem>>) src(%dma_wait3A_154 : memref<40x128xf32, #tpu.memory_space<vmem>>) dst(%dma_wait3A_151 : memref<40x128xf32, #tpu.memory_space<hbm>>)
        tpu.yield
      }) : () -> ()
      %mul3A_95 = arith.constant 640 : i32
      %mul3A_96 = arith.muli %arg1, %mul3A_95 : i32
      %add3A_97 = arith.constant 400 : i32
      %add3A_98 = arith.addi %mul3A_96, %add3A_97 : i32
      "tpu.region"() ({
        %run_scoped3A = tpu.sem_alloc : memref<!tpu.dma_semaphore, #tpu.memory_space<semaphore_mem>>
        %dma_start3A = arith.constant 0 : i32
        %dma_start3A_137 = arith.constant 0 : i32
        %dma_start3A_138 = tpu.memref_slice %arg12[%dma_start3A, %dma_start3A_137] : memref<40x128xf32, #tpu.memory_space<vmem>> -> memref<40x128xf32, #tpu.memory_space<vmem>>
        %dma_start3A_139 = arith.constant 0 : i32
        %dma_start3A_140 = tpu.memref_slice %arg16[%add3A_98, %dma_start3A_139] : memref<10000x128xf32, #tpu.memory_space<vmem_shared>> -> memref<40x128xf32, #tpu.memory_space<vmem_shared>>
        %dma_start3A_141 = arith.constant 0 : i32
        %dma_start3A_142 = arith.constant 0 : i32
        %dma_start3A_143 = tpu.memref_slice %arg12[%dma_start3A_141, %dma_start3A_142] : memref<40x128xf32, #tpu.memory_space<vmem>> -> memref<40x128xf32, #tpu.memory_space<vmem>>
        %dma_start3A_144 = arith.constant 0 : i32
        %dma_start3A_145 = tpu.memref_slice %arg16[%add3A_98, %dma_start3A_144] : memref<10000x128xf32, #tpu.memory_space<vmem_shared>> -> memref<40x128xf32, #tpu.memory_space<vmem_shared>>
        tpu.enqueue_dma source(%dma_start3A_145 : memref<40x128xf32, #tpu.memory_space<vmem_shared>>) target(%dma_start3A_143 : memref<40x128xf32, #tpu.memory_space<vmem>>) target_semaphore(%run_scoped3A : memref<!tpu.dma_semaphore, #tpu.memory_space<semaphore_mem>>)
        %dma_wait3A = arith.constant 0 : i32
        %dma_wait3A_146 = arith.constant 0 : i32
        %dma_wait3A_147 = tpu.memref_slice %arg12[%dma_wait3A, %dma_wait3A_146] : memref<40x128xf32, #tpu.memory_space<vmem>> -> memref<40x128xf32, #tpu.memory_space<vmem>>
        %dma_wait3A_148 = arith.constant 0 : i32
        %dma_wait3A_149 = tpu.memref_slice %arg16[%add3A_98, %dma_wait3A_148] : memref<10000x128xf32, #tpu.memory_space<vmem_shared>> -> memref<40x128xf32, #tpu.memory_space<vmem_shared>>
        %dma_wait3A_150 = arith.constant 0 : i32
        %dma_wait3A_151 = arith.constant 0 : i32
        %dma_wait3A_152 = tpu.memref_slice %arg12[%dma_wait3A_150, %dma_wait3A_151] : memref<40x128xf32, #tpu.memory_space<vmem>> -> memref<40x128xf32, #tpu.memory_space<vmem>>
        %dma_wait3A_153 = arith.constant 0 : i32
        %dma_wait3A_154 = tpu.memref_slice %arg16[%add3A_98, %dma_wait3A_153] : memref<10000x128xf32, #tpu.memory_space<vmem_shared>> -> memref<40x128xf32, #tpu.memory_space<vmem_shared>>
        tpu.wait_dma2 semaphore(%run_scoped3A : memref<!tpu.dma_semaphore, #tpu.memory_space<semaphore_mem>>) src(%dma_wait3A_154 : memref<40x128xf32, #tpu.memory_space<vmem_shared>>) dst(%dma_wait3A_152 : memref<40x128xf32, #tpu.memory_space<vmem>>)
        tpu.yield
      }) : () -> ()
      %mul3A_99 = arith.constant 10000 : i32
      %mul3A_100 = arith.muli %arg0, %mul3A_99 : i32
      %add3A_101 = arith.addi %mul3A_100, %add3A_98 : i32
      "tpu.region"() ({
        %run_scoped3A = tpu.sem_alloc : memref<!tpu.dma_semaphore, #tpu.memory_space<semaphore_mem>>
        %dma_start3A = arith.constant 0 : i32
        %dma_start3A_137 = arith.constant 0 : i32
        %dma_start3A_138 = tpu.memref_slice %arg12[%dma_start3A, %dma_start3A_137] : memref<40x128xf32, #tpu.memory_space<vmem>> -> memref<40x128xf32, #tpu.memory_space<vmem>>
        %dma_start3A_139 = arith.constant 0 : i32
        %dma_start3A_140 = tpu.memref_slice %arg7[%add3A_101, %dma_start3A_139] : memref<20000x128xf32, #tpu.memory_space<hbm>> -> memref<40x128xf32, #tpu.memory_space<hbm>>
        %dma_start3A_141 = arith.constant 0 : i32
        %dma_start3A_142 = tpu.memref_slice %arg7[%add3A_101, %dma_start3A_141] : memref<20000x128xf32, #tpu.memory_space<hbm>> -> memref<40x128xf32, #tpu.memory_space<hbm>>
        %dma_start3A_143 = arith.constant 0 : i32
        %dma_start3A_144 = arith.constant 0 : i32
        %dma_start3A_145 = tpu.memref_slice %arg12[%dma_start3A_143, %dma_start3A_144] : memref<40x128xf32, #tpu.memory_space<vmem>> -> memref<40x128xf32, #tpu.memory_space<vmem>>
        tpu.enqueue_dma source(%dma_start3A_145 : memref<40x128xf32, #tpu.memory_space<vmem>>) target(%dma_start3A_142 : memref<40x128xf32, #tpu.memory_space<hbm>>) target_semaphore(%run_scoped3A : memref<!tpu.dma_semaphore, #tpu.memory_space<semaphore_mem>>)
        %dma_wait3A = arith.constant 0 : i32
        %dma_wait3A_146 = arith.constant 0 : i32
        %dma_wait3A_147 = tpu.memref_slice %arg12[%dma_wait3A, %dma_wait3A_146] : memref<40x128xf32, #tpu.memory_space<vmem>> -> memref<40x128xf32, #tpu.memory_space<vmem>>
        %dma_wait3A_148 = arith.constant 0 : i32
        %dma_wait3A_149 = tpu.memref_slice %arg7[%add3A_101, %dma_wait3A_148] : memref<20000x128xf32, #tpu.memory_space<hbm>> -> memref<40x128xf32, #tpu.memory_space<hbm>>
        %dma_wait3A_150 = arith.constant 0 : i32
        %dma_wait3A_151 = tpu.memref_slice %arg7[%add3A_101, %dma_wait3A_150] : memref<20000x128xf32, #tpu.memory_space<hbm>> -> memref<40x128xf32, #tpu.memory_space<hbm>>
        %dma_wait3A_152 = arith.constant 0 : i32
        %dma_wait3A_153 = arith.constant 0 : i32
        %dma_wait3A_154 = tpu.memref_slice %arg12[%dma_wait3A_152, %dma_wait3A_153] : memref<40x128xf32, #tpu.memory_space<vmem>> -> memref<40x128xf32, #tpu.memory_space<vmem>>
        tpu.wait_dma2 semaphore(%run_scoped3A : memref<!tpu.dma_semaphore, #tpu.memory_space<semaphore_mem>>) src(%dma_wait3A_154 : memref<40x128xf32, #tpu.memory_space<vmem>>) dst(%dma_wait3A_151 : memref<40x128xf32, #tpu.memory_space<hbm>>)
        tpu.yield
      }) : () -> ()
      %mul3A_102 = arith.constant 640 : i32
      %mul3A_103 = arith.muli %arg1, %mul3A_102 : i32
      %add3A_104 = arith.constant 440 : i32
      %add3A_105 = arith.addi %mul3A_103, %add3A_104 : i32
      "tpu.region"() ({
        %run_scoped3A = tpu.sem_alloc : memref<!tpu.dma_semaphore, #tpu.memory_space<semaphore_mem>>
        %dma_start3A = arith.constant 0 : i32
        %dma_start3A_137 = arith.constant 0 : i32
        %dma_start3A_138 = tpu.memref_slice %arg12[%dma_start3A, %dma_start3A_137] : memref<40x128xf32, #tpu.memory_space<vmem>> -> memref<40x128xf32, #tpu.memory_space<vmem>>
        %dma_start3A_139 = arith.constant 0 : i32
        %dma_start3A_140 = tpu.memref_slice %arg16[%add3A_105, %dma_start3A_139] : memref<10000x128xf32, #tpu.memory_space<vmem_shared>> -> memref<40x128xf32, #tpu.memory_space<vmem_shared>>
        %dma_start3A_141 = arith.constant 0 : i32
        %dma_start3A_142 = arith.constant 0 : i32
        %dma_start3A_143 = tpu.memref_slice %arg12[%dma_start3A_141, %dma_start3A_142] : memref<40x128xf32, #tpu.memory_space<vmem>> -> memref<40x128xf32, #tpu.memory_space<vmem>>
        %dma_start3A_144 = arith.constant 0 : i32
        %dma_start3A_145 = tpu.memref_slice %arg16[%add3A_105, %dma_start3A_144] : memref<10000x128xf32, #tpu.memory_space<vmem_shared>> -> memref<40x128xf32, #tpu.memory_space<vmem_shared>>
        tpu.enqueue_dma source(%dma_start3A_145 : memref<40x128xf32, #tpu.memory_space<vmem_shared>>) target(%dma_start3A_143 : memref<40x128xf32, #tpu.memory_space<vmem>>) target_semaphore(%run_scoped3A : memref<!tpu.dma_semaphore, #tpu.memory_space<semaphore_mem>>)
        %dma_wait3A = arith.constant 0 : i32
        %dma_wait3A_146 = arith.constant 0 : i32
        %dma_wait3A_147 = tpu.memref_slice %arg12[%dma_wait3A, %dma_wait3A_146] : memref<40x128xf32, #tpu.memory_space<vmem>> -> memref<40x128xf32, #tpu.memory_space<vmem>>
        %dma_wait3A_148 = arith.constant 0 : i32
        %dma_wait3A_149 = tpu.memref_slice %arg16[%add3A_105, %dma_wait3A_148] : memref<10000x128xf32, #tpu.memory_space<vmem_shared>> -> memref<40x128xf32, #tpu.memory_space<vmem_shared>>
        %dma_wait3A_150 = arith.constant 0 : i32
        %dma_wait3A_151 = arith.constant 0 : i32
        %dma_wait3A_152 = tpu.memref_slice %arg12[%dma_wait3A_150, %dma_wait3A_151] : memref<40x128xf32, #tpu.memory_space<vmem>> -> memref<40x128xf32, #tpu.memory_space<vmem>>
        %dma_wait3A_153 = arith.constant 0 : i32
        %dma_wait3A_154 = tpu.memref_slice %arg16[%add3A_105, %dma_wait3A_153] : memref<10000x128xf32, #tpu.memory_space<vmem_shared>> -> memref<40x128xf32, #tpu.memory_space<vmem_shared>>
        tpu.wait_dma2 semaphore(%run_scoped3A : memref<!tpu.dma_semaphore, #tpu.memory_space<semaphore_mem>>) src(%dma_wait3A_154 : memref<40x128xf32, #tpu.memory_space<vmem_shared>>) dst(%dma_wait3A_152 : memref<40x128xf32, #tpu.memory_space<vmem>>)
        tpu.yield
      }) : () -> ()
      %mul3A_106 = arith.constant 10000 : i32
      %mul3A_107 = arith.muli %arg0, %mul3A_106 : i32
      %add3A_108 = arith.addi %mul3A_107, %add3A_105 : i32
      "tpu.region"() ({
        %run_scoped3A = tpu.sem_alloc : memref<!tpu.dma_semaphore, #tpu.memory_space<semaphore_mem>>
        %dma_start3A = arith.constant 0 : i32
        %dma_start3A_137 = arith.constant 0 : i32
        %dma_start3A_138 = tpu.memref_slice %arg12[%dma_start3A, %dma_start3A_137] : memref<40x128xf32, #tpu.memory_space<vmem>> -> memref<40x128xf32, #tpu.memory_space<vmem>>
        %dma_start3A_139 = arith.constant 0 : i32
        %dma_start3A_140 = tpu.memref_slice %arg7[%add3A_108, %dma_start3A_139] : memref<20000x128xf32, #tpu.memory_space<hbm>> -> memref<40x128xf32, #tpu.memory_space<hbm>>
        %dma_start3A_141 = arith.constant 0 : i32
        %dma_start3A_142 = tpu.memref_slice %arg7[%add3A_108, %dma_start3A_141] : memref<20000x128xf32, #tpu.memory_space<hbm>> -> memref<40x128xf32, #tpu.memory_space<hbm>>
        %dma_start3A_143 = arith.constant 0 : i32
        %dma_start3A_144 = arith.constant 0 : i32
        %dma_start3A_145 = tpu.memref_slice %arg12[%dma_start3A_143, %dma_start3A_144] : memref<40x128xf32, #tpu.memory_space<vmem>> -> memref<40x128xf32, #tpu.memory_space<vmem>>
        tpu.enqueue_dma source(%dma_start3A_145 : memref<40x128xf32, #tpu.memory_space<vmem>>) target(%dma_start3A_142 : memref<40x128xf32, #tpu.memory_space<hbm>>) target_semaphore(%run_scoped3A : memref<!tpu.dma_semaphore, #tpu.memory_space<semaphore_mem>>)
        %dma_wait3A = arith.constant 0 : i32
        %dma_wait3A_146 = arith.constant 0 : i32
        %dma_wait3A_147 = tpu.memref_slice %arg12[%dma_wait3A, %dma_wait3A_146] : memref<40x128xf32, #tpu.memory_space<vmem>> -> memref<40x128xf32, #tpu.memory_space<vmem>>
        %dma_wait3A_148 = arith.constant 0 : i32
        %dma_wait3A_149 = tpu.memref_slice %arg7[%add3A_108, %dma_wait3A_148] : memref<20000x128xf32, #tpu.memory_space<hbm>> -> memref<40x128xf32, #tpu.memory_space<hbm>>
        %dma_wait3A_150 = arith.constant 0 : i32
        %dma_wait3A_151 = tpu.memref_slice %arg7[%add3A_108, %dma_wait3A_150] : memref<20000x128xf32, #tpu.memory_space<hbm>> -> memref<40x128xf32, #tpu.memory_space<hbm>>
        %dma_wait3A_152 = arith.constant 0 : i32
        %dma_wait3A_153 = arith.constant 0 : i32
        %dma_wait3A_154 = tpu.memref_slice %arg12[%dma_wait3A_152, %dma_wait3A_153] : memref<40x128xf32, #tpu.memory_space<vmem>> -> memref<40x128xf32, #tpu.memory_space<vmem>>
        tpu.wait_dma2 semaphore(%run_scoped3A : memref<!tpu.dma_semaphore, #tpu.memory_space<semaphore_mem>>) src(%dma_wait3A_154 : memref<40x128xf32, #tpu.memory_space<vmem>>) dst(%dma_wait3A_151 : memref<40x128xf32, #tpu.memory_space<hbm>>)
        tpu.yield
      }) : () -> ()
      %mul3A_109 = arith.constant 640 : i32
      %mul3A_110 = arith.muli %arg1, %mul3A_109 : i32
      %add3A_111 = arith.constant 480 : i32
      %add3A_112 = arith.addi %mul3A_110, %add3A_111 : i32
      "tpu.region"() ({
        %run_scoped3A = tpu.sem_alloc : memref<!tpu.dma_semaphore, #tpu.memory_space<semaphore_mem>>
        %dma_start3A = arith.constant 0 : i32
        %dma_start3A_137 = arith.constant 0 : i32
        %dma_start3A_138 = tpu.memref_slice %arg12[%dma_start3A, %dma_start3A_137] : memref<40x128xf32, #tpu.memory_space<vmem>> -> memref<40x128xf32, #tpu.memory_space<vmem>>
        %dma_start3A_139 = arith.constant 0 : i32
        %dma_start3A_140 = tpu.memref_slice %arg16[%add3A_112, %dma_start3A_139] : memref<10000x128xf32, #tpu.memory_space<vmem_shared>> -> memref<40x128xf32, #tpu.memory_space<vmem_shared>>
        %dma_start3A_141 = arith.constant 0 : i32
        %dma_start3A_142 = arith.constant 0 : i32
        %dma_start3A_143 = tpu.memref_slice %arg12[%dma_start3A_141, %dma_start3A_142] : memref<40x128xf32, #tpu.memory_space<vmem>> -> memref<40x128xf32, #tpu.memory_space<vmem>>
        %dma_start3A_144 = arith.constant 0 : i32
        %dma_start3A_145 = tpu.memref_slice %arg16[%add3A_112, %dma_start3A_144] : memref<10000x128xf32, #tpu.memory_space<vmem_shared>> -> memref<40x128xf32, #tpu.memory_space<vmem_shared>>
        tpu.enqueue_dma source(%dma_start3A_145 : memref<40x128xf32, #tpu.memory_space<vmem_shared>>) target(%dma_start3A_143 : memref<40x128xf32, #tpu.memory_space<vmem>>) target_semaphore(%run_scoped3A : memref<!tpu.dma_semaphore, #tpu.memory_space<semaphore_mem>>)
        %dma_wait3A = arith.constant 0 : i32
        %dma_wait3A_146 = arith.constant 0 : i32
        %dma_wait3A_147 = tpu.memref_slice %arg12[%dma_wait3A, %dma_wait3A_146] : memref<40x128xf32, #tpu.memory_space<vmem>> -> memref<40x128xf32, #tpu.memory_space<vmem>>
        %dma_wait3A_148 = arith.constant 0 : i32
        %dma_wait3A_149 = tpu.memref_slice %arg16[%add3A_112, %dma_wait3A_148] : memref<10000x128xf32, #tpu.memory_space<vmem_shared>> -> memref<40x128xf32, #tpu.memory_space<vmem_shared>>
        %dma_wait3A_150 = arith.constant 0 : i32
        %dma_wait3A_151 = arith.constant 0 : i32
        %dma_wait3A_152 = tpu.memref_slice %arg12[%dma_wait3A_150, %dma_wait3A_151] : memref<40x128xf32, #tpu.memory_space<vmem>> -> memref<40x128xf32, #tpu.memory_space<vmem>>
        %dma_wait3A_153 = arith.constant 0 : i32
        %dma_wait3A_154 = tpu.memref_slice %arg16[%add3A_112, %dma_wait3A_153] : memref<10000x128xf32, #tpu.memory_space<vmem_shared>> -> memref<40x128xf32, #tpu.memory_space<vmem_shared>>
        tpu.wait_dma2 semaphore(%run_scoped3A : memref<!tpu.dma_semaphore, #tpu.memory_space<semaphore_mem>>) src(%dma_wait3A_154 : memref<40x128xf32, #tpu.memory_space<vmem_shared>>) dst(%dma_wait3A_152 : memref<40x128xf32, #tpu.memory_space<vmem>>)
        tpu.yield
      }) : () -> ()
      %mul3A_113 = arith.constant 10000 : i32
      %mul3A_114 = arith.muli %arg0, %mul3A_113 : i32
      %add3A_115 = arith.addi %mul3A_114, %add3A_112 : i32
      "tpu.region"() ({
        %run_scoped3A = tpu.sem_alloc : memref<!tpu.dma_semaphore, #tpu.memory_space<semaphore_mem>>
        %dma_start3A = arith.constant 0 : i32
        %dma_start3A_137 = arith.constant 0 : i32
        %dma_start3A_138 = tpu.memref_slice %arg12[%dma_start3A, %dma_start3A_137] : memref<40x128xf32, #tpu.memory_space<vmem>> -> memref<40x128xf32, #tpu.memory_space<vmem>>
        %dma_start3A_139 = arith.constant 0 : i32
        %dma_start3A_140 = tpu.memref_slice %arg7[%add3A_115, %dma_start3A_139] : memref<20000x128xf32, #tpu.memory_space<hbm>> -> memref<40x128xf32, #tpu.memory_space<hbm>>
        %dma_start3A_141 = arith.constant 0 : i32
        %dma_start3A_142 = tpu.memref_slice %arg7[%add3A_115, %dma_start3A_141] : memref<20000x128xf32, #tpu.memory_space<hbm>> -> memref<40x128xf32, #tpu.memory_space<hbm>>
        %dma_start3A_143 = arith.constant 0 : i32
        %dma_start3A_144 = arith.constant 0 : i32
        %dma_start3A_145 = tpu.memref_slice %arg12[%dma_start3A_143, %dma_start3A_144] : memref<40x128xf32, #tpu.memory_space<vmem>> -> memref<40x128xf32, #tpu.memory_space<vmem>>
        tpu.enqueue_dma source(%dma_start3A_145 : memref<40x128xf32, #tpu.memory_space<vmem>>) target(%dma_start3A_142 : memref<40x128xf32, #tpu.memory_space<hbm>>) target_semaphore(%run_scoped3A : memref<!tpu.dma_semaphore, #tpu.memory_space<semaphore_mem>>)
        %dma_wait3A = arith.constant 0 : i32
        %dma_wait3A_146 = arith.constant 0 : i32
        %dma_wait3A_147 = tpu.memref_slice %arg12[%dma_wait3A, %dma_wait3A_146] : memref<40x128xf32, #tpu.memory_space<vmem>> -> memref<40x128xf32, #tpu.memory_space<vmem>>
        %dma_wait3A_148 = arith.constant 0 : i32
        %dma_wait3A_149 = tpu.memref_slice %arg7[%add3A_115, %dma_wait3A_148] : memref<20000x128xf32, #tpu.memory_space<hbm>> -> memref<40x128xf32, #tpu.memory_space<hbm>>
        %dma_wait3A_150 = arith.constant 0 : i32
        %dma_wait3A_151 = tpu.memref_slice %arg7[%add3A_115, %dma_wait3A_150] : memref<20000x128xf32, #tpu.memory_space<hbm>> -> memref<40x128xf32, #tpu.memory_space<hbm>>
        %dma_wait3A_152 = arith.constant 0 : i32
        %dma_wait3A_153 = arith.constant 0 : i32
        %dma_wait3A_154 = tpu.memref_slice %arg12[%dma_wait3A_152, %dma_wait3A_153] : memref<40x128xf32, #tpu.memory_space<vmem>> -> memref<40x128xf32, #tpu.memory_space<vmem>>
        tpu.wait_dma2 semaphore(%run_scoped3A : memref<!tpu.dma_semaphore, #tpu.memory_space<semaphore_mem>>) src(%dma_wait3A_154 : memref<40x128xf32, #tpu.memory_space<vmem>>) dst(%dma_wait3A_151 : memref<40x128xf32, #tpu.memory_space<hbm>>)
        tpu.yield
      }) : () -> ()
      %mul3A_116 = arith.constant 640 : i32
      %mul3A_117 = arith.muli %arg1, %mul3A_116 : i32
      %add3A_118 = arith.constant 520 : i32
      %add3A_119 = arith.addi %mul3A_117, %add3A_118 : i32
      "tpu.region"() ({
        %run_scoped3A = tpu.sem_alloc : memref<!tpu.dma_semaphore, #tpu.memory_space<semaphore_mem>>
        %dma_start3A = arith.constant 0 : i32
        %dma_start3A_137 = arith.constant 0 : i32
        %dma_start3A_138 = tpu.memref_slice %arg12[%dma_start3A, %dma_start3A_137] : memref<40x128xf32, #tpu.memory_space<vmem>> -> memref<40x128xf32, #tpu.memory_space<vmem>>
        %dma_start3A_139 = arith.constant 0 : i32
        %dma_start3A_140 = tpu.memref_slice %arg16[%add3A_119, %dma_start3A_139] : memref<10000x128xf32, #tpu.memory_space<vmem_shared>> -> memref<40x128xf32, #tpu.memory_space<vmem_shared>>
        %dma_start3A_141 = arith.constant 0 : i32
        %dma_start3A_142 = arith.constant 0 : i32
        %dma_start3A_143 = tpu.memref_slice %arg12[%dma_start3A_141, %dma_start3A_142] : memref<40x128xf32, #tpu.memory_space<vmem>> -> memref<40x128xf32, #tpu.memory_space<vmem>>
        %dma_start3A_144 = arith.constant 0 : i32
        %dma_start3A_145 = tpu.memref_slice %arg16[%add3A_119, %dma_start3A_144] : memref<10000x128xf32, #tpu.memory_space<vmem_shared>> -> memref<40x128xf32, #tpu.memory_space<vmem_shared>>
        tpu.enqueue_dma source(%dma_start3A_145 : memref<40x128xf32, #tpu.memory_space<vmem_shared>>) target(%dma_start3A_143 : memref<40x128xf32, #tpu.memory_space<vmem>>) target_semaphore(%run_scoped3A : memref<!tpu.dma_semaphore, #tpu.memory_space<semaphore_mem>>)
        %dma_wait3A = arith.constant 0 : i32
        %dma_wait3A_146 = arith.constant 0 : i32
        %dma_wait3A_147 = tpu.memref_slice %arg12[%dma_wait3A, %dma_wait3A_146] : memref<40x128xf32, #tpu.memory_space<vmem>> -> memref<40x128xf32, #tpu.memory_space<vmem>>
        %dma_wait3A_148 = arith.constant 0 : i32
        %dma_wait3A_149 = tpu.memref_slice %arg16[%add3A_119, %dma_wait3A_148] : memref<10000x128xf32, #tpu.memory_space<vmem_shared>> -> memref<40x128xf32, #tpu.memory_space<vmem_shared>>
        %dma_wait3A_150 = arith.constant 0 : i32
        %dma_wait3A_151 = arith.constant 0 : i32
        %dma_wait3A_152 = tpu.memref_slice %arg12[%dma_wait3A_150, %dma_wait3A_151] : memref<40x128xf32, #tpu.memory_space<vmem>> -> memref<40x128xf32, #tpu.memory_space<vmem>>
        %dma_wait3A_153 = arith.constant 0 : i32
        %dma_wait3A_154 = tpu.memref_slice %arg16[%add3A_119, %dma_wait3A_153] : memref<10000x128xf32, #tpu.memory_space<vmem_shared>> -> memref<40x128xf32, #tpu.memory_space<vmem_shared>>
        tpu.wait_dma2 semaphore(%run_scoped3A : memref<!tpu.dma_semaphore, #tpu.memory_space<semaphore_mem>>) src(%dma_wait3A_154 : memref<40x128xf32, #tpu.memory_space<vmem_shared>>) dst(%dma_wait3A_152 : memref<40x128xf32, #tpu.memory_space<vmem>>)
        tpu.yield
      }) : () -> ()
      %mul3A_120 = arith.constant 10000 : i32
      %mul3A_121 = arith.muli %arg0, %mul3A_120 : i32
      %add3A_122 = arith.addi %mul3A_121, %add3A_119 : i32
      "tpu.region"() ({
        %run_scoped3A = tpu.sem_alloc : memref<!tpu.dma_semaphore, #tpu.memory_space<semaphore_mem>>
        %dma_start3A = arith.constant 0 : i32
        %dma_start3A_137 = arith.constant 0 : i32
        %dma_start3A_138 = tpu.memref_slice %arg12[%dma_start3A, %dma_start3A_137] : memref<40x128xf32, #tpu.memory_space<vmem>> -> memref<40x128xf32, #tpu.memory_space<vmem>>
        %dma_start3A_139 = arith.constant 0 : i32
        %dma_start3A_140 = tpu.memref_slice %arg7[%add3A_122, %dma_start3A_139] : memref<20000x128xf32, #tpu.memory_space<hbm>> -> memref<40x128xf32, #tpu.memory_space<hbm>>
        %dma_start3A_141 = arith.constant 0 : i32
        %dma_start3A_142 = tpu.memref_slice %arg7[%add3A_122, %dma_start3A_141] : memref<20000x128xf32, #tpu.memory_space<hbm>> -> memref<40x128xf32, #tpu.memory_space<hbm>>
        %dma_start3A_143 = arith.constant 0 : i32
        %dma_start3A_144 = arith.constant 0 : i32
        %dma_start3A_145 = tpu.memref_slice %arg12[%dma_start3A_143, %dma_start3A_144] : memref<40x128xf32, #tpu.memory_space<vmem>> -> memref<40x128xf32, #tpu.memory_space<vmem>>
        tpu.enqueue_dma source(%dma_start3A_145 : memref<40x128xf32, #tpu.memory_space<vmem>>) target(%dma_start3A_142 : memref<40x128xf32, #tpu.memory_space<hbm>>) target_semaphore(%run_scoped3A : memref<!tpu.dma_semaphore, #tpu.memory_space<semaphore_mem>>)
        %dma_wait3A = arith.constant 0 : i32
        %dma_wait3A_146 = arith.constant 0 : i32
        %dma_wait3A_147 = tpu.memref_slice %arg12[%dma_wait3A, %dma_wait3A_146] : memref<40x128xf32, #tpu.memory_space<vmem>> -> memref<40x128xf32, #tpu.memory_space<vmem>>
        %dma_wait3A_148 = arith.constant 0 : i32
        %dma_wait3A_149 = tpu.memref_slice %arg7[%add3A_122, %dma_wait3A_148] : memref<20000x128xf32, #tpu.memory_space<hbm>> -> memref<40x128xf32, #tpu.memory_space<hbm>>
        %dma_wait3A_150 = arith.constant 0 : i32
        %dma_wait3A_151 = tpu.memref_slice %arg7[%add3A_122, %dma_wait3A_150] : memref<20000x128xf32, #tpu.memory_space<hbm>> -> memref<40x128xf32, #tpu.memory_space<hbm>>
        %dma_wait3A_152 = arith.constant 0 : i32
        %dma_wait3A_153 = arith.constant 0 : i32
        %dma_wait3A_154 = tpu.memref_slice %arg12[%dma_wait3A_152, %dma_wait3A_153] : memref<40x128xf32, #tpu.memory_space<vmem>> -> memref<40x128xf32, #tpu.memory_space<vmem>>
        tpu.wait_dma2 semaphore(%run_scoped3A : memref<!tpu.dma_semaphore, #tpu.memory_space<semaphore_mem>>) src(%dma_wait3A_154 : memref<40x128xf32, #tpu.memory_space<vmem>>) dst(%dma_wait3A_151 : memref<40x128xf32, #tpu.memory_space<hbm>>)
        tpu.yield
      }) : () -> ()
      %mul3A_123 = arith.constant 640 : i32
      %mul3A_124 = arith.muli %arg1, %mul3A_123 : i32
      %add3A_125 = arith.constant 560 : i32
      %add3A_126 = arith.addi %mul3A_124, %add3A_125 : i32
      "tpu.region"() ({
        %run_scoped3A = tpu.sem_alloc : memref<!tpu.dma_semaphore, #tpu.memory_space<semaphore_mem>>
        %dma_start3A = arith.constant 0 : i32
        %dma_start3A_137 = arith.constant 0 : i32
        %dma_start3A_138 = tpu.memref_slice %arg12[%dma_start3A, %dma_start3A_137] : memref<40x128xf32, #tpu.memory_space<vmem>> -> memref<40x128xf32, #tpu.memory_space<vmem>>
        %dma_start3A_139 = arith.constant 0 : i32
        %dma_start3A_140 = tpu.memref_slice %arg16[%add3A_126, %dma_start3A_139] : memref<10000x128xf32, #tpu.memory_space<vmem_shared>> -> memref<40x128xf32, #tpu.memory_space<vmem_shared>>
        %dma_start3A_141 = arith.constant 0 : i32
        %dma_start3A_142 = arith.constant 0 : i32
        %dma_start3A_143 = tpu.memref_slice %arg12[%dma_start3A_141, %dma_start3A_142] : memref<40x128xf32, #tpu.memory_space<vmem>> -> memref<40x128xf32, #tpu.memory_space<vmem>>
        %dma_start3A_144 = arith.constant 0 : i32
        %dma_start3A_145 = tpu.memref_slice %arg16[%add3A_126, %dma_start3A_144] : memref<10000x128xf32, #tpu.memory_space<vmem_shared>> -> memref<40x128xf32, #tpu.memory_space<vmem_shared>>
        tpu.enqueue_dma source(%dma_start3A_145 : memref<40x128xf32, #tpu.memory_space<vmem_shared>>) target(%dma_start3A_143 : memref<40x128xf32, #tpu.memory_space<vmem>>) target_semaphore(%run_scoped3A : memref<!tpu.dma_semaphore, #tpu.memory_space<semaphore_mem>>)
        %dma_wait3A = arith.constant 0 : i32
        %dma_wait3A_146 = arith.constant 0 : i32
        %dma_wait3A_147 = tpu.memref_slice %arg12[%dma_wait3A, %dma_wait3A_146] : memref<40x128xf32, #tpu.memory_space<vmem>> -> memref<40x128xf32, #tpu.memory_space<vmem>>
        %dma_wait3A_148 = arith.constant 0 : i32
        %dma_wait3A_149 = tpu.memref_slice %arg16[%add3A_126, %dma_wait3A_148] : memref<10000x128xf32, #tpu.memory_space<vmem_shared>> -> memref<40x128xf32, #tpu.memory_space<vmem_shared>>
        %dma_wait3A_150 = arith.constant 0 : i32
        %dma_wait3A_151 = arith.constant 0 : i32
        %dma_wait3A_152 = tpu.memref_slice %arg12[%dma_wait3A_150, %dma_wait3A_151] : memref<40x128xf32, #tpu.memory_space<vmem>> -> memref<40x128xf32, #tpu.memory_space<vmem>>
        %dma_wait3A_153 = arith.constant 0 : i32
        %dma_wait3A_154 = tpu.memref_slice %arg16[%add3A_126, %dma_wait3A_153] : memref<10000x128xf32, #tpu.memory_space<vmem_shared>> -> memref<40x128xf32, #tpu.memory_space<vmem_shared>>
        tpu.wait_dma2 semaphore(%run_scoped3A : memref<!tpu.dma_semaphore, #tpu.memory_space<semaphore_mem>>) src(%dma_wait3A_154 : memref<40x128xf32, #tpu.memory_space<vmem_shared>>) dst(%dma_wait3A_152 : memref<40x128xf32, #tpu.memory_space<vmem>>)
        tpu.yield
      }) : () -> ()
      %mul3A_127 = arith.constant 10000 : i32
      %mul3A_128 = arith.muli %arg0, %mul3A_127 : i32
      %add3A_129 = arith.addi %mul3A_128, %add3A_126 : i32
      "tpu.region"() ({
        %run_scoped3A = tpu.sem_alloc : memref<!tpu.dma_semaphore, #tpu.memory_space<semaphore_mem>>
        %dma_start3A = arith.constant 0 : i32
        %dma_start3A_137 = arith.constant 0 : i32
        %dma_start3A_138 = tpu.memref_slice %arg12[%dma_start3A, %dma_start3A_137] : memref<40x128xf32, #tpu.memory_space<vmem>> -> memref<40x128xf32, #tpu.memory_space<vmem>>
        %dma_start3A_139 = arith.constant 0 : i32
        %dma_start3A_140 = tpu.memref_slice %arg7[%add3A_129, %dma_start3A_139] : memref<20000x128xf32, #tpu.memory_space<hbm>> -> memref<40x128xf32, #tpu.memory_space<hbm>>
        %dma_start3A_141 = arith.constant 0 : i32
        %dma_start3A_142 = tpu.memref_slice %arg7[%add3A_129, %dma_start3A_141] : memref<20000x128xf32, #tpu.memory_space<hbm>> -> memref<40x128xf32, #tpu.memory_space<hbm>>
        %dma_start3A_143 = arith.constant 0 : i32
        %dma_start3A_144 = arith.constant 0 : i32
        %dma_start3A_145 = tpu.memref_slice %arg12[%dma_start3A_143, %dma_start3A_144] : memref<40x128xf32, #tpu.memory_space<vmem>> -> memref<40x128xf32, #tpu.memory_space<vmem>>
        tpu.enqueue_dma source(%dma_start3A_145 : memref<40x128xf32, #tpu.memory_space<vmem>>) target(%dma_start3A_142 : memref<40x128xf32, #tpu.memory_space<hbm>>) target_semaphore(%run_scoped3A : memref<!tpu.dma_semaphore, #tpu.memory_space<semaphore_mem>>)
        %dma_wait3A = arith.constant 0 : i32
        %dma_wait3A_146 = arith.constant 0 : i32
        %dma_wait3A_147 = tpu.memref_slice %arg12[%dma_wait3A, %dma_wait3A_146] : memref<40x128xf32, #tpu.memory_space<vmem>> -> memref<40x128xf32, #tpu.memory_space<vmem>>
        %dma_wait3A_148 = arith.constant 0 : i32
        %dma_wait3A_149 = tpu.memref_slice %arg7[%add3A_129, %dma_wait3A_148] : memref<20000x128xf32, #tpu.memory_space<hbm>> -> memref<40x128xf32, #tpu.memory_space<hbm>>
        %dma_wait3A_150 = arith.constant 0 : i32
        %dma_wait3A_151 = tpu.memref_slice %arg7[%add3A_129, %dma_wait3A_150] : memref<20000x128xf32, #tpu.memory_space<hbm>> -> memref<40x128xf32, #tpu.memory_space<hbm>>
        %dma_wait3A_152 = arith.constant 0 : i32
        %dma_wait3A_153 = arith.constant 0 : i32
        %dma_wait3A_154 = tpu.memref_slice %arg12[%dma_wait3A_152, %dma_wait3A_153] : memref<40x128xf32, #tpu.memory_space<vmem>> -> memref<40x128xf32, #tpu.memory_space<vmem>>
        tpu.wait_dma2 semaphore(%run_scoped3A : memref<!tpu.dma_semaphore, #tpu.memory_space<semaphore_mem>>) src(%dma_wait3A_154 : memref<40x128xf32, #tpu.memory_space<vmem>>) dst(%dma_wait3A_151 : memref<40x128xf32, #tpu.memory_space<hbm>>)
        tpu.yield
      }) : () -> ()
      %mul3A_130 = arith.constant 640 : i32
      %mul3A_131 = arith.muli %arg1, %mul3A_130 : i32
      %add3A_132 = arith.constant 600 : i32
      %add3A_133 = arith.addi %mul3A_131, %add3A_132 : i32
      "tpu.region"() ({
        %run_scoped3A = tpu.sem_alloc : memref<!tpu.dma_semaphore, #tpu.memory_space<semaphore_mem>>
        %dma_start3A = arith.constant 0 : i32
        %dma_start3A_137 = arith.constant 0 : i32
        %dma_start3A_138 = tpu.memref_slice %arg12[%dma_start3A, %dma_start3A_137] : memref<40x128xf32, #tpu.memory_space<vmem>> -> memref<40x128xf32, #tpu.memory_space<vmem>>
        %dma_start3A_139 = arith.constant 0 : i32
        %dma_start3A_140 = tpu.memref_slice %arg16[%add3A_133, %dma_start3A_139] : memref<10000x128xf32, #tpu.memory_space<vmem_shared>> -> memref<40x128xf32, #tpu.memory_space<vmem_shared>>
        %dma_start3A_141 = arith.constant 0 : i32
        %dma_start3A_142 = arith.constant 0 : i32
        %dma_start3A_143 = tpu.memref_slice %arg12[%dma_start3A_141, %dma_start3A_142] : memref<40x128xf32, #tpu.memory_space<vmem>> -> memref<40x128xf32, #tpu.memory_space<vmem>>
        %dma_start3A_144 = arith.constant 0 : i32
        %dma_start3A_145 = tpu.memref_slice %arg16[%add3A_133, %dma_start3A_144] : memref<10000x128xf32, #tpu.memory_space<vmem_shared>> -> memref<40x128xf32, #tpu.memory_space<vmem_shared>>
        tpu.enqueue_dma source(%dma_start3A_145 : memref<40x128xf32, #tpu.memory_space<vmem_shared>>) target(%dma_start3A_143 : memref<40x128xf32, #tpu.memory_space<vmem>>) target_semaphore(%run_scoped3A : memref<!tpu.dma_semaphore, #tpu.memory_space<semaphore_mem>>)
        %dma_wait3A = arith.constant 0 : i32
        %dma_wait3A_146 = arith.constant 0 : i32
        %dma_wait3A_147 = tpu.memref_slice %arg12[%dma_wait3A, %dma_wait3A_146] : memref<40x128xf32, #tpu.memory_space<vmem>> -> memref<40x128xf32, #tpu.memory_space<vmem>>
        %dma_wait3A_148 = arith.constant 0 : i32
        %dma_wait3A_149 = tpu.memref_slice %arg16[%add3A_133, %dma_wait3A_148] : memref<10000x128xf32, #tpu.memory_space<vmem_shared>> -> memref<40x128xf32, #tpu.memory_space<vmem_shared>>
        %dma_wait3A_150 = arith.constant 0 : i32
        %dma_wait3A_151 = arith.constant 0 : i32
        %dma_wait3A_152 = tpu.memref_slice %arg12[%dma_wait3A_150, %dma_wait3A_151] : memref<40x128xf32, #tpu.memory_space<vmem>> -> memref<40x128xf32, #tpu.memory_space<vmem>>
        %dma_wait3A_153 = arith.constant 0 : i32
        %dma_wait3A_154 = tpu.memref_slice %arg16[%add3A_133, %dma_wait3A_153] : memref<10000x128xf32, #tpu.memory_space<vmem_shared>> -> memref<40x128xf32, #tpu.memory_space<vmem_shared>>
        tpu.wait_dma2 semaphore(%run_scoped3A : memref<!tpu.dma_semaphore, #tpu.memory_space<semaphore_mem>>) src(%dma_wait3A_154 : memref<40x128xf32, #tpu.memory_space<vmem_shared>>) dst(%dma_wait3A_152 : memref<40x128xf32, #tpu.memory_space<vmem>>)
        tpu.yield
      }) : () -> ()
      %mul3A_134 = arith.constant 10000 : i32
      %mul3A_135 = arith.muli %arg0, %mul3A_134 : i32
      %add3A_136 = arith.addi %mul3A_135, %add3A_133 : i32
      "tpu.region"() ({
        %run_scoped3A = tpu.sem_alloc : memref<!tpu.dma_semaphore, #tpu.memory_space<semaphore_mem>>
        %dma_start3A = arith.constant 0 : i32
        %dma_start3A_137 = arith.constant 0 : i32
        %dma_start3A_138 = tpu.memref_slice %arg12[%dma_start3A, %dma_start3A_137] : memref<40x128xf32, #tpu.memory_space<vmem>> -> memref<40x128xf32, #tpu.memory_space<vmem>>
        %dma_start3A_139 = arith.constant 0 : i32
        %dma_start3A_140 = tpu.memref_slice %arg7[%add3A_136, %dma_start3A_139] : memref<20000x128xf32, #tpu.memory_space<hbm>> -> memref<40x128xf32, #tpu.memory_space<hbm>>
        %dma_start3A_141 = arith.constant 0 : i32
        %dma_start3A_142 = tpu.memref_slice %arg7[%add3A_136, %dma_start3A_141] : memref<20000x128xf32, #tpu.memory_space<hbm>> -> memref<40x128xf32, #tpu.memory_space<hbm>>
        %dma_start3A_143 = arith.constant 0 : i32
        %dma_start3A_144 = arith.constant 0 : i32
        %dma_start3A_145 = tpu.memref_slice %arg12[%dma_start3A_143, %dma_start3A_144] : memref<40x128xf32, #tpu.memory_space<vmem>> -> memref<40x128xf32, #tpu.memory_space<vmem>>
        tpu.enqueue_dma source(%dma_start3A_145 : memref<40x128xf32, #tpu.memory_space<vmem>>) target(%dma_start3A_142 : memref<40x128xf32, #tpu.memory_space<hbm>>) target_semaphore(%run_scoped3A : memref<!tpu.dma_semaphore, #tpu.memory_space<semaphore_mem>>)
        %dma_wait3A = arith.constant 0 : i32
        %dma_wait3A_146 = arith.constant 0 : i32
        %dma_wait3A_147 = tpu.memref_slice %arg12[%dma_wait3A, %dma_wait3A_146] : memref<40x128xf32, #tpu.memory_space<vmem>> -> memref<40x128xf32, #tpu.memory_space<vmem>>
        %dma_wait3A_148 = arith.constant 0 : i32
        %dma_wait3A_149 = tpu.memref_slice %arg7[%add3A_136, %dma_wait3A_148] : memref<20000x128xf32, #tpu.memory_space<hbm>> -> memref<40x128xf32, #tpu.memory_space<hbm>>
        %dma_wait3A_150 = arith.constant 0 : i32
        %dma_wait3A_151 = tpu.memref_slice %arg7[%add3A_136, %dma_wait3A_150] : memref<20000x128xf32, #tpu.memory_space<hbm>> -> memref<40x128xf32, #tpu.memory_space<hbm>>
        %dma_wait3A_152 = arith.constant 0 : i32
        %dma_wait3A_153 = arith.constant 0 : i32
        %dma_wait3A_154 = tpu.memref_slice %arg12[%dma_wait3A_152, %dma_wait3A_153] : memref<40x128xf32, #tpu.memory_space<vmem>> -> memref<40x128xf32, #tpu.memory_space<vmem>>
        tpu.wait_dma2 semaphore(%run_scoped3A : memref<!tpu.dma_semaphore, #tpu.memory_space<semaphore_mem>>) src(%dma_wait3A_154 : memref<40x128xf32, #tpu.memory_space<vmem>>) dst(%dma_wait3A_151 : memref<40x128xf32, #tpu.memory_space<hbm>>)
        tpu.yield
      }) : () -> ()
    } else {
    }
    %eq3A_20 = arith.constant 15 : i32
    %eq3A_21 = arith.cmpi eq, %arg1, %eq3A_20 : i32
    %convert_element_type3A_22 = arith.extui %eq3A_21 : i1 to i32
    %cond3A_23 = arith.constant 0 : i32
    %cond3A_24 = arith.cmpi ne, %convert_element_type3A_22, %cond3A_23 : i32
    scf.if %cond3A_24 {
      "tpu.region"() ({
        %run_scoped3A = tpu.sem_alloc : memref<!tpu.dma_semaphore, #tpu.memory_space<semaphore_mem>>
        %dma_start3A = arith.constant 0 : i32
        %dma_start3A_65 = arith.constant 0 : i32
        %dma_start3A_66 = tpu.memref_slice %arg12[%dma_start3A, %dma_start3A_65] : memref<40x128xf32, #tpu.memory_space<vmem>> -> memref<40x128xf32, #tpu.memory_space<vmem>>
        %dma_start3A_67 = arith.constant 9600 : i32
        %dma_start3A_68 = arith.constant 0 : i32
        %dma_start3A_69 = tpu.memref_slice %arg16[%dma_start3A_67, %dma_start3A_68] : memref<10000x128xf32, #tpu.memory_space<vmem_shared>> -> memref<40x128xf32, #tpu.memory_space<vmem_shared>>
        %dma_start3A_70 = arith.constant 0 : i32
        %dma_start3A_71 = arith.constant 0 : i32
        %dma_start3A_72 = tpu.memref_slice %arg12[%dma_start3A_70, %dma_start3A_71] : memref<40x128xf32, #tpu.memory_space<vmem>> -> memref<40x128xf32, #tpu.memory_space<vmem>>
        %dma_start3A_73 = arith.constant 9600 : i32
        %dma_start3A_74 = arith.constant 0 : i32
        %dma_start3A_75 = tpu.memref_slice %arg16[%dma_start3A_73, %dma_start3A_74] : memref<10000x128xf32, #tpu.memory_space<vmem_shared>> -> memref<40x128xf32, #tpu.memory_space<vmem_shared>>
        tpu.enqueue_dma source(%dma_start3A_75 : memref<40x128xf32, #tpu.memory_space<vmem_shared>>) target(%dma_start3A_72 : memref<40x128xf32, #tpu.memory_space<vmem>>) target_semaphore(%run_scoped3A : memref<!tpu.dma_semaphore, #tpu.memory_space<semaphore_mem>>)
        %dma_wait3A = arith.constant 0 : i32
        %dma_wait3A_76 = arith.constant 0 : i32
        %dma_wait3A_77 = tpu.memref_slice %arg12[%dma_wait3A, %dma_wait3A_76] : memref<40x128xf32, #tpu.memory_space<vmem>> -> memref<40x128xf32, #tpu.memory_space<vmem>>
        %dma_wait3A_78 = arith.constant 9600 : i32
        %dma_wait3A_79 = arith.constant 0 : i32
        %dma_wait3A_80 = tpu.memref_slice %arg16[%dma_wait3A_78, %dma_wait3A_79] : memref<10000x128xf32, #tpu.memory_space<vmem_shared>> -> memref<40x128xf32, #tpu.memory_space<vmem_shared>>
        %dma_wait3A_81 = arith.constant 0 : i32
        %dma_wait3A_82 = arith.constant 0 : i32
        %dma_wait3A_83 = tpu.memref_slice %arg12[%dma_wait3A_81, %dma_wait3A_82] : memref<40x128xf32, #tpu.memory_space<vmem>> -> memref<40x128xf32, #tpu.memory_space<vmem>>
        %dma_wait3A_84 = arith.constant 9600 : i32
        %dma_wait3A_85 = arith.constant 0 : i32
        %dma_wait3A_86 = tpu.memref_slice %arg16[%dma_wait3A_84, %dma_wait3A_85] : memref<10000x128xf32, #tpu.memory_space<vmem_shared>> -> memref<40x128xf32, #tpu.memory_space<vmem_shared>>
        tpu.wait_dma2 semaphore(%run_scoped3A : memref<!tpu.dma_semaphore, #tpu.memory_space<semaphore_mem>>) src(%dma_wait3A_86 : memref<40x128xf32, #tpu.memory_space<vmem_shared>>) dst(%dma_wait3A_83 : memref<40x128xf32, #tpu.memory_space<vmem>>)
        tpu.yield
      }) : () -> ()
      %mul3A_25 = arith.constant 10000 : i32
      %mul3A_26 = arith.muli %arg0, %mul3A_25 : i32
      %add3A_27 = arith.constant 9600 : i32
      %add3A_28 = arith.addi %mul3A_26, %add3A_27 : i32
      "tpu.region"() ({
        %run_scoped3A = tpu.sem_alloc : memref<!tpu.dma_semaphore, #tpu.memory_space<semaphore_mem>>
        %dma_start3A = arith.constant 0 : i32
        %dma_start3A_65 = arith.constant 0 : i32
        %dma_start3A_66 = tpu.memref_slice %arg12[%dma_start3A, %dma_start3A_65] : memref<40x128xf32, #tpu.memory_space<vmem>> -> memref<40x128xf32, #tpu.memory_space<vmem>>
        %dma_start3A_67 = arith.constant 0 : i32
        %dma_start3A_68 = tpu.memref_slice %arg7[%add3A_28, %dma_start3A_67] : memref<20000x128xf32, #tpu.memory_space<hbm>> -> memref<40x128xf32, #tpu.memory_space<hbm>>
        %dma_start3A_69 = arith.constant 0 : i32
        %dma_start3A_70 = tpu.memref_slice %arg7[%add3A_28, %dma_start3A_69] : memref<20000x128xf32, #tpu.memory_space<hbm>> -> memref<40x128xf32, #tpu.memory_space<hbm>>
        %dma_start3A_71 = arith.constant 0 : i32
        %dma_start3A_72 = arith.constant 0 : i32
        %dma_start3A_73 = tpu.memref_slice %arg12[%dma_start3A_71, %dma_start3A_72] : memref<40x128xf32, #tpu.memory_space<vmem>> -> memref<40x128xf32, #tpu.memory_space<vmem>>
        tpu.enqueue_dma source(%dma_start3A_73 : memref<40x128xf32, #tpu.memory_space<vmem>>) target(%dma_start3A_70 : memref<40x128xf32, #tpu.memory_space<hbm>>) target_semaphore(%run_scoped3A : memref<!tpu.dma_semaphore, #tpu.memory_space<semaphore_mem>>)
        %dma_wait3A = arith.constant 0 : i32
        %dma_wait3A_74 = arith.constant 0 : i32
        %dma_wait3A_75 = tpu.memref_slice %arg12[%dma_wait3A, %dma_wait3A_74] : memref<40x128xf32, #tpu.memory_space<vmem>> -> memref<40x128xf32, #tpu.memory_space<vmem>>
        %dma_wait3A_76 = arith.constant 0 : i32
        %dma_wait3A_77 = tpu.memref_slice %arg7[%add3A_28, %dma_wait3A_76] : memref<20000x128xf32, #tpu.memory_space<hbm>> -> memref<40x128xf32, #tpu.memory_space<hbm>>
        %dma_wait3A_78 = arith.constant 0 : i32
        %dma_wait3A_79 = tpu.memref_slice %arg7[%add3A_28, %dma_wait3A_78] : memref<20000x128xf32, #tpu.memory_space<hbm>> -> memref<40x128xf32, #tpu.memory_space<hbm>>
        %dma_wait3A_80 = arith.constant 0 : i32
        %dma_wait3A_81 = arith.constant 0 : i32
        %dma_wait3A_82 = tpu.memref_slice %arg12[%dma_wait3A_80, %dma_wait3A_81] : memref<40x128xf32, #tpu.memory_space<vmem>> -> memref<40x128xf32, #tpu.memory_space<vmem>>
        tpu.wait_dma2 semaphore(%run_scoped3A : memref<!tpu.dma_semaphore, #tpu.memory_space<semaphore_mem>>) src(%dma_wait3A_82 : memref<40x128xf32, #tpu.memory_space<vmem>>) dst(%dma_wait3A_79 : memref<40x128xf32, #tpu.memory_space<hbm>>)
        tpu.yield
      }) : () -> ()
      "tpu.region"() ({
        %run_scoped3A = tpu.sem_alloc : memref<!tpu.dma_semaphore, #tpu.memory_space<semaphore_mem>>
        %dma_start3A = arith.constant 0 : i32
        %dma_start3A_65 = arith.constant 0 : i32
        %dma_start3A_66 = tpu.memref_slice %arg12[%dma_start3A, %dma_start3A_65] : memref<40x128xf32, #tpu.memory_space<vmem>> -> memref<40x128xf32, #tpu.memory_space<vmem>>
        %dma_start3A_67 = arith.constant 9640 : i32
        %dma_start3A_68 = arith.constant 0 : i32
        %dma_start3A_69 = tpu.memref_slice %arg16[%dma_start3A_67, %dma_start3A_68] : memref<10000x128xf32, #tpu.memory_space<vmem_shared>> -> memref<40x128xf32, #tpu.memory_space<vmem_shared>>
        %dma_start3A_70 = arith.constant 0 : i32
        %dma_start3A_71 = arith.constant 0 : i32
        %dma_start3A_72 = tpu.memref_slice %arg12[%dma_start3A_70, %dma_start3A_71] : memref<40x128xf32, #tpu.memory_space<vmem>> -> memref<40x128xf32, #tpu.memory_space<vmem>>
        %dma_start3A_73 = arith.constant 9640 : i32
        %dma_start3A_74 = arith.constant 0 : i32
        %dma_start3A_75 = tpu.memref_slice %arg16[%dma_start3A_73, %dma_start3A_74] : memref<10000x128xf32, #tpu.memory_space<vmem_shared>> -> memref<40x128xf32, #tpu.memory_space<vmem_shared>>
        tpu.enqueue_dma source(%dma_start3A_75 : memref<40x128xf32, #tpu.memory_space<vmem_shared>>) target(%dma_start3A_72 : memref<40x128xf32, #tpu.memory_space<vmem>>) target_semaphore(%run_scoped3A : memref<!tpu.dma_semaphore, #tpu.memory_space<semaphore_mem>>)
        %dma_wait3A = arith.constant 0 : i32
        %dma_wait3A_76 = arith.constant 0 : i32
        %dma_wait3A_77 = tpu.memref_slice %arg12[%dma_wait3A, %dma_wait3A_76] : memref<40x128xf32, #tpu.memory_space<vmem>> -> memref<40x128xf32, #tpu.memory_space<vmem>>
        %dma_wait3A_78 = arith.constant 9640 : i32
        %dma_wait3A_79 = arith.constant 0 : i32
        %dma_wait3A_80 = tpu.memref_slice %arg16[%dma_wait3A_78, %dma_wait3A_79] : memref<10000x128xf32, #tpu.memory_space<vmem_shared>> -> memref<40x128xf32, #tpu.memory_space<vmem_shared>>
        %dma_wait3A_81 = arith.constant 0 : i32
        %dma_wait3A_82 = arith.constant 0 : i32
        %dma_wait3A_83 = tpu.memref_slice %arg12[%dma_wait3A_81, %dma_wait3A_82] : memref<40x128xf32, #tpu.memory_space<vmem>> -> memref<40x128xf32, #tpu.memory_space<vmem>>
        %dma_wait3A_84 = arith.constant 9640 : i32
        %dma_wait3A_85 = arith.constant 0 : i32
        %dma_wait3A_86 = tpu.memref_slice %arg16[%dma_wait3A_84, %dma_wait3A_85] : memref<10000x128xf32, #tpu.memory_space<vmem_shared>> -> memref<40x128xf32, #tpu.memory_space<vmem_shared>>
        tpu.wait_dma2 semaphore(%run_scoped3A : memref<!tpu.dma_semaphore, #tpu.memory_space<semaphore_mem>>) src(%dma_wait3A_86 : memref<40x128xf32, #tpu.memory_space<vmem_shared>>) dst(%dma_wait3A_83 : memref<40x128xf32, #tpu.memory_space<vmem>>)
        tpu.yield
      }) : () -> ()
      %mul3A_29 = arith.constant 10000 : i32
      %mul3A_30 = arith.muli %arg0, %mul3A_29 : i32
      %add3A_31 = arith.constant 9640 : i32
      %add3A_32 = arith.addi %mul3A_30, %add3A_31 : i32
      "tpu.region"() ({
        %run_scoped3A = tpu.sem_alloc : memref<!tpu.dma_semaphore, #tpu.memory_space<semaphore_mem>>
        %dma_start3A = arith.constant 0 : i32
        %dma_start3A_65 = arith.constant 0 : i32
        %dma_start3A_66 = tpu.memref_slice %arg12[%dma_start3A, %dma_start3A_65] : memref<40x128xf32, #tpu.memory_space<vmem>> -> memref<40x128xf32, #tpu.memory_space<vmem>>
        %dma_start3A_67 = arith.constant 0 : i32
        %dma_start3A_68 = tpu.memref_slice %arg7[%add3A_32, %dma_start3A_67] : memref<20000x128xf32, #tpu.memory_space<hbm>> -> memref<40x128xf32, #tpu.memory_space<hbm>>
        %dma_start3A_69 = arith.constant 0 : i32
        %dma_start3A_70 = tpu.memref_slice %arg7[%add3A_32, %dma_start3A_69] : memref<20000x128xf32, #tpu.memory_space<hbm>> -> memref<40x128xf32, #tpu.memory_space<hbm>>
        %dma_start3A_71 = arith.constant 0 : i32
        %dma_start3A_72 = arith.constant 0 : i32
        %dma_start3A_73 = tpu.memref_slice %arg12[%dma_start3A_71, %dma_start3A_72] : memref<40x128xf32, #tpu.memory_space<vmem>> -> memref<40x128xf32, #tpu.memory_space<vmem>>
        tpu.enqueue_dma source(%dma_start3A_73 : memref<40x128xf32, #tpu.memory_space<vmem>>) target(%dma_start3A_70 : memref<40x128xf32, #tpu.memory_space<hbm>>) target_semaphore(%run_scoped3A : memref<!tpu.dma_semaphore, #tpu.memory_space<semaphore_mem>>)
        %dma_wait3A = arith.constant 0 : i32
        %dma_wait3A_74 = arith.constant 0 : i32
        %dma_wait3A_75 = tpu.memref_slice %arg12[%dma_wait3A, %dma_wait3A_74] : memref<40x128xf32, #tpu.memory_space<vmem>> -> memref<40x128xf32, #tpu.memory_space<vmem>>
        %dma_wait3A_76 = arith.constant 0 : i32
        %dma_wait3A_77 = tpu.memref_slice %arg7[%add3A_32, %dma_wait3A_76] : memref<20000x128xf32, #tpu.memory_space<hbm>> -> memref<40x128xf32, #tpu.memory_space<hbm>>
        %dma_wait3A_78 = arith.constant 0 : i32
        %dma_wait3A_79 = tpu.memref_slice %arg7[%add3A_32, %dma_wait3A_78] : memref<20000x128xf32, #tpu.memory_space<hbm>> -> memref<40x128xf32, #tpu.memory_space<hbm>>
        %dma_wait3A_80 = arith.constant 0 : i32
        %dma_wait3A_81 = arith.constant 0 : i32
        %dma_wait3A_82 = tpu.memref_slice %arg12[%dma_wait3A_80, %dma_wait3A_81] : memref<40x128xf32, #tpu.memory_space<vmem>> -> memref<40x128xf32, #tpu.memory_space<vmem>>
        tpu.wait_dma2 semaphore(%run_scoped3A : memref<!tpu.dma_semaphore, #tpu.memory_space<semaphore_mem>>) src(%dma_wait3A_82 : memref<40x128xf32, #tpu.memory_space<vmem>>) dst(%dma_wait3A_79 : memref<40x128xf32, #tpu.memory_space<hbm>>)
        tpu.yield
      }) : () -> ()
      "tpu.region"() ({
        %run_scoped3A = tpu.sem_alloc : memref<!tpu.dma_semaphore, #tpu.memory_space<semaphore_mem>>
        %dma_start3A = arith.constant 0 : i32
        %dma_start3A_65 = arith.constant 0 : i32
        %dma_start3A_66 = tpu.memref_slice %arg12[%dma_start3A, %dma_start3A_65] : memref<40x128xf32, #tpu.memory_space<vmem>> -> memref<40x128xf32, #tpu.memory_space<vmem>>
        %dma_start3A_67 = arith.constant 9680 : i32
        %dma_start3A_68 = arith.constant 0 : i32
        %dma_start3A_69 = tpu.memref_slice %arg16[%dma_start3A_67, %dma_start3A_68] : memref<10000x128xf32, #tpu.memory_space<vmem_shared>> -> memref<40x128xf32, #tpu.memory_space<vmem_shared>>
        %dma_start3A_70 = arith.constant 0 : i32
        %dma_start3A_71 = arith.constant 0 : i32
        %dma_start3A_72 = tpu.memref_slice %arg12[%dma_start3A_70, %dma_start3A_71] : memref<40x128xf32, #tpu.memory_space<vmem>> -> memref<40x128xf32, #tpu.memory_space<vmem>>
        %dma_start3A_73 = arith.constant 9680 : i32
        %dma_start3A_74 = arith.constant 0 : i32
        %dma_start3A_75 = tpu.memref_slice %arg16[%dma_start3A_73, %dma_start3A_74] : memref<10000x128xf32, #tpu.memory_space<vmem_shared>> -> memref<40x128xf32, #tpu.memory_space<vmem_shared>>
        tpu.enqueue_dma source(%dma_start3A_75 : memref<40x128xf32, #tpu.memory_space<vmem_shared>>) target(%dma_start3A_72 : memref<40x128xf32, #tpu.memory_space<vmem>>) target_semaphore(%run_scoped3A : memref<!tpu.dma_semaphore, #tpu.memory_space<semaphore_mem>>)
        %dma_wait3A = arith.constant 0 : i32
        %dma_wait3A_76 = arith.constant 0 : i32
        %dma_wait3A_77 = tpu.memref_slice %arg12[%dma_wait3A, %dma_wait3A_76] : memref<40x128xf32, #tpu.memory_space<vmem>> -> memref<40x128xf32, #tpu.memory_space<vmem>>
        %dma_wait3A_78 = arith.constant 9680 : i32
        %dma_wait3A_79 = arith.constant 0 : i32
        %dma_wait3A_80 = tpu.memref_slice %arg16[%dma_wait3A_78, %dma_wait3A_79] : memref<10000x128xf32, #tpu.memory_space<vmem_shared>> -> memref<40x128xf32, #tpu.memory_space<vmem_shared>>
        %dma_wait3A_81 = arith.constant 0 : i32
        %dma_wait3A_82 = arith.constant 0 : i32
        %dma_wait3A_83 = tpu.memref_slice %arg12[%dma_wait3A_81, %dma_wait3A_82] : memref<40x128xf32, #tpu.memory_space<vmem>> -> memref<40x128xf32, #tpu.memory_space<vmem>>
        %dma_wait3A_84 = arith.constant 9680 : i32
        %dma_wait3A_85 = arith.constant 0 : i32
        %dma_wait3A_86 = tpu.memref_slice %arg16[%dma_wait3A_84, %dma_wait3A_85] : memref<10000x128xf32, #tpu.memory_space<vmem_shared>> -> memref<40x128xf32, #tpu.memory_space<vmem_shared>>
        tpu.wait_dma2 semaphore(%run_scoped3A : memref<!tpu.dma_semaphore, #tpu.memory_space<semaphore_mem>>) src(%dma_wait3A_86 : memref<40x128xf32, #tpu.memory_space<vmem_shared>>) dst(%dma_wait3A_83 : memref<40x128xf32, #tpu.memory_space<vmem>>)
        tpu.yield
      }) : () -> ()
      %mul3A_33 = arith.constant 10000 : i32
      %mul3A_34 = arith.muli %arg0, %mul3A_33 : i32
      %add3A_35 = arith.constant 9680 : i32
      %add3A_36 = arith.addi %mul3A_34, %add3A_35 : i32
      "tpu.region"() ({
        %run_scoped3A = tpu.sem_alloc : memref<!tpu.dma_semaphore, #tpu.memory_space<semaphore_mem>>
        %dma_start3A = arith.constant 0 : i32
        %dma_start3A_65 = arith.constant 0 : i32
        %dma_start3A_66 = tpu.memref_slice %arg12[%dma_start3A, %dma_start3A_65] : memref<40x128xf32, #tpu.memory_space<vmem>> -> memref<40x128xf32, #tpu.memory_space<vmem>>
        %dma_start3A_67 = arith.constant 0 : i32
        %dma_start3A_68 = tpu.memref_slice %arg7[%add3A_36, %dma_start3A_67] : memref<20000x128xf32, #tpu.memory_space<hbm>> -> memref<40x128xf32, #tpu.memory_space<hbm>>
        %dma_start3A_69 = arith.constant 0 : i32
        %dma_start3A_70 = tpu.memref_slice %arg7[%add3A_36, %dma_start3A_69] : memref<20000x128xf32, #tpu.memory_space<hbm>> -> memref<40x128xf32, #tpu.memory_space<hbm>>
        %dma_start3A_71 = arith.constant 0 : i32
        %dma_start3A_72 = arith.constant 0 : i32
        %dma_start3A_73 = tpu.memref_slice %arg12[%dma_start3A_71, %dma_start3A_72] : memref<40x128xf32, #tpu.memory_space<vmem>> -> memref<40x128xf32, #tpu.memory_space<vmem>>
        tpu.enqueue_dma source(%dma_start3A_73 : memref<40x128xf32, #tpu.memory_space<vmem>>) target(%dma_start3A_70 : memref<40x128xf32, #tpu.memory_space<hbm>>) target_semaphore(%run_scoped3A : memref<!tpu.dma_semaphore, #tpu.memory_space<semaphore_mem>>)
        %dma_wait3A = arith.constant 0 : i32
        %dma_wait3A_74 = arith.constant 0 : i32
        %dma_wait3A_75 = tpu.memref_slice %arg12[%dma_wait3A, %dma_wait3A_74] : memref<40x128xf32, #tpu.memory_space<vmem>> -> memref<40x128xf32, #tpu.memory_space<vmem>>
        %dma_wait3A_76 = arith.constant 0 : i32
        %dma_wait3A_77 = tpu.memref_slice %arg7[%add3A_36, %dma_wait3A_76] : memref<20000x128xf32, #tpu.memory_space<hbm>> -> memref<40x128xf32, #tpu.memory_space<hbm>>
        %dma_wait3A_78 = arith.constant 0 : i32
        %dma_wait3A_79 = tpu.memref_slice %arg7[%add3A_36, %dma_wait3A_78] : memref<20000x128xf32, #tpu.memory_space<hbm>> -> memref<40x128xf32, #tpu.memory_space<hbm>>
        %dma_wait3A_80 = arith.constant 0 : i32
        %dma_wait3A_81 = arith.constant 0 : i32
        %dma_wait3A_82 = tpu.memref_slice %arg12[%dma_wait3A_80, %dma_wait3A_81] : memref<40x128xf32, #tpu.memory_space<vmem>> -> memref<40x128xf32, #tpu.memory_space<vmem>>
        tpu.wait_dma2 semaphore(%run_scoped3A : memref<!tpu.dma_semaphore, #tpu.memory_space<semaphore_mem>>) src(%dma_wait3A_82 : memref<40x128xf32, #tpu.memory_space<vmem>>) dst(%dma_wait3A_79 : memref<40x128xf32, #tpu.memory_space<hbm>>)
        tpu.yield
      }) : () -> ()
      "tpu.region"() ({
        %run_scoped3A = tpu.sem_alloc : memref<!tpu.dma_semaphore, #tpu.memory_space<semaphore_mem>>
        %dma_start3A = arith.constant 0 : i32
        %dma_start3A_65 = arith.constant 0 : i32
        %dma_start3A_66 = tpu.memref_slice %arg12[%dma_start3A, %dma_start3A_65] : memref<40x128xf32, #tpu.memory_space<vmem>> -> memref<40x128xf32, #tpu.memory_space<vmem>>
        %dma_start3A_67 = arith.constant 9720 : i32
        %dma_start3A_68 = arith.constant 0 : i32
        %dma_start3A_69 = tpu.memref_slice %arg16[%dma_start3A_67, %dma_start3A_68] : memref<10000x128xf32, #tpu.memory_space<vmem_shared>> -> memref<40x128xf32, #tpu.memory_space<vmem_shared>>
        %dma_start3A_70 = arith.constant 0 : i32
        %dma_start3A_71 = arith.constant 0 : i32
        %dma_start3A_72 = tpu.memref_slice %arg12[%dma_start3A_70, %dma_start3A_71] : memref<40x128xf32, #tpu.memory_space<vmem>> -> memref<40x128xf32, #tpu.memory_space<vmem>>
        %dma_start3A_73 = arith.constant 9720 : i32
        %dma_start3A_74 = arith.constant 0 : i32
        %dma_start3A_75 = tpu.memref_slice %arg16[%dma_start3A_73, %dma_start3A_74] : memref<10000x128xf32, #tpu.memory_space<vmem_shared>> -> memref<40x128xf32, #tpu.memory_space<vmem_shared>>
        tpu.enqueue_dma source(%dma_start3A_75 : memref<40x128xf32, #tpu.memory_space<vmem_shared>>) target(%dma_start3A_72 : memref<40x128xf32, #tpu.memory_space<vmem>>) target_semaphore(%run_scoped3A : memref<!tpu.dma_semaphore, #tpu.memory_space<semaphore_mem>>)
        %dma_wait3A = arith.constant 0 : i32
        %dma_wait3A_76 = arith.constant 0 : i32
        %dma_wait3A_77 = tpu.memref_slice %arg12[%dma_wait3A, %dma_wait3A_76] : memref<40x128xf32, #tpu.memory_space<vmem>> -> memref<40x128xf32, #tpu.memory_space<vmem>>
        %dma_wait3A_78 = arith.constant 9720 : i32
        %dma_wait3A_79 = arith.constant 0 : i32
        %dma_wait3A_80 = tpu.memref_slice %arg16[%dma_wait3A_78, %dma_wait3A_79] : memref<10000x128xf32, #tpu.memory_space<vmem_shared>> -> memref<40x128xf32, #tpu.memory_space<vmem_shared>>
        %dma_wait3A_81 = arith.constant 0 : i32
        %dma_wait3A_82 = arith.constant 0 : i32
        %dma_wait3A_83 = tpu.memref_slice %arg12[%dma_wait3A_81, %dma_wait3A_82] : memref<40x128xf32, #tpu.memory_space<vmem>> -> memref<40x128xf32, #tpu.memory_space<vmem>>
        %dma_wait3A_84 = arith.constant 9720 : i32
        %dma_wait3A_85 = arith.constant 0 : i32
        %dma_wait3A_86 = tpu.memref_slice %arg16[%dma_wait3A_84, %dma_wait3A_85] : memref<10000x128xf32, #tpu.memory_space<vmem_shared>> -> memref<40x128xf32, #tpu.memory_space<vmem_shared>>
        tpu.wait_dma2 semaphore(%run_scoped3A : memref<!tpu.dma_semaphore, #tpu.memory_space<semaphore_mem>>) src(%dma_wait3A_86 : memref<40x128xf32, #tpu.memory_space<vmem_shared>>) dst(%dma_wait3A_83 : memref<40x128xf32, #tpu.memory_space<vmem>>)
        tpu.yield
      }) : () -> ()
      %mul3A_37 = arith.constant 10000 : i32
      %mul3A_38 = arith.muli %arg0, %mul3A_37 : i32
      %add3A_39 = arith.constant 9720 : i32
      %add3A_40 = arith.addi %mul3A_38, %add3A_39 : i32
      "tpu.region"() ({
        %run_scoped3A = tpu.sem_alloc : memref<!tpu.dma_semaphore, #tpu.memory_space<semaphore_mem>>
        %dma_start3A = arith.constant 0 : i32
        %dma_start3A_65 = arith.constant 0 : i32
        %dma_start3A_66 = tpu.memref_slice %arg12[%dma_start3A, %dma_start3A_65] : memref<40x128xf32, #tpu.memory_space<vmem>> -> memref<40x128xf32, #tpu.memory_space<vmem>>
        %dma_start3A_67 = arith.constant 0 : i32
        %dma_start3A_68 = tpu.memref_slice %arg7[%add3A_40, %dma_start3A_67] : memref<20000x128xf32, #tpu.memory_space<hbm>> -> memref<40x128xf32, #tpu.memory_space<hbm>>
        %dma_start3A_69 = arith.constant 0 : i32
        %dma_start3A_70 = tpu.memref_slice %arg7[%add3A_40, %dma_start3A_69] : memref<20000x128xf32, #tpu.memory_space<hbm>> -> memref<40x128xf32, #tpu.memory_space<hbm>>
        %dma_start3A_71 = arith.constant 0 : i32
        %dma_start3A_72 = arith.constant 0 : i32
        %dma_start3A_73 = tpu.memref_slice %arg12[%dma_start3A_71, %dma_start3A_72] : memref<40x128xf32, #tpu.memory_space<vmem>> -> memref<40x128xf32, #tpu.memory_space<vmem>>
        tpu.enqueue_dma source(%dma_start3A_73 : memref<40x128xf32, #tpu.memory_space<vmem>>) target(%dma_start3A_70 : memref<40x128xf32, #tpu.memory_space<hbm>>) target_semaphore(%run_scoped3A : memref<!tpu.dma_semaphore, #tpu.memory_space<semaphore_mem>>)
        %dma_wait3A = arith.constant 0 : i32
        %dma_wait3A_74 = arith.constant 0 : i32
        %dma_wait3A_75 = tpu.memref_slice %arg12[%dma_wait3A, %dma_wait3A_74] : memref<40x128xf32, #tpu.memory_space<vmem>> -> memref<40x128xf32, #tpu.memory_space<vmem>>
        %dma_wait3A_76 = arith.constant 0 : i32
        %dma_wait3A_77 = tpu.memref_slice %arg7[%add3A_40, %dma_wait3A_76] : memref<20000x128xf32, #tpu.memory_space<hbm>> -> memref<40x128xf32, #tpu.memory_space<hbm>>
        %dma_wait3A_78 = arith.constant 0 : i32
        %dma_wait3A_79 = tpu.memref_slice %arg7[%add3A_40, %dma_wait3A_78] : memref<20000x128xf32, #tpu.memory_space<hbm>> -> memref<40x128xf32, #tpu.memory_space<hbm>>
        %dma_wait3A_80 = arith.constant 0 : i32
        %dma_wait3A_81 = arith.constant 0 : i32
        %dma_wait3A_82 = tpu.memref_slice %arg12[%dma_wait3A_80, %dma_wait3A_81] : memref<40x128xf32, #tpu.memory_space<vmem>> -> memref<40x128xf32, #tpu.memory_space<vmem>>
        tpu.wait_dma2 semaphore(%run_scoped3A : memref<!tpu.dma_semaphore, #tpu.memory_space<semaphore_mem>>) src(%dma_wait3A_82 : memref<40x128xf32, #tpu.memory_space<vmem>>) dst(%dma_wait3A_79 : memref<40x128xf32, #tpu.memory_space<hbm>>)
        tpu.yield
      }) : () -> ()
      "tpu.region"() ({
        %run_scoped3A = tpu.sem_alloc : memref<!tpu.dma_semaphore, #tpu.memory_space<semaphore_mem>>
        %dma_start3A = arith.constant 0 : i32
        %dma_start3A_65 = arith.constant 0 : i32
        %dma_start3A_66 = tpu.memref_slice %arg12[%dma_start3A, %dma_start3A_65] : memref<40x128xf32, #tpu.memory_space<vmem>> -> memref<40x128xf32, #tpu.memory_space<vmem>>
        %dma_start3A_67 = arith.constant 9760 : i32
        %dma_start3A_68 = arith.constant 0 : i32
        %dma_start3A_69 = tpu.memref_slice %arg16[%dma_start3A_67, %dma_start3A_68] : memref<10000x128xf32, #tpu.memory_space<vmem_shared>> -> memref<40x128xf32, #tpu.memory_space<vmem_shared>>
        %dma_start3A_70 = arith.constant 0 : i32
        %dma_start3A_71 = arith.constant 0 : i32
        %dma_start3A_72 = tpu.memref_slice %arg12[%dma_start3A_70, %dma_start3A_71] : memref<40x128xf32, #tpu.memory_space<vmem>> -> memref<40x128xf32, #tpu.memory_space<vmem>>
        %dma_start3A_73 = arith.constant 9760 : i32
        %dma_start3A_74 = arith.constant 0 : i32
        %dma_start3A_75 = tpu.memref_slice %arg16[%dma_start3A_73, %dma_start3A_74] : memref<10000x128xf32, #tpu.memory_space<vmem_shared>> -> memref<40x128xf32, #tpu.memory_space<vmem_shared>>
        tpu.enqueue_dma source(%dma_start3A_75 : memref<40x128xf32, #tpu.memory_space<vmem_shared>>) target(%dma_start3A_72 : memref<40x128xf32, #tpu.memory_space<vmem>>) target_semaphore(%run_scoped3A : memref<!tpu.dma_semaphore, #tpu.memory_space<semaphore_mem>>)
        %dma_wait3A = arith.constant 0 : i32
        %dma_wait3A_76 = arith.constant 0 : i32
        %dma_wait3A_77 = tpu.memref_slice %arg12[%dma_wait3A, %dma_wait3A_76] : memref<40x128xf32, #tpu.memory_space<vmem>> -> memref<40x128xf32, #tpu.memory_space<vmem>>
        %dma_wait3A_78 = arith.constant 9760 : i32
        %dma_wait3A_79 = arith.constant 0 : i32
        %dma_wait3A_80 = tpu.memref_slice %arg16[%dma_wait3A_78, %dma_wait3A_79] : memref<10000x128xf32, #tpu.memory_space<vmem_shared>> -> memref<40x128xf32, #tpu.memory_space<vmem_shared>>
        %dma_wait3A_81 = arith.constant 0 : i32
        %dma_wait3A_82 = arith.constant 0 : i32
        %dma_wait3A_83 = tpu.memref_slice %arg12[%dma_wait3A_81, %dma_wait3A_82] : memref<40x128xf32, #tpu.memory_space<vmem>> -> memref<40x128xf32, #tpu.memory_space<vmem>>
        %dma_wait3A_84 = arith.constant 9760 : i32
        %dma_wait3A_85 = arith.constant 0 : i32
        %dma_wait3A_86 = tpu.memref_slice %arg16[%dma_wait3A_84, %dma_wait3A_85] : memref<10000x128xf32, #tpu.memory_space<vmem_shared>> -> memref<40x128xf32, #tpu.memory_space<vmem_shared>>
        tpu.wait_dma2 semaphore(%run_scoped3A : memref<!tpu.dma_semaphore, #tpu.memory_space<semaphore_mem>>) src(%dma_wait3A_86 : memref<40x128xf32, #tpu.memory_space<vmem_shared>>) dst(%dma_wait3A_83 : memref<40x128xf32, #tpu.memory_space<vmem>>)
        tpu.yield
      }) : () -> ()
      %mul3A_41 = arith.constant 10000 : i32
      %mul3A_42 = arith.muli %arg0, %mul3A_41 : i32
      %add3A_43 = arith.constant 9760 : i32
      %add3A_44 = arith.addi %mul3A_42, %add3A_43 : i32
      "tpu.region"() ({
        %run_scoped3A = tpu.sem_alloc : memref<!tpu.dma_semaphore, #tpu.memory_space<semaphore_mem>>
        %dma_start3A = arith.constant 0 : i32
        %dma_start3A_65 = arith.constant 0 : i32
        %dma_start3A_66 = tpu.memref_slice %arg12[%dma_start3A, %dma_start3A_65] : memref<40x128xf32, #tpu.memory_space<vmem>> -> memref<40x128xf32, #tpu.memory_space<vmem>>
        %dma_start3A_67 = arith.constant 0 : i32
        %dma_start3A_68 = tpu.memref_slice %arg7[%add3A_44, %dma_start3A_67] : memref<20000x128xf32, #tpu.memory_space<hbm>> -> memref<40x128xf32, #tpu.memory_space<hbm>>
        %dma_start3A_69 = arith.constant 0 : i32
        %dma_start3A_70 = tpu.memref_slice %arg7[%add3A_44, %dma_start3A_69] : memref<20000x128xf32, #tpu.memory_space<hbm>> -> memref<40x128xf32, #tpu.memory_space<hbm>>
        %dma_start3A_71 = arith.constant 0 : i32
        %dma_start3A_72 = arith.constant 0 : i32
        %dma_start3A_73 = tpu.memref_slice %arg12[%dma_start3A_71, %dma_start3A_72] : memref<40x128xf32, #tpu.memory_space<vmem>> -> memref<40x128xf32, #tpu.memory_space<vmem>>
        tpu.enqueue_dma source(%dma_start3A_73 : memref<40x128xf32, #tpu.memory_space<vmem>>) target(%dma_start3A_70 : memref<40x128xf32, #tpu.memory_space<hbm>>) target_semaphore(%run_scoped3A : memref<!tpu.dma_semaphore, #tpu.memory_space<semaphore_mem>>)
        %dma_wait3A = arith.constant 0 : i32
        %dma_wait3A_74 = arith.constant 0 : i32
        %dma_wait3A_75 = tpu.memref_slice %arg12[%dma_wait3A, %dma_wait3A_74] : memref<40x128xf32, #tpu.memory_space<vmem>> -> memref<40x128xf32, #tpu.memory_space<vmem>>
        %dma_wait3A_76 = arith.constant 0 : i32
        %dma_wait3A_77 = tpu.memref_slice %arg7[%add3A_44, %dma_wait3A_76] : memref<20000x128xf32, #tpu.memory_space<hbm>> -> memref<40x128xf32, #tpu.memory_space<hbm>>
        %dma_wait3A_78 = arith.constant 0 : i32
        %dma_wait3A_79 = tpu.memref_slice %arg7[%add3A_44, %dma_wait3A_78] : memref<20000x128xf32, #tpu.memory_space<hbm>> -> memref<40x128xf32, #tpu.memory_space<hbm>>
        %dma_wait3A_80 = arith.constant 0 : i32
        %dma_wait3A_81 = arith.constant 0 : i32
        %dma_wait3A_82 = tpu.memref_slice %arg12[%dma_wait3A_80, %dma_wait3A_81] : memref<40x128xf32, #tpu.memory_space<vmem>> -> memref<40x128xf32, #tpu.memory_space<vmem>>
        tpu.wait_dma2 semaphore(%run_scoped3A : memref<!tpu.dma_semaphore, #tpu.memory_space<semaphore_mem>>) src(%dma_wait3A_82 : memref<40x128xf32, #tpu.memory_space<vmem>>) dst(%dma_wait3A_79 : memref<40x128xf32, #tpu.memory_space<hbm>>)
        tpu.yield
      }) : () -> ()
      "tpu.region"() ({
        %run_scoped3A = tpu.sem_alloc : memref<!tpu.dma_semaphore, #tpu.memory_space<semaphore_mem>>
        %dma_start3A = arith.constant 0 : i32
        %dma_start3A_65 = arith.constant 0 : i32
        %dma_start3A_66 = tpu.memref_slice %arg12[%dma_start3A, %dma_start3A_65] : memref<40x128xf32, #tpu.memory_space<vmem>> -> memref<40x128xf32, #tpu.memory_space<vmem>>
        %dma_start3A_67 = arith.constant 9800 : i32
        %dma_start3A_68 = arith.constant 0 : i32
        %dma_start3A_69 = tpu.memref_slice %arg16[%dma_start3A_67, %dma_start3A_68] : memref<10000x128xf32, #tpu.memory_space<vmem_shared>> -> memref<40x128xf32, #tpu.memory_space<vmem_shared>>
        %dma_start3A_70 = arith.constant 0 : i32
        %dma_start3A_71 = arith.constant 0 : i32
        %dma_start3A_72 = tpu.memref_slice %arg12[%dma_start3A_70, %dma_start3A_71] : memref<40x128xf32, #tpu.memory_space<vmem>> -> memref<40x128xf32, #tpu.memory_space<vmem>>
        %dma_start3A_73 = arith.constant 9800 : i32
        %dma_start3A_74 = arith.constant 0 : i32
        %dma_start3A_75 = tpu.memref_slice %arg16[%dma_start3A_73, %dma_start3A_74] : memref<10000x128xf32, #tpu.memory_space<vmem_shared>> -> memref<40x128xf32, #tpu.memory_space<vmem_shared>>
        tpu.enqueue_dma source(%dma_start3A_75 : memref<40x128xf32, #tpu.memory_space<vmem_shared>>) target(%dma_start3A_72 : memref<40x128xf32, #tpu.memory_space<vmem>>) target_semaphore(%run_scoped3A : memref<!tpu.dma_semaphore, #tpu.memory_space<semaphore_mem>>)
        %dma_wait3A = arith.constant 0 : i32
        %dma_wait3A_76 = arith.constant 0 : i32
        %dma_wait3A_77 = tpu.memref_slice %arg12[%dma_wait3A, %dma_wait3A_76] : memref<40x128xf32, #tpu.memory_space<vmem>> -> memref<40x128xf32, #tpu.memory_space<vmem>>
        %dma_wait3A_78 = arith.constant 9800 : i32
        %dma_wait3A_79 = arith.constant 0 : i32
        %dma_wait3A_80 = tpu.memref_slice %arg16[%dma_wait3A_78, %dma_wait3A_79] : memref<10000x128xf32, #tpu.memory_space<vmem_shared>> -> memref<40x128xf32, #tpu.memory_space<vmem_shared>>
        %dma_wait3A_81 = arith.constant 0 : i32
        %dma_wait3A_82 = arith.constant 0 : i32
        %dma_wait3A_83 = tpu.memref_slice %arg12[%dma_wait3A_81, %dma_wait3A_82] : memref<40x128xf32, #tpu.memory_space<vmem>> -> memref<40x128xf32, #tpu.memory_space<vmem>>
        %dma_wait3A_84 = arith.constant 9800 : i32
        %dma_wait3A_85 = arith.constant 0 : i32
        %dma_wait3A_86 = tpu.memref_slice %arg16[%dma_wait3A_84, %dma_wait3A_85] : memref<10000x128xf32, #tpu.memory_space<vmem_shared>> -> memref<40x128xf32, #tpu.memory_space<vmem_shared>>
        tpu.wait_dma2 semaphore(%run_scoped3A : memref<!tpu.dma_semaphore, #tpu.memory_space<semaphore_mem>>) src(%dma_wait3A_86 : memref<40x128xf32, #tpu.memory_space<vmem_shared>>) dst(%dma_wait3A_83 : memref<40x128xf32, #tpu.memory_space<vmem>>)
        tpu.yield
      }) : () -> ()
      %mul3A_45 = arith.constant 10000 : i32
      %mul3A_46 = arith.muli %arg0, %mul3A_45 : i32
      %add3A_47 = arith.constant 9800 : i32
      %add3A_48 = arith.addi %mul3A_46, %add3A_47 : i32
      "tpu.region"() ({
        %run_scoped3A = tpu.sem_alloc : memref<!tpu.dma_semaphore, #tpu.memory_space<semaphore_mem>>
        %dma_start3A = arith.constant 0 : i32
        %dma_start3A_65 = arith.constant 0 : i32
        %dma_start3A_66 = tpu.memref_slice %arg12[%dma_start3A, %dma_start3A_65] : memref<40x128xf32, #tpu.memory_space<vmem>> -> memref<40x128xf32, #tpu.memory_space<vmem>>
        %dma_start3A_67 = arith.constant 0 : i32
        %dma_start3A_68 = tpu.memref_slice %arg7[%add3A_48, %dma_start3A_67] : memref<20000x128xf32, #tpu.memory_space<hbm>> -> memref<40x128xf32, #tpu.memory_space<hbm>>
        %dma_start3A_69 = arith.constant 0 : i32
        %dma_start3A_70 = tpu.memref_slice %arg7[%add3A_48, %dma_start3A_69] : memref<20000x128xf32, #tpu.memory_space<hbm>> -> memref<40x128xf32, #tpu.memory_space<hbm>>
        %dma_start3A_71 = arith.constant 0 : i32
        %dma_start3A_72 = arith.constant 0 : i32
        %dma_start3A_73 = tpu.memref_slice %arg12[%dma_start3A_71, %dma_start3A_72] : memref<40x128xf32, #tpu.memory_space<vmem>> -> memref<40x128xf32, #tpu.memory_space<vmem>>
        tpu.enqueue_dma source(%dma_start3A_73 : memref<40x128xf32, #tpu.memory_space<vmem>>) target(%dma_start3A_70 : memref<40x128xf32, #tpu.memory_space<hbm>>) target_semaphore(%run_scoped3A : memref<!tpu.dma_semaphore, #tpu.memory_space<semaphore_mem>>)
        %dma_wait3A = arith.constant 0 : i32
        %dma_wait3A_74 = arith.constant 0 : i32
        %dma_wait3A_75 = tpu.memref_slice %arg12[%dma_wait3A, %dma_wait3A_74] : memref<40x128xf32, #tpu.memory_space<vmem>> -> memref<40x128xf32, #tpu.memory_space<vmem>>
        %dma_wait3A_76 = arith.constant 0 : i32
        %dma_wait3A_77 = tpu.memref_slice %arg7[%add3A_48, %dma_wait3A_76] : memref<20000x128xf32, #tpu.memory_space<hbm>> -> memref<40x128xf32, #tpu.memory_space<hbm>>
        %dma_wait3A_78 = arith.constant 0 : i32
        %dma_wait3A_79 = tpu.memref_slice %arg7[%add3A_48, %dma_wait3A_78] : memref<20000x128xf32, #tpu.memory_space<hbm>> -> memref<40x128xf32, #tpu.memory_space<hbm>>
        %dma_wait3A_80 = arith.constant 0 : i32
        %dma_wait3A_81 = arith.constant 0 : i32
        %dma_wait3A_82 = tpu.memref_slice %arg12[%dma_wait3A_80, %dma_wait3A_81] : memref<40x128xf32, #tpu.memory_space<vmem>> -> memref<40x128xf32, #tpu.memory_space<vmem>>
        tpu.wait_dma2 semaphore(%run_scoped3A : memref<!tpu.dma_semaphore, #tpu.memory_space<semaphore_mem>>) src(%dma_wait3A_82 : memref<40x128xf32, #tpu.memory_space<vmem>>) dst(%dma_wait3A_79 : memref<40x128xf32, #tpu.memory_space<hbm>>)
        tpu.yield
      }) : () -> ()
      "tpu.region"() ({
        %run_scoped3A = tpu.sem_alloc : memref<!tpu.dma_semaphore, #tpu.memory_space<semaphore_mem>>
        %dma_start3A = arith.constant 0 : i32
        %dma_start3A_65 = arith.constant 0 : i32
        %dma_start3A_66 = tpu.memref_slice %arg12[%dma_start3A, %dma_start3A_65] : memref<40x128xf32, #tpu.memory_space<vmem>> -> memref<40x128xf32, #tpu.memory_space<vmem>>
        %dma_start3A_67 = arith.constant 9840 : i32
        %dma_start3A_68 = arith.constant 0 : i32
        %dma_start3A_69 = tpu.memref_slice %arg16[%dma_start3A_67, %dma_start3A_68] : memref<10000x128xf32, #tpu.memory_space<vmem_shared>> -> memref<40x128xf32, #tpu.memory_space<vmem_shared>>
        %dma_start3A_70 = arith.constant 0 : i32
        %dma_start3A_71 = arith.constant 0 : i32
        %dma_start3A_72 = tpu.memref_slice %arg12[%dma_start3A_70, %dma_start3A_71] : memref<40x128xf32, #tpu.memory_space<vmem>> -> memref<40x128xf32, #tpu.memory_space<vmem>>
        %dma_start3A_73 = arith.constant 9840 : i32
        %dma_start3A_74 = arith.constant 0 : i32
        %dma_start3A_75 = tpu.memref_slice %arg16[%dma_start3A_73, %dma_start3A_74] : memref<10000x128xf32, #tpu.memory_space<vmem_shared>> -> memref<40x128xf32, #tpu.memory_space<vmem_shared>>
        tpu.enqueue_dma source(%dma_start3A_75 : memref<40x128xf32, #tpu.memory_space<vmem_shared>>) target(%dma_start3A_72 : memref<40x128xf32, #tpu.memory_space<vmem>>) target_semaphore(%run_scoped3A : memref<!tpu.dma_semaphore, #tpu.memory_space<semaphore_mem>>)
        %dma_wait3A = arith.constant 0 : i32
        %dma_wait3A_76 = arith.constant 0 : i32
        %dma_wait3A_77 = tpu.memref_slice %arg12[%dma_wait3A, %dma_wait3A_76] : memref<40x128xf32, #tpu.memory_space<vmem>> -> memref<40x128xf32, #tpu.memory_space<vmem>>
        %dma_wait3A_78 = arith.constant 9840 : i32
        %dma_wait3A_79 = arith.constant 0 : i32
        %dma_wait3A_80 = tpu.memref_slice %arg16[%dma_wait3A_78, %dma_wait3A_79] : memref<10000x128xf32, #tpu.memory_space<vmem_shared>> -> memref<40x128xf32, #tpu.memory_space<vmem_shared>>
        %dma_wait3A_81 = arith.constant 0 : i32
        %dma_wait3A_82 = arith.constant 0 : i32
        %dma_wait3A_83 = tpu.memref_slice %arg12[%dma_wait3A_81, %dma_wait3A_82] : memref<40x128xf32, #tpu.memory_space<vmem>> -> memref<40x128xf32, #tpu.memory_space<vmem>>
        %dma_wait3A_84 = arith.constant 9840 : i32
        %dma_wait3A_85 = arith.constant 0 : i32
        %dma_wait3A_86 = tpu.memref_slice %arg16[%dma_wait3A_84, %dma_wait3A_85] : memref<10000x128xf32, #tpu.memory_space<vmem_shared>> -> memref<40x128xf32, #tpu.memory_space<vmem_shared>>
        tpu.wait_dma2 semaphore(%run_scoped3A : memref<!tpu.dma_semaphore, #tpu.memory_space<semaphore_mem>>) src(%dma_wait3A_86 : memref<40x128xf32, #tpu.memory_space<vmem_shared>>) dst(%dma_wait3A_83 : memref<40x128xf32, #tpu.memory_space<vmem>>)
        tpu.yield
      }) : () -> ()
      %mul3A_49 = arith.constant 10000 : i32
      %mul3A_50 = arith.muli %arg0, %mul3A_49 : i32
      %add3A_51 = arith.constant 9840 : i32
      %add3A_52 = arith.addi %mul3A_50, %add3A_51 : i32
      "tpu.region"() ({
        %run_scoped3A = tpu.sem_alloc : memref<!tpu.dma_semaphore, #tpu.memory_space<semaphore_mem>>
        %dma_start3A = arith.constant 0 : i32
        %dma_start3A_65 = arith.constant 0 : i32
        %dma_start3A_66 = tpu.memref_slice %arg12[%dma_start3A, %dma_start3A_65] : memref<40x128xf32, #tpu.memory_space<vmem>> -> memref<40x128xf32, #tpu.memory_space<vmem>>
        %dma_start3A_67 = arith.constant 0 : i32
        %dma_start3A_68 = tpu.memref_slice %arg7[%add3A_52, %dma_start3A_67] : memref<20000x128xf32, #tpu.memory_space<hbm>> -> memref<40x128xf32, #tpu.memory_space<hbm>>
        %dma_start3A_69 = arith.constant 0 : i32
        %dma_start3A_70 = tpu.memref_slice %arg7[%add3A_52, %dma_start3A_69] : memref<20000x128xf32, #tpu.memory_space<hbm>> -> memref<40x128xf32, #tpu.memory_space<hbm>>
        %dma_start3A_71 = arith.constant 0 : i32
        %dma_start3A_72 = arith.constant 0 : i32
        %dma_start3A_73 = tpu.memref_slice %arg12[%dma_start3A_71, %dma_start3A_72] : memref<40x128xf32, #tpu.memory_space<vmem>> -> memref<40x128xf32, #tpu.memory_space<vmem>>
        tpu.enqueue_dma source(%dma_start3A_73 : memref<40x128xf32, #tpu.memory_space<vmem>>) target(%dma_start3A_70 : memref<40x128xf32, #tpu.memory_space<hbm>>) target_semaphore(%run_scoped3A : memref<!tpu.dma_semaphore, #tpu.memory_space<semaphore_mem>>)
        %dma_wait3A = arith.constant 0 : i32
        %dma_wait3A_74 = arith.constant 0 : i32
        %dma_wait3A_75 = tpu.memref_slice %arg12[%dma_wait3A, %dma_wait3A_74] : memref<40x128xf32, #tpu.memory_space<vmem>> -> memref<40x128xf32, #tpu.memory_space<vmem>>
        %dma_wait3A_76 = arith.constant 0 : i32
        %dma_wait3A_77 = tpu.memref_slice %arg7[%add3A_52, %dma_wait3A_76] : memref<20000x128xf32, #tpu.memory_space<hbm>> -> memref<40x128xf32, #tpu.memory_space<hbm>>
        %dma_wait3A_78 = arith.constant 0 : i32
        %dma_wait3A_79 = tpu.memref_slice %arg7[%add3A_52, %dma_wait3A_78] : memref<20000x128xf32, #tpu.memory_space<hbm>> -> memref<40x128xf32, #tpu.memory_space<hbm>>
        %dma_wait3A_80 = arith.constant 0 : i32
        %dma_wait3A_81 = arith.constant 0 : i32
        %dma_wait3A_82 = tpu.memref_slice %arg12[%dma_wait3A_80, %dma_wait3A_81] : memref<40x128xf32, #tpu.memory_space<vmem>> -> memref<40x128xf32, #tpu.memory_space<vmem>>
        tpu.wait_dma2 semaphore(%run_scoped3A : memref<!tpu.dma_semaphore, #tpu.memory_space<semaphore_mem>>) src(%dma_wait3A_82 : memref<40x128xf32, #tpu.memory_space<vmem>>) dst(%dma_wait3A_79 : memref<40x128xf32, #tpu.memory_space<hbm>>)
        tpu.yield
      }) : () -> ()
      "tpu.region"() ({
        %run_scoped3A = tpu.sem_alloc : memref<!tpu.dma_semaphore, #tpu.memory_space<semaphore_mem>>
        %dma_start3A = arith.constant 0 : i32
        %dma_start3A_65 = arith.constant 0 : i32
        %dma_start3A_66 = tpu.memref_slice %arg12[%dma_start3A, %dma_start3A_65] : memref<40x128xf32, #tpu.memory_space<vmem>> -> memref<40x128xf32, #tpu.memory_space<vmem>>
        %dma_start3A_67 = arith.constant 9880 : i32
        %dma_start3A_68 = arith.constant 0 : i32
        %dma_start3A_69 = tpu.memref_slice %arg16[%dma_start3A_67, %dma_start3A_68] : memref<10000x128xf32, #tpu.memory_space<vmem_shared>> -> memref<40x128xf32, #tpu.memory_space<vmem_shared>>
        %dma_start3A_70 = arith.constant 0 : i32
        %dma_start3A_71 = arith.constant 0 : i32
        %dma_start3A_72 = tpu.memref_slice %arg12[%dma_start3A_70, %dma_start3A_71] : memref<40x128xf32, #tpu.memory_space<vmem>> -> memref<40x128xf32, #tpu.memory_space<vmem>>
        %dma_start3A_73 = arith.constant 9880 : i32
        %dma_start3A_74 = arith.constant 0 : i32
        %dma_start3A_75 = tpu.memref_slice %arg16[%dma_start3A_73, %dma_start3A_74] : memref<10000x128xf32, #tpu.memory_space<vmem_shared>> -> memref<40x128xf32, #tpu.memory_space<vmem_shared>>
        tpu.enqueue_dma source(%dma_start3A_75 : memref<40x128xf32, #tpu.memory_space<vmem_shared>>) target(%dma_start3A_72 : memref<40x128xf32, #tpu.memory_space<vmem>>) target_semaphore(%run_scoped3A : memref<!tpu.dma_semaphore, #tpu.memory_space<semaphore_mem>>)
        %dma_wait3A = arith.constant 0 : i32
        %dma_wait3A_76 = arith.constant 0 : i32
        %dma_wait3A_77 = tpu.memref_slice %arg12[%dma_wait3A, %dma_wait3A_76] : memref<40x128xf32, #tpu.memory_space<vmem>> -> memref<40x128xf32, #tpu.memory_space<vmem>>
        %dma_wait3A_78 = arith.constant 9880 : i32
        %dma_wait3A_79 = arith.constant 0 : i32
        %dma_wait3A_80 = tpu.memref_slice %arg16[%dma_wait3A_78, %dma_wait3A_79] : memref<10000x128xf32, #tpu.memory_space<vmem_shared>> -> memref<40x128xf32, #tpu.memory_space<vmem_shared>>
        %dma_wait3A_81 = arith.constant 0 : i32
        %dma_wait3A_82 = arith.constant 0 : i32
        %dma_wait3A_83 = tpu.memref_slice %arg12[%dma_wait3A_81, %dma_wait3A_82] : memref<40x128xf32, #tpu.memory_space<vmem>> -> memref<40x128xf32, #tpu.memory_space<vmem>>
        %dma_wait3A_84 = arith.constant 9880 : i32
        %dma_wait3A_85 = arith.constant 0 : i32
        %dma_wait3A_86 = tpu.memref_slice %arg16[%dma_wait3A_84, %dma_wait3A_85] : memref<10000x128xf32, #tpu.memory_space<vmem_shared>> -> memref<40x128xf32, #tpu.memory_space<vmem_shared>>
        tpu.wait_dma2 semaphore(%run_scoped3A : memref<!tpu.dma_semaphore, #tpu.memory_space<semaphore_mem>>) src(%dma_wait3A_86 : memref<40x128xf32, #tpu.memory_space<vmem_shared>>) dst(%dma_wait3A_83 : memref<40x128xf32, #tpu.memory_space<vmem>>)
        tpu.yield
      }) : () -> ()
      %mul3A_53 = arith.constant 10000 : i32
      %mul3A_54 = arith.muli %arg0, %mul3A_53 : i32
      %add3A_55 = arith.constant 9880 : i32
      %add3A_56 = arith.addi %mul3A_54, %add3A_55 : i32
      "tpu.region"() ({
        %run_scoped3A = tpu.sem_alloc : memref<!tpu.dma_semaphore, #tpu.memory_space<semaphore_mem>>
        %dma_start3A = arith.constant 0 : i32
        %dma_start3A_65 = arith.constant 0 : i32
        %dma_start3A_66 = tpu.memref_slice %arg12[%dma_start3A, %dma_start3A_65] : memref<40x128xf32, #tpu.memory_space<vmem>> -> memref<40x128xf32, #tpu.memory_space<vmem>>
        %dma_start3A_67 = arith.constant 0 : i32
        %dma_start3A_68 = tpu.memref_slice %arg7[%add3A_56, %dma_start3A_67] : memref<20000x128xf32, #tpu.memory_space<hbm>> -> memref<40x128xf32, #tpu.memory_space<hbm>>
        %dma_start3A_69 = arith.constant 0 : i32
        %dma_start3A_70 = tpu.memref_slice %arg7[%add3A_56, %dma_start3A_69] : memref<20000x128xf32, #tpu.memory_space<hbm>> -> memref<40x128xf32, #tpu.memory_space<hbm>>
        %dma_start3A_71 = arith.constant 0 : i32
        %dma_start3A_72 = arith.constant 0 : i32
        %dma_start3A_73 = tpu.memref_slice %arg12[%dma_start3A_71, %dma_start3A_72] : memref<40x128xf32, #tpu.memory_space<vmem>> -> memref<40x128xf32, #tpu.memory_space<vmem>>
        tpu.enqueue_dma source(%dma_start3A_73 : memref<40x128xf32, #tpu.memory_space<vmem>>) target(%dma_start3A_70 : memref<40x128xf32, #tpu.memory_space<hbm>>) target_semaphore(%run_scoped3A : memref<!tpu.dma_semaphore, #tpu.memory_space<semaphore_mem>>)
        %dma_wait3A = arith.constant 0 : i32
        %dma_wait3A_74 = arith.constant 0 : i32
        %dma_wait3A_75 = tpu.memref_slice %arg12[%dma_wait3A, %dma_wait3A_74] : memref<40x128xf32, #tpu.memory_space<vmem>> -> memref<40x128xf32, #tpu.memory_space<vmem>>
        %dma_wait3A_76 = arith.constant 0 : i32
        %dma_wait3A_77 = tpu.memref_slice %arg7[%add3A_56, %dma_wait3A_76] : memref<20000x128xf32, #tpu.memory_space<hbm>> -> memref<40x128xf32, #tpu.memory_space<hbm>>
        %dma_wait3A_78 = arith.constant 0 : i32
        %dma_wait3A_79 = tpu.memref_slice %arg7[%add3A_56, %dma_wait3A_78] : memref<20000x128xf32, #tpu.memory_space<hbm>> -> memref<40x128xf32, #tpu.memory_space<hbm>>
        %dma_wait3A_80 = arith.constant 0 : i32
        %dma_wait3A_81 = arith.constant 0 : i32
        %dma_wait3A_82 = tpu.memref_slice %arg12[%dma_wait3A_80, %dma_wait3A_81] : memref<40x128xf32, #tpu.memory_space<vmem>> -> memref<40x128xf32, #tpu.memory_space<vmem>>
        tpu.wait_dma2 semaphore(%run_scoped3A : memref<!tpu.dma_semaphore, #tpu.memory_space<semaphore_mem>>) src(%dma_wait3A_82 : memref<40x128xf32, #tpu.memory_space<vmem>>) dst(%dma_wait3A_79 : memref<40x128xf32, #tpu.memory_space<hbm>>)
        tpu.yield
      }) : () -> ()
      "tpu.region"() ({
        %run_scoped3A = tpu.sem_alloc : memref<!tpu.dma_semaphore, #tpu.memory_space<semaphore_mem>>
        %dma_start3A = arith.constant 0 : i32
        %dma_start3A_65 = arith.constant 0 : i32
        %dma_start3A_66 = tpu.memref_slice %arg12[%dma_start3A, %dma_start3A_65] : memref<40x128xf32, #tpu.memory_space<vmem>> -> memref<40x128xf32, #tpu.memory_space<vmem>>
        %dma_start3A_67 = arith.constant 9920 : i32
        %dma_start3A_68 = arith.constant 0 : i32
        %dma_start3A_69 = tpu.memref_slice %arg16[%dma_start3A_67, %dma_start3A_68] : memref<10000x128xf32, #tpu.memory_space<vmem_shared>> -> memref<40x128xf32, #tpu.memory_space<vmem_shared>>
        %dma_start3A_70 = arith.constant 0 : i32
        %dma_start3A_71 = arith.constant 0 : i32
        %dma_start3A_72 = tpu.memref_slice %arg12[%dma_start3A_70, %dma_start3A_71] : memref<40x128xf32, #tpu.memory_space<vmem>> -> memref<40x128xf32, #tpu.memory_space<vmem>>
        %dma_start3A_73 = arith.constant 9920 : i32
        %dma_start3A_74 = arith.constant 0 : i32
        %dma_start3A_75 = tpu.memref_slice %arg16[%dma_start3A_73, %dma_start3A_74] : memref<10000x128xf32, #tpu.memory_space<vmem_shared>> -> memref<40x128xf32, #tpu.memory_space<vmem_shared>>
        tpu.enqueue_dma source(%dma_start3A_75 : memref<40x128xf32, #tpu.memory_space<vmem_shared>>) target(%dma_start3A_72 : memref<40x128xf32, #tpu.memory_space<vmem>>) target_semaphore(%run_scoped3A : memref<!tpu.dma_semaphore, #tpu.memory_space<semaphore_mem>>)
        %dma_wait3A = arith.constant 0 : i32
        %dma_wait3A_76 = arith.constant 0 : i32
        %dma_wait3A_77 = tpu.memref_slice %arg12[%dma_wait3A, %dma_wait3A_76] : memref<40x128xf32, #tpu.memory_space<vmem>> -> memref<40x128xf32, #tpu.memory_space<vmem>>
        %dma_wait3A_78 = arith.constant 9920 : i32
        %dma_wait3A_79 = arith.constant 0 : i32
        %dma_wait3A_80 = tpu.memref_slice %arg16[%dma_wait3A_78, %dma_wait3A_79] : memref<10000x128xf32, #tpu.memory_space<vmem_shared>> -> memref<40x128xf32, #tpu.memory_space<vmem_shared>>
        %dma_wait3A_81 = arith.constant 0 : i32
        %dma_wait3A_82 = arith.constant 0 : i32
        %dma_wait3A_83 = tpu.memref_slice %arg12[%dma_wait3A_81, %dma_wait3A_82] : memref<40x128xf32, #tpu.memory_space<vmem>> -> memref<40x128xf32, #tpu.memory_space<vmem>>
        %dma_wait3A_84 = arith.constant 9920 : i32
        %dma_wait3A_85 = arith.constant 0 : i32
        %dma_wait3A_86 = tpu.memref_slice %arg16[%dma_wait3A_84, %dma_wait3A_85] : memref<10000x128xf32, #tpu.memory_space<vmem_shared>> -> memref<40x128xf32, #tpu.memory_space<vmem_shared>>
        tpu.wait_dma2 semaphore(%run_scoped3A : memref<!tpu.dma_semaphore, #tpu.memory_space<semaphore_mem>>) src(%dma_wait3A_86 : memref<40x128xf32, #tpu.memory_space<vmem_shared>>) dst(%dma_wait3A_83 : memref<40x128xf32, #tpu.memory_space<vmem>>)
        tpu.yield
      }) : () -> ()
      %mul3A_57 = arith.constant 10000 : i32
      %mul3A_58 = arith.muli %arg0, %mul3A_57 : i32
      %add3A_59 = arith.constant 9920 : i32
      %add3A_60 = arith.addi %mul3A_58, %add3A_59 : i32
      "tpu.region"() ({
        %run_scoped3A = tpu.sem_alloc : memref<!tpu.dma_semaphore, #tpu.memory_space<semaphore_mem>>
        %dma_start3A = arith.constant 0 : i32
        %dma_start3A_65 = arith.constant 0 : i32
        %dma_start3A_66 = tpu.memref_slice %arg12[%dma_start3A, %dma_start3A_65] : memref<40x128xf32, #tpu.memory_space<vmem>> -> memref<40x128xf32, #tpu.memory_space<vmem>>
        %dma_start3A_67 = arith.constant 0 : i32
        %dma_start3A_68 = tpu.memref_slice %arg7[%add3A_60, %dma_start3A_67] : memref<20000x128xf32, #tpu.memory_space<hbm>> -> memref<40x128xf32, #tpu.memory_space<hbm>>
        %dma_start3A_69 = arith.constant 0 : i32
        %dma_start3A_70 = tpu.memref_slice %arg7[%add3A_60, %dma_start3A_69] : memref<20000x128xf32, #tpu.memory_space<hbm>> -> memref<40x128xf32, #tpu.memory_space<hbm>>
        %dma_start3A_71 = arith.constant 0 : i32
        %dma_start3A_72 = arith.constant 0 : i32
        %dma_start3A_73 = tpu.memref_slice %arg12[%dma_start3A_71, %dma_start3A_72] : memref<40x128xf32, #tpu.memory_space<vmem>> -> memref<40x128xf32, #tpu.memory_space<vmem>>
        tpu.enqueue_dma source(%dma_start3A_73 : memref<40x128xf32, #tpu.memory_space<vmem>>) target(%dma_start3A_70 : memref<40x128xf32, #tpu.memory_space<hbm>>) target_semaphore(%run_scoped3A : memref<!tpu.dma_semaphore, #tpu.memory_space<semaphore_mem>>)
        %dma_wait3A = arith.constant 0 : i32
        %dma_wait3A_74 = arith.constant 0 : i32
        %dma_wait3A_75 = tpu.memref_slice %arg12[%dma_wait3A, %dma_wait3A_74] : memref<40x128xf32, #tpu.memory_space<vmem>> -> memref<40x128xf32, #tpu.memory_space<vmem>>
        %dma_wait3A_76 = arith.constant 0 : i32
        %dma_wait3A_77 = tpu.memref_slice %arg7[%add3A_60, %dma_wait3A_76] : memref<20000x128xf32, #tpu.memory_space<hbm>> -> memref<40x128xf32, #tpu.memory_space<hbm>>
        %dma_wait3A_78 = arith.constant 0 : i32
        %dma_wait3A_79 = tpu.memref_slice %arg7[%add3A_60, %dma_wait3A_78] : memref<20000x128xf32, #tpu.memory_space<hbm>> -> memref<40x128xf32, #tpu.memory_space<hbm>>
        %dma_wait3A_80 = arith.constant 0 : i32
        %dma_wait3A_81 = arith.constant 0 : i32
        %dma_wait3A_82 = tpu.memref_slice %arg12[%dma_wait3A_80, %dma_wait3A_81] : memref<40x128xf32, #tpu.memory_space<vmem>> -> memref<40x128xf32, #tpu.memory_space<vmem>>
        tpu.wait_dma2 semaphore(%run_scoped3A : memref<!tpu.dma_semaphore, #tpu.memory_space<semaphore_mem>>) src(%dma_wait3A_82 : memref<40x128xf32, #tpu.memory_space<vmem>>) dst(%dma_wait3A_79 : memref<40x128xf32, #tpu.memory_space<hbm>>)
        tpu.yield
      }) : () -> ()
      "tpu.region"() ({
        %run_scoped3A = tpu.sem_alloc : memref<!tpu.dma_semaphore, #tpu.memory_space<semaphore_mem>>
        %dma_start3A = arith.constant 0 : i32
        %dma_start3A_65 = arith.constant 0 : i32
        %dma_start3A_66 = tpu.memref_slice %arg12[%dma_start3A, %dma_start3A_65] : memref<40x128xf32, #tpu.memory_space<vmem>> -> memref<40x128xf32, #tpu.memory_space<vmem>>
        %dma_start3A_67 = arith.constant 9960 : i32
        %dma_start3A_68 = arith.constant 0 : i32
        %dma_start3A_69 = tpu.memref_slice %arg16[%dma_start3A_67, %dma_start3A_68] : memref<10000x128xf32, #tpu.memory_space<vmem_shared>> -> memref<40x128xf32, #tpu.memory_space<vmem_shared>>
        %dma_start3A_70 = arith.constant 0 : i32
        %dma_start3A_71 = arith.constant 0 : i32
        %dma_start3A_72 = tpu.memref_slice %arg12[%dma_start3A_70, %dma_start3A_71] : memref<40x128xf32, #tpu.memory_space<vmem>> -> memref<40x128xf32, #tpu.memory_space<vmem>>
        %dma_start3A_73 = arith.constant 9960 : i32
        %dma_start3A_74 = arith.constant 0 : i32
        %dma_start3A_75 = tpu.memref_slice %arg16[%dma_start3A_73, %dma_start3A_74] : memref<10000x128xf32, #tpu.memory_space<vmem_shared>> -> memref<40x128xf32, #tpu.memory_space<vmem_shared>>
        tpu.enqueue_dma source(%dma_start3A_75 : memref<40x128xf32, #tpu.memory_space<vmem_shared>>) target(%dma_start3A_72 : memref<40x128xf32, #tpu.memory_space<vmem>>) target_semaphore(%run_scoped3A : memref<!tpu.dma_semaphore, #tpu.memory_space<semaphore_mem>>)
        %dma_wait3A = arith.constant 0 : i32
        %dma_wait3A_76 = arith.constant 0 : i32
        %dma_wait3A_77 = tpu.memref_slice %arg12[%dma_wait3A, %dma_wait3A_76] : memref<40x128xf32, #tpu.memory_space<vmem>> -> memref<40x128xf32, #tpu.memory_space<vmem>>
        %dma_wait3A_78 = arith.constant 9960 : i32
        %dma_wait3A_79 = arith.constant 0 : i32
        %dma_wait3A_80 = tpu.memref_slice %arg16[%dma_wait3A_78, %dma_wait3A_79] : memref<10000x128xf32, #tpu.memory_space<vmem_shared>> -> memref<40x128xf32, #tpu.memory_space<vmem_shared>>
        %dma_wait3A_81 = arith.constant 0 : i32
        %dma_wait3A_82 = arith.constant 0 : i32
        %dma_wait3A_83 = tpu.memref_slice %arg12[%dma_wait3A_81, %dma_wait3A_82] : memref<40x128xf32, #tpu.memory_space<vmem>> -> memref<40x128xf32, #tpu.memory_space<vmem>>
        %dma_wait3A_84 = arith.constant 9960 : i32
        %dma_wait3A_85 = arith.constant 0 : i32
        %dma_wait3A_86 = tpu.memref_slice %arg16[%dma_wait3A_84, %dma_wait3A_85] : memref<10000x128xf32, #tpu.memory_space<vmem_shared>> -> memref<40x128xf32, #tpu.memory_space<vmem_shared>>
        tpu.wait_dma2 semaphore(%run_scoped3A : memref<!tpu.dma_semaphore, #tpu.memory_space<semaphore_mem>>) src(%dma_wait3A_86 : memref<40x128xf32, #tpu.memory_space<vmem_shared>>) dst(%dma_wait3A_83 : memref<40x128xf32, #tpu.memory_space<vmem>>)
        tpu.yield
      }) : () -> ()
      %mul3A_61 = arith.constant 10000 : i32
      %mul3A_62 = arith.muli %arg0, %mul3A_61 : i32
      %add3A_63 = arith.constant 9960 : i32
      %add3A_64 = arith.addi %mul3A_62, %add3A_63 : i32
      "tpu.region"() ({
        %run_scoped3A = tpu.sem_alloc : memref<!tpu.dma_semaphore, #tpu.memory_space<semaphore_mem>>
        %dma_start3A = arith.constant 0 : i32
        %dma_start3A_65 = arith.constant 0 : i32
        %dma_start3A_66 = tpu.memref_slice %arg12[%dma_start3A, %dma_start3A_65] : memref<40x128xf32, #tpu.memory_space<vmem>> -> memref<40x128xf32, #tpu.memory_space<vmem>>
        %dma_start3A_67 = arith.constant 0 : i32
        %dma_start3A_68 = tpu.memref_slice %arg7[%add3A_64, %dma_start3A_67] : memref<20000x128xf32, #tpu.memory_space<hbm>> -> memref<40x128xf32, #tpu.memory_space<hbm>>
        %dma_start3A_69 = arith.constant 0 : i32
        %dma_start3A_70 = tpu.memref_slice %arg7[%add3A_64, %dma_start3A_69] : memref<20000x128xf32, #tpu.memory_space<hbm>> -> memref<40x128xf32, #tpu.memory_space<hbm>>
        %dma_start3A_71 = arith.constant 0 : i32
        %dma_start3A_72 = arith.constant 0 : i32
        %dma_start3A_73 = tpu.memref_slice %arg12[%dma_start3A_71, %dma_start3A_72] : memref<40x128xf32, #tpu.memory_space<vmem>> -> memref<40x128xf32, #tpu.memory_space<vmem>>
        tpu.enqueue_dma source(%dma_start3A_73 : memref<40x128xf32, #tpu.memory_space<vmem>>) target(%dma_start3A_70 : memref<40x128xf32, #tpu.memory_space<hbm>>) target_semaphore(%run_scoped3A : memref<!tpu.dma_semaphore, #tpu.memory_space<semaphore_mem>>)
        %dma_wait3A = arith.constant 0 : i32
        %dma_wait3A_74 = arith.constant 0 : i32
        %dma_wait3A_75 = tpu.memref_slice %arg12[%dma_wait3A, %dma_wait3A_74] : memref<40x128xf32, #tpu.memory_space<vmem>> -> memref<40x128xf32, #tpu.memory_space<vmem>>
        %dma_wait3A_76 = arith.constant 0 : i32
        %dma_wait3A_77 = tpu.memref_slice %arg7[%add3A_64, %dma_wait3A_76] : memref<20000x128xf32, #tpu.memory_space<hbm>> -> memref<40x128xf32, #tpu.memory_space<hbm>>
        %dma_wait3A_78 = arith.constant 0 : i32
        %dma_wait3A_79 = tpu.memref_slice %arg7[%add3A_64, %dma_wait3A_78] : memref<20000x128xf32, #tpu.memory_space<hbm>> -> memref<40x128xf32, #tpu.memory_space<hbm>>
        %dma_wait3A_80 = arith.constant 0 : i32
        %dma_wait3A_81 = arith.constant 0 : i32
        %dma_wait3A_82 = tpu.memref_slice %arg12[%dma_wait3A_80, %dma_wait3A_81] : memref<40x128xf32, #tpu.memory_space<vmem>> -> memref<40x128xf32, #tpu.memory_space<vmem>>
        tpu.wait_dma2 semaphore(%run_scoped3A : memref<!tpu.dma_semaphore, #tpu.memory_space<semaphore_mem>>) src(%dma_wait3A_82 : memref<40x128xf32, #tpu.memory_space<vmem>>) dst(%dma_wait3A_79 : memref<40x128xf32, #tpu.memory_space<hbm>>)
        tpu.yield
      }) : () -> ()
    } else {
    }
    return
  }
}

module attributes {stable_mosaic.version = 14 : i64} {
  func.func @_pre_body(%arg0: i32, %arg1: memref<2000x128xf32, #tpu.memory_space<vmem>>, %arg2: memref<2000x1xf32, #tpu.memory_space<vmem>>, %arg3: memref<128x128xf32, #tpu.memory_space<vmem>>, %arg4: memref<1x128xf32, #tpu.memory_space<vmem>>, %arg5: memref<128x128xf32, #tpu.memory_space<vmem>>, %arg6: memref<2000x128xf32, #tpu.memory_space<vmem>>, %arg7: memref<2000x128xf32, #tpu.memory_space<vmem>>) attributes {dimension_semantics = [#tpu.dimension_semantics<arbitrary>], iteration_bounds = array<i64: 5>, scalar_prefetch = 0 : i64, scratch_operands = 0 : i64, tpu.core_type = #tpu.core_type<tc>, window_params = [{transform_indices = @transform_0, window_bounds = array<i64: 2000, 128>}, {transform_indices = @transform_1, window_bounds = array<i64: 2000, 1>}, {pipeline_mode = #tpu.pipeline_mode<synchronous>, transform_indices = @transform_2, window_bounds = array<i64: 128, 128>}, {pipeline_mode = #tpu.pipeline_mode<synchronous>, transform_indices = @transform_3, window_bounds = array<i64: 1, 128>}, {pipeline_mode = #tpu.pipeline_mode<synchronous>, transform_indices = @transform_4, window_bounds = array<i64: 128, 128>}, {transform_indices = @transform_5, window_bounds = array<i64: 2000, 128>}, {transform_indices = @transform_6, window_bounds = array<i64: 2000, 128>}]} {
    %get3A = arith.constant 0 : index
    %get3A_0 = arith.constant 0 : index
    %get3A_1 = vector.load %arg1[%get3A, %get3A_0] : memref<2000x128xf32, #tpu.memory_space<vmem>>, vector<2000x128xf32>
    %get3A_2 = arith.constant 0 : index
    %get3A_3 = arith.constant 0 : index
    %get3A_4 = vector.load %arg3[%get3A_2, %get3A_3] : memref<128x128xf32, #tpu.memory_space<vmem>>, vector<128x128xf32>
    %dot_general3A = arith.constant dense<0.000000e+00> : vector<2000x128xf32>
    %dot_general3A_5 = tpu.matmul %get3A_1, %get3A_4, %dot_general3A {dimension_numbers = #tpu.dot_dimension_numbers<[1], [0], [0], [1], [0, 0, 1, 1], [], []>, transpose_lhs_hint = false} : vector<2000x128xf32>, vector<128x128xf32>, vector<2000x128xf32> -> vector<2000x128xf32>
    %get3A_6 = arith.constant 0 : index
    %get3A_7 = arith.constant 0 : index
    %get3A_8 = vector.load %arg4[%get3A_6, %get3A_7] : memref<1x128xf32, #tpu.memory_space<vmem>>, vector<1x128xf32>
    %add3A = vector.broadcast %get3A_8 : vector<1x128xf32> to vector<2000x128xf32>
    %add3A_9 = arith.addf %dot_general3A_5, %add3A : vector<2000x128xf32>
    %swap3A = arith.constant 0 : index
    %swap3A_10 = arith.constant 0 : index
    %swap3A_11 = vector.load %arg6[%swap3A, %swap3A_10] : memref<2000x128xf32, #tpu.memory_space<vmem>>, vector<2000x128xf32>
    tpu.vector_store %arg6[%swap3A, %swap3A_10], %add3A_9 {strides = array<i32>} : memref<2000x128xf32, #tpu.memory_space<vmem>>, vector<2000x128xf32>,
    %get3A_12 = arith.constant 0 : index
    %get3A_13 = arith.constant 0 : index
    %get3A_14 = vector.load %arg2[%get3A_12, %get3A_13] : memref<2000x1xf32, #tpu.memory_space<vmem>>, vector<2000x1xf32>
    %mul3A = vector.broadcast %get3A_14 : vector<2000x1xf32> to vector<2000x128xf32>
    %mul3A_15 = arith.mulf %mul3A, %add3A_9 : vector<2000x128xf32>
    %get3A_16 = arith.constant 0 : index
    %get3A_17 = arith.constant 0 : index
    %get3A_18 = vector.load %arg5[%get3A_16, %get3A_17] : memref<128x128xf32, #tpu.memory_space<vmem>>, vector<128x128xf32>
    %dot_general3A_19 = arith.constant dense<0.000000e+00> : vector<2000x128xf32>
    %dot_general3A_20 = tpu.matmul %mul3A_15, %get3A_18, %dot_general3A_19 {dimension_numbers = #tpu.dot_dimension_numbers<[1], [0], [0], [1], [0, 0, 1, 1], [], []>, transpose_lhs_hint = false} : vector<2000x128xf32>, vector<128x128xf32>, vector<2000x128xf32> -> vector<2000x128xf32>
    %swap3A_21 = arith.constant 0 : index
    %swap3A_22 = arith.constant 0 : index
    %swap3A_23 = vector.load %arg7[%swap3A_21, %swap3A_22] : memref<2000x128xf32, #tpu.memory_space<vmem>>, vector<2000x128xf32>
    tpu.vector_store %arg7[%swap3A_21, %swap3A_22], %dot_general3A_20 {strides = array<i32>} : memref<2000x128xf32, #tpu.memory_space<vmem>>, vector<2000x128xf32>,
    return
  }
  func.func @transform_0(%arg0: i32) -> (i32, i32) {
    %c0_i32 = arith.constant 0 : i32
    %c0_i32_0 = arith.constant 0 : i32
    return %arg0, %c0_i32 : i32, i32
  }
  func.func @transform_1(%arg0: i32) -> (i32, i32) {
    %c0_i32 = arith.constant 0 : i32
    %c0_i32_0 = arith.constant 0 : i32
    return %arg0, %c0_i32 : i32, i32
  }
  func.func @transform_2(%arg0: i32) -> (i32, i32) {
    %c0_i32 = arith.constant 0 : i32
    %c0_i32_0 = arith.constant 0 : i32
    %c0_i32_1 = arith.constant 0 : i32
    return %c0_i32, %c0_i32_0 : i32, i32
  }
  func.func @transform_3(%arg0: i32) -> (i32, i32) {
    %c0_i32 = arith.constant 0 : i32
    %c0_i32_0 = arith.constant 0 : i32
    %c0_i32_1 = arith.constant 0 : i32
    return %c0_i32, %c0_i32_0 : i32, i32
  }
  func.func @transform_4(%arg0: i32) -> (i32, i32) {
    %c0_i32 = arith.constant 0 : i32
    %c0_i32_0 = arith.constant 0 : i32
    %c0_i32_1 = arith.constant 0 : i32
    return %c0_i32, %c0_i32_0 : i32, i32
  }
  func.func @transform_5(%arg0: i32) -> (i32, i32) {
    %c0_i32 = arith.constant 0 : i32
    %c0_i32_0 = arith.constant 0 : i32
    return %arg0, %c0_i32 : i32, i32
  }
  func.func @transform_6(%arg0: i32) -> (i32, i32) {
    %c0_i32 = arith.constant 0 : i32
    %c0_i32_0 = arith.constant 0 : i32
    return %arg0, %c0_i32 : i32, i32
  }
}

module attributes {stable_mosaic.version = 14 : i64} {
  func.func @_q_body(%arg0: i32, %arg1: memref<12800x16xf32, #tpu.memory_space<vmem>>, %arg2: memref<2500x128xf32, #tpu.memory_space<vmem>>, %arg3: memref<12800x100xf32, #tpu.memory_space<vmem>>, %arg4: memref<12800x128xf32, #tpu.memory_space<vmem>>, %arg5: memref<16x128xf32, #tpu.memory_space<vmem>>, %arg6: memref<1x128xf32, #tpu.memory_space<vmem>>, %arg7: memref<12800x128xf32, #tpu.memory_space<vmem>>) attributes {dimension_semantics = [#tpu.dimension_semantics<arbitrary>], iteration_bounds = array<i64: 25>, scalar_prefetch = 0 : i64, scratch_operands = 0 : i64, tpu.core_type = #tpu.core_type<tc>, window_params = [{transform_indices = @transform_0, window_bounds = array<i64: 12800, 16>}, {pipeline_mode = #tpu.pipeline_mode<synchronous>, transform_indices = @transform_1, window_bounds = array<i64: 2500, 128>}, {pipeline_mode = #tpu.pipeline_mode<synchronous>, transform_indices = @transform_2, window_bounds = array<i64: 12800, 100>}, {pipeline_mode = #tpu.pipeline_mode<synchronous>, transform_indices = @transform_3, window_bounds = array<i64: 12800, 128>}, {pipeline_mode = #tpu.pipeline_mode<synchronous>, transform_indices = @transform_4, window_bounds = array<i64: 16, 128>}, {pipeline_mode = #tpu.pipeline_mode<synchronous>, transform_indices = @transform_5, window_bounds = array<i64: 1, 128>}, {transform_indices = @transform_6, window_bounds = array<i64: 12800, 128>}]} {
    %iota3A = tpu.iota {dimensions = array<i32: 0>} : vector<100x2500xi32>
    %iota3A_0 = tpu.iota {dimensions = array<i32: 1>} : vector<100x2500xi32>
    %mul3A = arith.constant 100 : i32
    %mul3A_1 = arith.muli %arg0, %mul3A : i32
    %add3A = vector.broadcast %mul3A_1 : i32 to vector<100x2500xi32>
    %add3A_2 = arith.addi %iota3A, %add3A : vector<100x2500xi32>
    %eq3A = arith.cmpi eq, %iota3A_0, %add3A_2 : vector<100x2500xi32>
    %convert_element_type3A = arith.extui %eq3A : vector<100x2500xi1> to vector<100x2500xi32>
    %convert_element_type3A_3 = arith.sitofp %convert_element_type3A : vector<100x2500xi32> to vector<100x2500xf32>
    %get3A = arith.constant 0 : index
    %get3A_4 = arith.constant 0 : index
    %get3A_5 = vector.load %arg2[%get3A, %get3A_4] : memref<2500x128xf32, #tpu.memory_space<vmem>>, vector<2500x128xf32>
    %dot_general3A = arith.constant dense<0.000000e+00> : vector<100x128xf32>
    %dot_general3A_6 = tpu.matmul %convert_element_type3A_3, %get3A_5, %dot_general3A {dimension_numbers = #tpu.dot_dimension_numbers<[1], [0], [0], [1], [0, 0, 1, 1], [], []>, transpose_lhs_hint = false} : vector<100x2500xf32>, vector<2500x128xf32>, vector<100x128xf32> -> vector<100x128xf32>
    %get3A_7 = arith.constant 0 : index
    %get3A_8 = arith.constant 0 : index
    %get3A_9 = vector.load %arg3[%get3A_7, %get3A_8] : memref<12800x100xf32, #tpu.memory_space<vmem>>, vector<12800x100xf32>
    %dot_general3A_10 = arith.constant dense<0.000000e+00> : vector<12800x128xf32>
    %dot_general3A_11 = tpu.matmul %get3A_9, %dot_general3A_6, %dot_general3A_10 {dimension_numbers = #tpu.dot_dimension_numbers<[1], [0], [0], [1], [0, 0, 1, 1], [], []>, transpose_lhs_hint = false} : vector<12800x100xf32>, vector<100x128xf32>, vector<12800x128xf32> -> vector<12800x128xf32>
    %get3A_12 = arith.constant 0 : index
    %get3A_13 = arith.constant 0 : index
    %get3A_14 = vector.load %arg4[%get3A_12, %get3A_13] : memref<12800x128xf32, #tpu.memory_space<vmem>>, vector<12800x128xf32>
    %mul3A_15 = arith.mulf %dot_general3A_11, %get3A_14 : vector<12800x128xf32>
    %reduce_sum3A = arith.constant dense<0.000000e+00> : vector<12800xf32>
    %reduce_sum3A_16 = vector.multi_reduction <add>, %mul3A_15, %reduce_sum3A [1] : vector<12800x128xf32> to vector<12800xf32>
    %broadcast_in_dim3A = vector.shape_cast %reduce_sum3A_16 : vector<12800xf32> to vector<12800x1xf32>
    %get3A_17 = arith.constant 0 : index
    %get3A_18 = arith.constant 0 : index
    %get3A_19 = vector.load %arg1[%get3A_17, %get3A_18] : memref<12800x16xf32, #tpu.memory_space<vmem>>, vector<12800x16xf32>
    %get3A_20 = arith.constant 0 : index
    %get3A_21 = arith.constant 0 : index
    %get3A_22 = vector.load %arg5[%get3A_20, %get3A_21] : memref<16x128xf32, #tpu.memory_space<vmem>>, vector<16x128xf32>
    %dot_general3A_23 = arith.constant dense<0.000000e+00> : vector<12800x128xf32>
    %dot_general3A_24 = tpu.matmul %get3A_19, %get3A_22, %dot_general3A_23 {dimension_numbers = #tpu.dot_dimension_numbers<[1], [0], [0], [1], [0, 0, 1, 1], [], []>, transpose_lhs_hint = false} : vector<12800x16xf32>, vector<16x128xf32>, vector<12800x128xf32> -> vector<12800x128xf32>
    %get3A_25 = arith.constant 0 : index
    %get3A_26 = arith.constant 0 : index
    %get3A_27 = vector.load %arg6[%get3A_25, %get3A_26] : memref<1x128xf32, #tpu.memory_space<vmem>>, vector<1x128xf32>
    %add3A_28 = vector.broadcast %get3A_27 : vector<1x128xf32> to vector<12800x128xf32>
    %add3A_29 = arith.addf %dot_general3A_24, %add3A_28 : vector<12800x128xf32>
    %mul3A_30 = vector.broadcast %broadcast_in_dim3A : vector<12800x1xf32> to vector<12800x128xf32>
    %mul3A_31 = arith.mulf %mul3A_30, %add3A_29 : vector<12800x128xf32>
    %swap3A = arith.constant 0 : index
    %swap3A_32 = arith.constant 0 : index
    %swap3A_33 = vector.load %arg7[%swap3A, %swap3A_32] : memref<12800x128xf32, #tpu.memory_space<vmem>>, vector<12800x128xf32>
    tpu.vector_store %arg7[%swap3A, %swap3A_32], %mul3A_31 {strides = array<i32>} : memref<12800x128xf32, #tpu.memory_space<vmem>>, vector<12800x128xf32>,
    return
  }
  func.func @transform_0(%arg0: i32) -> (i32, i32) {
    %c0_i32 = arith.constant 0 : i32
    %c0_i32_0 = arith.constant 0 : i32
    return %arg0, %c0_i32 : i32, i32
  }
  func.func @transform_1(%arg0: i32) -> (i32, i32) {
    %c0_i32 = arith.constant 0 : i32
    %c0_i32_0 = arith.constant 0 : i32
    %c0_i32_1 = arith.constant 0 : i32
    return %c0_i32, %c0_i32_0 : i32, i32
  }
  func.func @transform_2(%arg0: i32) -> (i32, i32) {
    %c0_i32 = arith.constant 0 : i32
    %c0_i32_0 = arith.constant 0 : i32
    %c0_i32_1 = arith.constant 0 : i32
    return %c0_i32, %c0_i32_0 : i32, i32
  }
  func.func @transform_3(%arg0: i32) -> (i32, i32) {
    %c0_i32 = arith.constant 0 : i32
    %c0_i32_0 = arith.constant 0 : i32
    %c0_i32_1 = arith.constant 0 : i32
    return %c0_i32, %c0_i32_0 : i32, i32
  }
  func.func @transform_4(%arg0: i32) -> (i32, i32) {
    %c0_i32 = arith.constant 0 : i32
    %c0_i32_0 = arith.constant 0 : i32
    %c0_i32_1 = arith.constant 0 : i32
    return %c0_i32, %c0_i32_0 : i32, i32
  }
  func.func @transform_5(%arg0: i32) -> (i32, i32) {
    %c0_i32 = arith.constant 0 : i32
    %c0_i32_0 = arith.constant 0 : i32
    %c0_i32_1 = arith.constant 0 : i32
    return %c0_i32, %c0_i32_0 : i32, i32
  }
  func.func @transform_6(%arg0: i32) -> (i32, i32) {
    %c0_i32 = arith.constant 0 : i32
    %c0_i32_0 = arith.constant 0 : i32
    return %arg0, %c0_i32 : i32, i32
  }
}

module attributes {stable_mosaic.version = 14 : i64} {
  func.func @_post_body(%arg0: i32, %arg1: memref<2000x128xf32, #tpu.memory_space<vmem>>, %arg2: memref<2000x128xf32, #tpu.memory_space<vmem>>, %arg3: memref<2000x128xf32, #tpu.memory_space<vmem>>, %arg4: memref<2000x1xf32, #tpu.memory_space<vmem>>, %arg5: memref<128x128xf32, #tpu.memory_space<vmem>>, %arg6: memref<1x128xf32, #tpu.memory_space<vmem>>, %arg7: memref<2000x128xf32, #tpu.memory_space<vmem>>) attributes {dimension_semantics = [#tpu.dimension_semantics<arbitrary>], iteration_bounds = array<i64: 5>, scalar_prefetch = 0 : i64, scratch_operands = 0 : i64, tpu.core_type = #tpu.core_type<tc>, window_params = [{transform_indices = @transform_0, window_bounds = array<i64: 2000, 128>}, {transform_indices = @transform_1, window_bounds = array<i64: 2000, 128>}, {transform_indices = @transform_2, window_bounds = array<i64: 2000, 128>}, {transform_indices = @transform_3, window_bounds = array<i64: 2000, 1>}, {pipeline_mode = #tpu.pipeline_mode<synchronous>, transform_indices = @transform_4, window_bounds = array<i64: 128, 128>}, {pipeline_mode = #tpu.pipeline_mode<synchronous>, transform_indices = @transform_5, window_bounds = array<i64: 1, 128>}, {transform_indices = @transform_6, window_bounds = array<i64: 2000, 128>}]} {
    %get3A = arith.constant 0 : index
    %get3A_0 = arith.constant 0 : index
    %get3A_1 = vector.load %arg1[%get3A, %get3A_0] : memref<2000x128xf32, #tpu.memory_space<vmem>>, vector<2000x128xf32>
    %get3A_2 = arith.constant 0 : index
    %get3A_3 = arith.constant 0 : index
    %get3A_4 = vector.load %arg2[%get3A_2, %get3A_3] : memref<2000x128xf32, #tpu.memory_space<vmem>>, vector<2000x128xf32>
    %add3A = arith.addf %get3A_1, %get3A_4 : vector<2000x128xf32>
    %get3A_5 = arith.constant 0 : index
    %get3A_6 = arith.constant 0 : index
    %get3A_7 = vector.load %arg3[%get3A_5, %get3A_6] : memref<2000x128xf32, #tpu.memory_space<vmem>>, vector<2000x128xf32>
    %get3A_8 = arith.constant 0 : index
    %get3A_9 = arith.constant 0 : index
    %get3A_10 = vector.load %arg5[%get3A_8, %get3A_9] : memref<128x128xf32, #tpu.memory_space<vmem>>, vector<128x128xf32>
    %dot_general3A = arith.constant dense<0.000000e+00> : vector<2000x128xf32>
    %dot_general3A_11 = tpu.matmul %get3A_7, %get3A_10, %dot_general3A {dimension_numbers = #tpu.dot_dimension_numbers<[1], [0], [0], [1], [0, 0, 1, 1], [], []>, transpose_lhs_hint = false} : vector<2000x128xf32>, vector<128x128xf32>, vector<2000x128xf32> -> vector<2000x128xf32>
    %add3A_12 = arith.addf %add3A, %dot_general3A_11 : vector<2000x128xf32>
    %get3A_13 = arith.constant 0 : index
    %get3A_14 = arith.constant 0 : index
    %get3A_15 = vector.load %arg6[%get3A_13, %get3A_14] : memref<1x128xf32, #tpu.memory_space<vmem>>, vector<1x128xf32>
    %add3A_16 = vector.broadcast %get3A_15 : vector<1x128xf32> to vector<2000x128xf32>
    %add3A_17 = arith.addf %add3A_12, %add3A_16 : vector<2000x128xf32>
    %get3A_18 = arith.constant 0 : index
    %get3A_19 = arith.constant 0 : index
    %get3A_20 = vector.load %arg4[%get3A_18, %get3A_19] : memref<2000x1xf32, #tpu.memory_space<vmem>>, vector<2000x1xf32>
    %max3A = arith.constant 0.000000e+00 : f32
    %max3A_21 = vector.broadcast %max3A : f32 to vector<2000x128xf32>
    %max3A_22 = arith.maximumf %add3A_17, %max3A_21 : vector<2000x128xf32>
    %mul3A = vector.broadcast %get3A_20 : vector<2000x1xf32> to vector<2000x128xf32>
    %mul3A_23 = arith.mulf %mul3A, %max3A_22 : vector<2000x128xf32>
    %swap3A = arith.constant 0 : index
    %swap3A_24 = arith.constant 0 : index
    %swap3A_25 = vector.load %arg7[%swap3A, %swap3A_24] : memref<2000x128xf32, #tpu.memory_space<vmem>>, vector<2000x128xf32>
    tpu.vector_store %arg7[%swap3A, %swap3A_24], %mul3A_23 {strides = array<i32>} : memref<2000x128xf32, #tpu.memory_space<vmem>>, vector<2000x128xf32>,
    return
  }
  func.func @transform_0(%arg0: i32) -> (i32, i32) {
    %c0_i32 = arith.constant 0 : i32
    %c0_i32_0 = arith.constant 0 : i32
    return %arg0, %c0_i32 : i32, i32
  }
  func.func @transform_1(%arg0: i32) -> (i32, i32) {
    %add3A = arith.constant 5 : i32
    %add3A_0 = arith.addi %arg0, %add3A : i32
    %c0_i32 = arith.constant 0 : i32
    %c0_i32_1 = arith.constant 0 : i32
    return %add3A_0, %c0_i32 : i32, i32
  }
  func.func @transform_2(%arg0: i32) -> (i32, i32) {
    %c0_i32 = arith.constant 0 : i32
    %c0_i32_0 = arith.constant 0 : i32
    return %arg0, %c0_i32 : i32, i32
  }
  func.func @transform_3(%arg0: i32) -> (i32, i32) {
    %c0_i32 = arith.constant 0 : i32
    %c0_i32_0 = arith.constant 0 : i32
    return %arg0, %c0_i32 : i32, i32
  }
  func.func @transform_4(%arg0: i32) -> (i32, i32) {
    %c0_i32 = arith.constant 0 : i32
    %c0_i32_0 = arith.constant 0 : i32
    %c0_i32_1 = arith.constant 0 : i32
    return %c0_i32, %c0_i32_0 : i32, i32
  }
  func.func @transform_5(%arg0: i32) -> (i32, i32) {
    %c0_i32 = arith.constant 0 : i32
    %c0_i32_0 = arith.constant 0 : i32
    %c0_i32_1 = arith.constant 0 : i32
    return %c0_i32, %c0_i32_0 : i32, i32
  }
  func.func @transform_6(%arg0: i32) -> (i32, i32) {
    %c0_i32 = arith.constant 0 : i32
    %c0_i32_0 = arith.constant 0 : i32
    return %arg0, %c0_i32 : i32, i32
  }
}

</mosaic_0001>

<sc_bundles>
// kernel: kernel.6.cloned.1.call-start
scs
__scs_entry_jumppad:
0x0: {  	(pc) =	sbr.rel $0x88, $3  }
0x1: {  	(tag) =	ssettag $0x0;
	lr =	simm.s32 $0x1  }
0x2: {  	[smem:$0x3F96] =	sst lr;
	_ =	strace $0xD0000000  }
0x3: {  	_ = 	snop  }
0x4: {  	_ = 	snop  }
0x5: {  	_ = 	snop  }
0x6: {  	_ = 	snop  }
0x7: {  	_ = 	snop  }
__scs_overlays_trampoline_lowered:
0x8: {  	[smem:$0x3FA5] =	sst s0  }
0x9: {  	[smem:$0x3FA6] =	sst s1  }
0xa: {  	[smem:$0x3FA7] =	sst s2  }
0xb: {  	[smem:$0x3FA8] =	sst s3  }
0xc: {  	[smem:$0x3FA9] =	sst s4  }
0xd: {  	[smem:$0x3FAA] =	sst s5  }
0xe: {  	[smem:$0x3FAB] =	sst s6  }
0xf: {  	[smem:$0x3FAC] =	sst s7  }
0x10: {  	[smem:$0x3FAD] =	sst s8  }
0x11: {  	[smem:$0x3FAE] =	sst s9;
	s0 =	simm.s32 @!p0 $0x0  }
0x12: {  	s1 =	sld [smem:$0x3F94];
	s0 =	simm.s32 @p0 $0x1  }
0x13: {  	[smem:$0x3FAF] =	sst s0;
	s0 =	simm.s32 @!p1 $0x0  }
0x14: {  	s2 =	sld [smem:$0x3F93];
	s0 =	simm.s32 @p1 $0x1  }
0x15: {  	[smem:$0x3FB0] =	sst s0;
	s0 =	simm.s32 @!p2 $0x0  }
0x16: {  	s3 =	sld [smem:$0x3FDB];
	s0 =	simm.s32 @p2 $0x1  }
0x17: {  	s4 =	simm.s32 $0x1BF5;
	[smem:$0x3FB2] =	sst s0  }
0x18: {  	s0 =	sld [smem:$0x3F95];
	_ =	swait.ge [sflag:s4], $0x0  }
0x19: {  	s7 =	sld [smem:$0x3F96]  }
0x1a: {  	s8 =	sadd.s32 $0xFFFFE003, lr  }
0x1b: {  	s9 =	sadd.s32 $0xFFFFFEF7, lr;
	s5 =	simm.s32 $0xFFFFFFFF;
	p2 =	slt.u32 s8, $0xFFFFF086  }
0x1c: {  	p1 =	slt.u32 s9, $0xF7A;
	s5 =	simm.s32 @!p2 $0x0  }
0x1d: {  	s5 =	simm.s32 @p1 $0x1;
	p0 =	seq.s32 s7, s2  }
0x1e: {  	s7 =	smul.u32 @!p0 $0xF7A, s2;
	p2 =	seq.s32 @!p0 s5, $0x0  }
0x1f: {  	s9 =	smul.u32 $0xF7A, s1;
	s8 =	simm.s32 @!p0 $0x1BF5;
	p2 =	por !p2, p0  }
0x20: {  	[sflag:s8] =	ssyncset.s32 @!p0 $0xFFFFF086;
	s6 =	sadd.s32 @!p0 s3, s7;
	s7 =	simm.s32 @!p0 $0x108  }
0x21: {  	s3 =	sadd.s32 s3, s9;
	s6 =	sadd.s32 @!p0 $0x88, s6;
	s7 =	simm.s32 @p2 $0x1082  }
0x22: {  	[simem:s7], [sflag:s8] =	dma.local @!p0 [hbm:s6], $0xF7A  }
0x23: {  	s9 =	sor.u32 $0xD0000000, s2;
	s6 =	simm.s32 $0x108;
	_ =	swait.ge @!p0 [sflag:s8], $0x0  }
0x24: {  	s3 =	sadd.s32 $0x88, s3;
	s6 =	simm.s32 @!p1 $0x1082;
	[sflag:s4] =	ssyncset.s32 $0xFFFFF086  }
0x25: {  	[simem:s6], [sflag:s4] =	dma.local [hbm:s3], $0xF7A  }
0x26: {  	[smem:$0x3F96] =	sst s1;
	(tag) =	ssettag s2;
	_ =	strace s9  }
0x27: {  	s1 =	sld [smem:$0x3FA6]  }
0x28: {  	s2 =	sld [smem:$0x3FA7]  }
0x29: {  	s4 =	sld [smem:$0x3FA9]  }
0x2a: {  	p0 =	seq.s32 s5, $0x0;
	s5 =	sld [smem:$0x3FAA]  }
0x2b: {  	s6 =	sld [smem:$0x3FAB]  }
0x2c: {  	s7 =	sld [smem:$0x3FAC]  }
0x2d: {  	s3 =	simm.s32 $0x108;
	s8 =	sld [smem:$0x3FAD]  }
0x2e: {  	s3 =	simm.s32 @!p0 $0x1082;
	s9 =	sld [smem:$0x3FAE]  }
0x2f: {  	lr =	sadd.s32 s0, s3;
	s0 =	sld [smem:$0x3FA5]  }
0x30: {  	s3 =	sld [smem:$0x3FA8]  }
0x31: {  	[smem:$0x3FB1] =	sst s10  }
0x32: {  	s10 =	sld [smem:$0x3FAF];
	_ =	sdelay $0x3  }
0x33: {  	p0 =	seq.s32 s10, $0x1;
	s10 =	sld [smem:$0x3FB1];
	_ =	sdelay $0x3  }
0x34: {  	[smem:$0x3FB1] =	sst s10  }
0x35: {  	s10 =	sld [smem:$0x3FB0];
	_ =	sdelay $0x3  }
0x36: {  	p1 =	seq.s32 s10, $0x1;
	s10 =	sld [smem:$0x3FB1];
	_ =	sdelay $0x3  }
0x37: {  	[smem:$0x3FB1] =	sst s10  }
0x38: {  	s10 =	sld [smem:$0x3FB2]  }
0x39: {  	_ = 	snop;
	(pc) =	sbr.ind lr, $3  }
0x3a: {  	_ = 	snop  }
0x3b: {  	_ = 	snop  }
0x3c: {  	p2 =	seq.s32 s10, $0x1;
	s10 =	sld [smem:$0x3FB1]  }
0x3d: {  	_ =	shalt  }
0x3e: {  	_ =	shalt  }
0x3f: {  	_ =	shalt  }
0x40: {  	_ =	shalt  }
0x41: {  	_ =	shalt  }
0x42: {  	_ =	shalt  }
0x43: {  	_ =	shalt  }
0x44: {  	_ =	shalt  }
0x45: {  	_ =	shalt  }
0x46: {  	_ =	shalt  }
0x47: {  	_ =	shalt  }
0x48: {  	_ =	shalt  }
0x49: {  	_ =	shalt  }
0x4a: {  	_ =	shalt  }
0x4b: {  	_ =	shalt  }
0x4c: {  	_ =	shalt  }
0x4d: {  	_ =	shalt  }
0x4e: {  	_ =	shalt  }
0x4f: {  	_ =	shalt  }
0x50: {  	_ =	shalt  }
0x51: {  	_ =	shalt  }
0x52: {  	_ =	shalt  }
0x53: {  	_ =	shalt  }
0x54: {  	_ =	shalt  }
0x55: {  	_ =	shalt  }
0x56: {  	_ =	shalt  }
0x57: {  	_ =	shalt  }
0x58: {  	_ =	shalt  }
0x59: {  	_ =	shalt  }
0x5a: {  	_ =	shalt  }
0x5b: {  	_ =	shalt  }
0x5c: {  	_ =	shalt  }
0x5d: {  	_ =	shalt  }
0x5e: {  	_ =	shalt  }
0x5f: {  	_ =	shalt  }
0x60: {  	_ =	shalt  }
0x61: {  	_ =	shalt  }
0x62: {  	_ =	shalt  }
0x63: {  	_ =	shalt  }
0x64: {  	_ =	shalt  }
0x65: {  	_ =	shalt  }
0x66: {  	_ =	shalt  }
0x67: {  	_ =	shalt  }
0x68: {  	_ =	shalt  }
0x69: {  	_ =	shalt  }
0x6a: {  	_ =	shalt  }
0x6b: {  	_ =	shalt  }
0x6c: {  	_ =	shalt  }
0x6d: {  	_ =	shalt  }
0x6e: {  	_ =	shalt  }
0x6f: {  	_ =	shalt  }
0x70: {  	_ =	shalt  }
0x71: {  	_ =	shalt  }
0x72: {  	_ =	shalt  }
0x73: {  	_ =	shalt  }
0x74: {  	_ =	shalt  }
0x75: {  	_ =	shalt  }
0x76: {  	_ =	shalt  }
0x77: {  	_ =	shalt  }
0x78: {  	_ =	shalt  }
0x79: {  	_ =	shalt  }
0x7a: {  	_ =	shalt  }
0x7b: {  	_ =	shalt  }
0x7c: {  	_ =	shalt  }
0x7d: {  	_ =	shalt  }
0x7e: {  	_ =	shalt  }
0x7f: {  	_ =	shalt  }
0x80: {  	_ =	shalt  }
0x81: {  	_ =	shalt  }
0x82: {  	_ =	shalt  }
0x83: {  	_ =	shalt  }
0x84: {  	_ =	shalt  }
0x85: {  	_ =	shalt  }
0x86: {  	_ =	shalt  }
0x87: {  	_ =	shalt  }
.Lfunc_end0:
.L_simem_size_0:
called_computation_lowered:
.L_overlay_start_0:
0x88: {  	s2 =	sld [smem:$0x3FD9]  }
0x89: {  	s3 =	sld [smem:$0x3FFE];
	_ =	sdelay $0x1  }
0x8a: {  	s1 =	srdreg.scid  }
0x8b: {  	s0 =	sand.u32 $0x1, s1  }
0x8c: {  	s17 =	sshll.u32 s0, $0xA;
	s2 =	sadd.s32 s3, s2  }
0x8d: {  	s2 =	sadd.s32 s2, s17  }
0x8e: {  	[smem:$0x3FBD] =	sst s2  }
0x8f: {  	_ = 	snop  }
0x90: {  	s2 =	sld [smem:$0x3FD0];
	(tm) =	ssettm $0x1  }
0x91: {  	s18 =	sld [smem:$0x3FFB];
	_ =	sdelay $0x3  }
0x92: {  	_ =	strace s18  }
0x93: {  	s3 =	sld [smem:$0x3FFC];
	_ =	sdelay $0x3  }
0x94: {  	_ =	strace s3  }
0x95: {  	s3 =	sld [smem:$0x3FFD];
	_ =	sdelay $0x3  }
0x96: {  	_ =	strace s3  }
0x97: {  	_ =	strace $0x8FFFFFFF  }
0x98: {  	s19 =	sld [smem:$0x3FDB];
	_ =	sdelay $0x1  }
0x99: {  	s4 =	simm.s32 $_scs_section_size  }
0x9a: {  	s5 =	simm.s32 $_size__tile_overlayer_lowered;
	s6 =	simm.s32 $_tile_overlayer_lowered  }
0x9b: {  	s22 =	simm.s32 $0x1BFF;
	s21 =	sshll.u32 s6, $0x1;
	s3 =	sadd.s32 s4, s19  }
0x9c: {  	s7 =	simm.s32 $0x0;
	s20 =	sshll.u32 s5, $0x1;
	s5 =	sadd.s32 s21, s3  }
0x9d: {  	[timem:s7], [sflag:s22] =	dma.local [hbm:s5], s20  }
0x9e: {  	_ =	swait.ge [sflag:s22], s20  }
0x9f: {  	s4 =	ssub.s32 $0x0, s20;
	[sflag:s22] =	ssyncset.done $0x0  }
0xa0: {  	[sflag:s22] =	ssyncadd.s32 s4;
	_ =	sdelay $0x1  }
0xa1: {  	s23 =	simm.s32 $0x1B8B  }
0xa2: {  	_ =	swait.ge [sflag:s23], $0x1  }
0xa3: {  	[sflag:s23] =	ssyncset.done $0x0  }
0xa4: {  	s25 =	simm.s32 $0x1B8E;
	s24 =	sld [smem:$0x3FFE];
	[sflag:s23] =	ssyncadd.s32 $0xFFFFFFFF  }
0xa5: {  	s26 =	simm.s32 $execute0_lowered;
	[smem:$0x3FD2] =	sst s25  }
0xa6: {  	s5 =	sshll.u32 s26, $0x1;
	_ =	strace $0x80000046;
	[dreg:$0x1] =	wrdreg $0xFFFFFFFF  }
0xa7: {  	s28 =	simm.s32 $_size_execute0_lowered;
	s3 =	sadd.s32 s3, s5;
	[dreg:$0x0] =	wrdreg $0x0  }
0xa8: {  	s5 =	sshll.u32 s28, $0x1;
	[dreg:$0x2] =	wrdreg s3  }
0xa9: {  	[dreg:$0x3] =	wrdreg s5  }
0xaa: {  	[dreg:$0x4] =	wrdreg $0xC0  }
0xab: {  	_ =	task [dreg:s7], $0x5FFFF  }
0xac: {  	[dreg:$0x1] =	wrdreg $0xFFFFFFFF  }
0xad: {  	[dreg:$0x0] =	wrdreg $0x60  }
0xae: {  	[dreg:$0x2] =	wrdreg s2  }
0xaf: {  	[dreg:$0x3] =	wrdreg s24  }
0xb0: {  	[dreg:$0x4] =	wrdreg $0x52000  }
0xb1: {  	[dreg:$0x5] =	wrdreg $0x9  }
0xb2: {  	_ =	task.clear_ibuf [dreg:s7], $0x6FFFF;
	_ =	strace $0x90000046  }
0xb3: {  	s29 =	simm.s32 $0x9;
	_ =	strace $0x80000048  }
0xb4: {  	_ =	swait.ge [sflag:s29], $0x1  }
0xb5: {  	[sflag:s29] =	ssyncadd.s32 $0xFFFFFFFF  }
0xb6: {  	_ =	strace $0x90000048  }
0xb7: {  	_ =	sfence  }
0xb8: {  	s30 =	sld [smem:$0x0];
	_ =	sdelay $0x2  }
0xb9: {  	s31 =	sshll.u32 s1, $0xD;
	s1 =	sshrl.u32 s1, $0x2  }
0xba: {  	s3 =	sand.u32 $0x4000, s31;
	s1 =	sadd.s32 s1, s30  }
0xbb: {  	s0 =	sor.u32 s3, s0;
	s1 =	sshll.u32 s1, $0x11  }
0xbc: {  	s0 =	sor.u32 s1, s0  }
0xbd: {  	s0 =	sadd.s32 $0x8F2B, s0  }
0xbe: {  	[sflag:s0] =	ssyncadd.remote.s32 $0x1  }
0xbf: {  	_ =	sfence.sel $0xFFFF  }
0xc0: {  	[dreg:$0x0] =	wrdreg $0xFFFFFFFF;
	(pc) =	sbr.abs _section_cstart, $3  }
0xc1: {  	[dreg:$0x1] =	wrdreg $0xFFFFFFFF  }
0xc2: {  	_ =	task.clear_ibuf [dreg:s7], $0x2FFFF;
	_ =	strace $0x9FFFFFFF  }
0xc3: {  	(tm) =	ssettm $0x7FFFFFFF  }
tec
execute0_lowered:
.L_overlay_start_1:
0x0: {  	(tag) =	ssettag $0x1  }
0x1: {  	s0 =	srdreg.scid;
	s21 =	stileid.u32  }
0x2: {  	s1 =	rddreg [dreg:$0x2];
	s3 =	smul.u32 $0x50000, s21  }
0x3: {  	s12 =	sand.u32 $0x1, s0;
	s0 =	rddreg [dreg:$0x1];
	s7 =	smul.u32 $0x280, s21  }
0x4: {  	s13 =	sadd.s32 $0x12C000, s1;
	s14 =	sadd.s32 $0x12D400, s1;
	s16 =	smul.u32 $0x2710, s21  }
0x5: {  	s15 =	sadd.s32 $0x12E800, s1;
	p0 =	seq.s32 s21, $0xF;
	s2 =	smul.u32 $0x271000, s12  }
0x6: {  	s11 =	sadd.s32 $0x516A00, s0;
	s5 =	ssub.s32 $0x2, s12;
	s6 =	smul.u32 $0x2710, s12  }
0x7: {  	s10 =	sadd.s32 $0x50CC00, s0;
	s8 =	smul.u32 $0x27100, s12;
	s17 =	sshrl.u32 s3, $0x2  }
0x8: {  	s18 =	sshrl.u32 s5, $0x1;
	s19 =	sadd.s32 $0xF0, s7;
	s20 =	sadd.s32 $0x118, s7  }
0x9: {  	s4 =	sadd.s32 s2, s0;
	s2 =	sadd.s32 s17, s1;
	s3 =	ssub.s32 s5, s18  }
0xa: {  	s9 =	sshll.u32 s19, $0x7;
	s5 =	sadd.s32 s6, s19;
	s17 =	sshll.u32 s20, $0x7  }
0xb: {  	s18 =	smul.u32 $0x27100, s21;
	s8 =	sadd.s32 s16, s8;
	s16 =	sadd.s32 s6, s20  }
0xc: {  	s19 =	sadd.s32 $0x140, s7;
	s22 =	sadd.s32 $0x7800, s2;
	s23 =	sadd.s32 $0x8C00, s2  }
0xd: {  	s24 =	sadd.s32 $0xA000, s2;
	s25 =	sadd.s32 $0xB400, s2;
	s26 =	sadd.s32 s9, s1  }
0xe: {  	s5 =	sshll.u32 s5, $0x4;
	s31 =	sadd.s32 $0x28, s8;
	s20 =	sshrl.u32 s8, $0x3  }
0xf: {  	s28 =	sadd.s32 s17, s1;
	s17 =	sadd.s32 $0x131000, s1;
	s4 =	sadd.s32 s18, s4  }
0x10: {  	s9 =	sshrl.u32 s31, $0x3;
	s31 =	sshll.u32 s19, $0x7;
	s19 =	sadd.s32 s6, s19  }
0x11: {  	s22 =	smov.u32 @p0 s13;
	s26 =	smov.u32 @p0 s13;
	s23 =	smov.u32 @p0 s14  }
0x12: {  	s28 =	smov.u32 @p0 s14;
	s24 =	smov.u32 @p0 s15;
	s8 =	sadd.s32 s9, s10  }
0x13: {  	s9 =	sadd.s32 s9, s11;
	s10 =	sadd.s32 s20, s10;
	[dreg:$0x4] =	wrdreg s22  }
0x14: {  	s11 =	sadd.s32 s20, s11;
	s20 =	smul.u32 $0x138800, s12;
	[dreg:$0x8] =	wrdreg s26  }
0x15: {  	s12 =	sshll.u32 s16, $0x4;
	s29 =	sadd.s32 s31, s1;
	[dreg:$0x5] =	wrdreg s23  }
0x16: {  	s13 =	sshll.u32 s19, $0x4;
	s31 =	sadd.s32 $0x168, s7;
	[dreg:$0x9] =	wrdreg s28  }
0x17: {  	[dreg:$0x6] =	wrdreg s24;
	s22 =	sadd.s32 $0x190, s7;
	s24 =	sadd.s32 $0x1B8, s7  }
0x18: {  	s26 =	sadd.s32 $0x1E0, s7;
	s28 =	simm.s32 $0x0;
	s29 =	smov.u32 @p0 s15  }
0x19: {  	s21 =	sadd.s32 s6, s31;
	s23 =	sshll.u32 s22, $0x7;
	[smem:$0x7FF] =	sst s28  }
0x1a: {  	s16 =	sshrl.u32 s20, $0x3;
	[dreg:$0xa] =	wrdreg s29;
	s20 =	sshll.u32 s31, $0x7  }
0x1b: {  	s31 =	sshll.u32 s26, $0x7;
	s18 =	sadd.s32 $0x25800, s16;
	s14 =	sadd.s32 $0x25A80, s16  }
0x1c: {  	s19 =	sadd.s32 s20, s1;
	s15 =	sadd.s32 $0x25F80, s16;
	s20 =	sadd.s32 $0xDC00, s2  }
0x1d: {  	s5 =	smov.u32 @p0 s18;
	s12 =	smov.u32 @p0 s14;
	s14 =	sadd.s32 $0x25D00, s16  }
0x1e: {  	s18 =	sadd.s32 $0x12FC00, s1;
	s13 =	smov.u32 @p0 s14;
	s14 =	sshll.u32 s21, $0x4  }
0x1f: {  	s25 =	smov.u32 @p0 s18;
	s19 =	smov.u32 @p0 s18;
	s18 =	sadd.s32 s23, s1  }
0x20: {  	s21 =	sadd.s32 $0x26480, s16;
	s23 =	sadd.s32 $0x208, s7;
	[dreg:$0x7] =	wrdreg s25  }
0x21: {  	[dreg:$0xb] =	wrdreg s19;
	s14 =	smov.u32 @p0 s15;
	s19 =	sadd.s32 $0xC800, s2  }
0x22: {  	s15 =	sadd.s32 s6, s22;
	s18 =	smov.u32 @p0 s17;
	s25 =	sshll.u32 s24, $0x7  }
0x23: {  	s19 =	smov.u32 @p0 s17;
	[dreg:$0xd] =	wrdreg s18;
	s15 =	sshll.u32 s15, $0x4  }
0x24: {  	s17 =	sadd.s32 s6, s24;
	s22 =	sadd.s32 s25, s1;
	s18 =	sadd.s32 $0x132400, s1  }
0x25: {  	s24 =	sshll.u32 s23, $0x7;
	s25 =	sadd.s32 $0x230, s7;
	[dreg:$0xc] =	wrdreg s19  }
0x26: {  	s19 =	sadd.s32 $0x26200, s16;
	s17 =	sshll.u32 s17, $0x4;
	s20 =	smov.u32 @p0 s18  }
0x27: {  	s22 =	smov.u32 @p0 s18;
	s15 =	smov.u32 @p0 s19;
	[dreg:$0xf] =	wrdreg s20  }
0x28: {  	[dreg:$0xe] =	wrdreg s22;
	s17 =	smov.u32 @p0 s21;
	s21 =	sadd.s32 s31, s1  }
0x29: {  	s22 =	sadd.s32 s6, s26;
	s20 =	sadd.s32 $0xF000, s2;
	s19 =	sadd.s32 $0x133800, s1  }
0x2a: {  	s26 =	sshll.u32 s25, $0x7;
	s31 =	sadd.s32 $0x258, s7;
	s18 =	sshll.u32 s22, $0x4  }
0x2b: {  	s20 =	smov.u32 @p0 s19;
	s21 =	smov.u32 @p0 s19;
	s22 =	sadd.s32 $0x10400, s2  }
0x2c: {  	s19 =	sadd.s32 s6, s23;
	s23 =	sadd.s32 $0x11800, s2;
	[dreg:$0x11] =	wrdreg s20  }
0x2d: {  	s20 =	sadd.s32 $0x26700, s16;
	[dreg:$0x10] =	wrdreg s21;
	s21 =	sadd.s32 s24, s1  }
0x2e: {  	s19 =	sshll.u32 s19, $0x4;
	s18 =	smov.u32 @p0 s20;
	s20 =	sadd.s32 $0x134C00, s1  }
0x2f: {  	s24 =	sadd.s32 $0x26C00, s16;
	s22 =	smov.u32 @p0 s20;
	s21 =	smov.u32 @p0 s20  }
0x30: {  	s20 =	sadd.s32 s6, s25;
	s25 =	sadd.s32 s26, s1;
	[dreg:$0x12] =	wrdreg s22  }
0x31: {  	s26 =	sshll.u32 s31, $0x7;
	s31 =	sadd.s32 s6, s31;
	[dreg:$0x13] =	wrdreg s21  }
0x32: {  	s22 =	sadd.s32 $0x26980, s16;
	s20 =	sshll.u32 s20, $0x4;
	s21 =	sadd.s32 $0x136000, s1  }
0x33: {  	s16 =	sadd.s32 $0x26E80, s16;
	s19 =	smov.u32 @p0 s22;
	s23 =	smov.u32 @p0 s21  }
0x34: {  	s25 =	smov.u32 @p0 s21;
	s20 =	smov.u32 @p0 s24;
	s24 =	sadd.s32 $0x12C00, s2  }
0x35: {  	s22 =	sadd.s32 $0x137400, s1;
	s21 =	sshll.u32 s31, $0x4;
	[dreg:$0x15] =	wrdreg s23  }
0x36: {  	[dreg:$0x14] =	wrdreg s25;
	s23 =	sadd.s32 s26, s1;
	s24 =	smov.u32 @p0 s22  }
0x37: {  	s21 =	smov.u32 @p0 s16;
	s25 =	sadd.s32 s7, s6;
	[dreg:$0x17] =	wrdreg s24  }
0x38: {  	s23 =	smov.u32 @p0 s22;
	s16 =	sshll.u32 s25, $0x4;
	s25 =	sadd.s32 $0x2B000, s0  }
0x39: {  	[dreg:$0x16] =	wrdreg s23;
	s16 =	sadd.s32 s25, s16  }
0x3a: {  	s22 =	sor.u32 $0x28, s7;
	s21 =	sadd.s32 s25, s21;
	[dreg:$0x18] =	wrdreg s16  }
0x3b: {  	s24 =	sor.u32 $0x50, s7;
	s18 =	sadd.s32 s25, s18;
	[dreg:$0x1e] =	wrdreg s21  }
0x3c: {  	s26 =	sadd.s32 s6, s22;
	s12 =	sadd.s32 s25, s12;
	[smem:$0x7EB] =	sst s18  }
0x3d: {  	s31 =	sadd.s32 s6, s24;
	s5 =	sadd.s32 s25, s5;
	[smem:$0x7F0] =	sst s12  }
0x3e: {  	s23 =	sshll.u32 s26, $0x4;
	s21 =	sadd.s32 s25, s14;
	[smem:$0x7F1] =	sst s5  }
0x3f: {  	s26 =	sshll.u32 s31, $0x4;
	s23 =	sadd.s32 s25, s23;
	[smem:$0x7EE] =	sst s21  }
0x40: {  	s16 =	sadd.s32 s25, s26;
	s26 =	sadd.s32 $0xA0, s7;
	[dreg:$0x19] =	wrdreg s23  }
0x41: {  	[dreg:$0x1a] =	wrdreg s16;
	s23 =	sor.u32 $0x78, s7;
	s29 =	sadd.s32 s6, s26  }
0x42: {  	s7 =	sadd.s32 $0xC8, s7;
	s31 =	sadd.s32 s6, s23;
	s29 =	sshll.u32 s29, $0x4  }
0x43: {  	s6 =	sadd.s32 s6, s7;
	s16 =	sshll.u32 s31, $0x4;
	s31 =	sadd.s32 s25, s29  }
0x44: {  	s6 =	sshll.u32 s6, $0x4;
	s16 =	sadd.s32 s25, s16;
	[dreg:$0x1c] =	wrdreg s31  }
0x45: {  	s6 =	sadd.s32 s25, s6;
	[dreg:$0x1b] =	wrdreg s16  }
0x46: {  	s31 =	sadd.s32 s25, s20;
	[dreg:$0x1d] =	wrdreg s6  }
0x47: {  	s30 =	simm.s32 $0x6;
	s20 =	sadd.s32 s25, s15;
	[dreg:$0x1f] =	wrdreg s31  }
0x48: {  	s0 =	sadd.s32 $0x2AC00, s0;
	s16 =	sadd.s32 s25, s19;
	[smem:$0x7ED] =	sst s20  }
0x49: {  	s5 =	simm.s32 $0x200;
	s19 =	sadd.s32 s25, s17;
	[smem:$0x7EA] =	sst s16  }
0x4a: {  	s12 =	simm.s32 $0x80;
	s21 =	smax.u32 s3, $0x1;
	[smem:$0x7EC] =	sst s19  }
0x4b: {  	s18 =	sshll.u32 s26, $0x7;
	s31 =	sadd.s32 s25, s13;
	s16 =	rddreg [dreg:$0x0]  }
0x4c: {  	s26 =	sadd.s32 $0x5000, s2;
	s13 =	sshll.u32 s22, $0x7;
	[smem:$0x7EF] =	sst s31  }
0x4d: {  	s14 =	sadd.s32 s13, s1;
	_ =	strace $0x80000047;
	[smem:$0x7F2] =	sst s0  }
0x4e: {  	s29 =	simm.s32 $0x5;
	s19 =	sadd.s32 s18, s1;
	[smem:$0x7F3] =	sst s14  }
0x4f: {  	s15 =	sshll.u32 s24, $0x7;
	s24 =	sadd.s32 $0x547C80, s4;
	[smem:$0x7F6] =	sst s19  }
0x50: {  	s17 =	sshll.u32 s23, $0x7;
	s22 =	sadd.s32 $0x1400, s2;
	[smem:$0x7F8] =	sst s21  }
0x51: {  	s20 =	sshll.u32 s7, $0x7;
	s23 =	sadd.s32 $0x2800, s2;
	[smem:$0x7F9] =	sst s22  }
0x52: {  	s25 =	sadd.s32 $0x3C00, s2;
	s6 =	simm.s32 $0x7;
	[smem:$0x7FA] =	sst s23  }
0x53: {  	s7 =	simm.s32 $0x100;
	s31 =	sadd.s32 $0x6400, s2;
	[smem:$0x7FB] =	sst s25  }
0x54: {  	s13 =	simm.s32 $0x180;
	s18 =	simm.s32 $0x2;
	[smem:$0x7FC] =	sst s26  }
0x55: {  	s0 =	sadd.s32 s15, s1;
	[smem:$0x7FD] =	sst s31;
	s14 =	simm.s32 $0x1  }
0x56: {  	s15 =	simm.s32 $0x28;
	s19 =	simm.s32 $0x1600;
	s21 =	simm.s32 $0x3  }
0x57: {  	s22 =	simm.s32 $0x4;
	[smem:$0x7F4] =	sst s0;
	s0 =	sadd.s32 s17, s1  }
0x58: {  	s23 =	simm.s32 $0x0;
	[smem:$0x7F5] =	sst s0;
	s0 =	sadd.s32 s20, s1  }
0x59: {  	s17 =	simm.s32 $0x2A00;
	s20 =	simm.s32 $0x3E00;
	[smem:$0x7F7] =	sst s0  }
.LBB2_1:
0x5a: {  	s0 =	sld [smem:$0x7F2];
	_ =	sdelay $0x2  }
0x5b: {  	[tilespmem:s5], [sflag:$0x7] =	stream.linear.gather [hbm4b:s0+s28], $0x1400, $0x38;
	[tilespmem:$0x18A80] =	vst v63  }
0x5c: {  	_ =	swait.ge [sflag:s6], $0x1400  }
0x5d: {  	[sflag:s6] =	ssyncset.done $0x0  }
0x5e: {  	s3 =	simm.s32 @!p0 $0x7;
	s0 =	simm.s32 @!p0 $0x200;
	[sflag:s6] =	ssyncadd.s32 $0xFFFFEC00  }
0x5f: {  	[spmem:s2] =	stream.linear.scatter @!p0 [tilespmem:s0], [sflag:$0x7], $0x1400, $0x38;
	[tilespmem:$0x18A80] =	vst v63  }
0x60: {  	_ =	swait.ge @!p0 [sflag:s3], $0x1400  }
0x61: {  	s4 =	sld [smem:$0x7F9]  }
0x62: {  	[sflag:s3] =	ssyncset.done @!p0 $0x0  }
0x63: {  	[sflag:s3] =	ssyncadd.s32 @!p0 $0xFFFFEC00  }
0x64: {  	[spmem:s4] =	stream.linear.scatter @!p0 [tilespmem:s0], [sflag:$0x7], $0x1400, $0x38;
	[tilespmem:$0x18A80] =	vst v63  }
0x65: {  	_ =	swait.ge @!p0 [sflag:s3], $0x1400  }
0x66: {  	s4 =	sld [smem:$0x7FA]  }
0x67: {  	[sflag:s3] =	ssyncset.done @!p0 $0x0  }
0x68: {  	[sflag:s3] =	ssyncadd.s32 @!p0 $0xFFFFEC00  }
0x69: {  	[spmem:s4] =	stream.linear.scatter @!p0 [tilespmem:s0], [sflag:$0x7], $0x1400, $0x38;
	[tilespmem:$0x18A80] =	vst v63  }
0x6a: {  	_ =	swait.ge @!p0 [sflag:s3], $0x1400  }
0x6b: {  	s4 =	sld [smem:$0x7FB]  }
0x6c: {  	[sflag:s3] =	ssyncset.done @!p0 $0x0  }
0x6d: {  	[sflag:s3] =	ssyncadd.s32 @!p0 $0xFFFFEC00  }
0x6e: {  	[spmem:s4] =	stream.linear.scatter @!p0 [tilespmem:s0], [sflag:$0x7], $0x1400, $0x38;
	[tilespmem:$0x18A80] =	vst v63  }
0x6f: {  	_ =	swait.ge @!p0 [sflag:s3], $0x1400  }
0x70: {  	s4 =	sld [smem:$0x7FC]  }
0x71: {  	[sflag:s3] =	ssyncset.done @!p0 $0x0  }
0x72: {  	[sflag:s3] =	ssyncadd.s32 @!p0 $0xFFFFEC00  }
0x73: {  	[spmem:s4] =	stream.linear.scatter @!p0 [tilespmem:s0], [sflag:$0x7], $0x1400, $0x38;
	[tilespmem:$0x18A80] =	vst v63  }
0x74: {  	_ =	swait.ge @!p0 [sflag:s3], $0x1400  }
0x75: {  	s4 =	sld [smem:$0x7FD]  }
0x76: {  	[sflag:s3] =	ssyncset.done @!p0 $0x0  }
0x77: {  	[sflag:s3] =	ssyncadd.s32 @!p0 $0xFFFFEC00  }
0x78: {  	[spmem:s4] =	stream.linear.scatter @!p0 [tilespmem:s0], [sflag:$0x7], $0x1400, $0x38;
	[tilespmem:$0x18A80] =	vst v63  }
0x79: {  	_ =	swait.ge @!p0 [sflag:s3], $0x1400  }
0x7a: {  	[sflag:s3] =	ssyncset.done @!p0 $0x0  }
0x7b: {  	s4 =	rddreg [dreg:$0x4];
	[sflag:s3] =	ssyncadd.s32 @!p0 $0xFFFFEC00  }
0x7c: {  	[spmem:s4] =	stream.linear.scatter [tilespmem:s5], [sflag:$0x7], $0x1400, $0x38;
	[tilespmem:$0x18A80] =	vst v63  }
0x7d: {  	_ =	swait.ge [sflag:s6], $0x1400  }
0x7e: {  	[sflag:s6] =	ssyncset.done $0x0  }
0x7f: {  	s25 =	rddreg [dreg:$0x5];
	[sflag:s6] =	ssyncadd.s32 $0xFFFFEC00  }
0x80: {  	[spmem:s25] =	stream.linear.scatter [tilespmem:s5], [sflag:$0x7], $0x1400, $0x38;
	[tilespmem:$0x18A80] =	vst v63  }
0x81: {  	_ =	swait.ge [sflag:s6], $0x1400  }
0x82: {  	[sflag:s6] =	ssyncset.done $0x0  }
0x83: {  	s26 =	rddreg [dreg:$0x6];
	[sflag:s6] =	ssyncadd.s32 $0xFFFFEC00  }
0x84: {  	[spmem:s26] =	stream.linear.scatter [tilespmem:s5], [sflag:$0x7], $0x1400, $0x38;
	[tilespmem:$0x18A80] =	vst v63  }
0x85: {  	_ =	swait.ge [sflag:s6], $0x1400  }
0x86: {  	[sflag:s6] =	ssyncset.done $0x0  }
0x87: {  	s3 =	rddreg [dreg:$0x7];
	[sflag:s6] =	ssyncadd.s32 $0xFFFFEC00  }
0x88: {  	[spmem:s3] =	stream.linear.scatter [tilespmem:s5], [sflag:$0x7], $0x1400, $0x38;
	[tilespmem:$0x18A80] =	vst v63  }
0x89: {  	_ =	swait.ge [sflag:s6], $0x1400  }
0x8a: {  	[sflag:s6] =	ssyncset.done $0x0  }
0x8b: {  	s4 =	rddreg [dreg:$0xc];
	[sflag:s6] =	ssyncadd.s32 $0xFFFFEC00  }
0x8c: {  	[spmem:s4] =	stream.linear.scatter [tilespmem:s5], [sflag:$0x7], $0x1400, $0x38;
	[tilespmem:$0x18A80] =	vst v63  }
0x8d: {  	_ =	swait.ge [sflag:s6], $0x1400  }
0x8e: {  	[sflag:s6] =	ssyncset.done $0x0  }
0x8f: {  	s25 =	rddreg [dreg:$0xf];
	[sflag:s6] =	ssyncadd.s32 $0xFFFFEC00  }
0x90: {  	[spmem:s25] =	stream.linear.scatter [tilespmem:s5], [sflag:$0x7], $0x1400, $0x38;
	[tilespmem:$0x18A80] =	vst v63  }
0x91: {  	_ =	swait.ge [sflag:s6], $0x1400  }
0x92: {  	[sflag:s6] =	ssyncset.done $0x0  }
0x93: {  	s26 =	rddreg [dreg:$0x11];
	[sflag:s6] =	ssyncadd.s32 $0xFFFFEC00  }
0x94: {  	[spmem:s26] =	stream.linear.scatter [tilespmem:s5], [sflag:$0x7], $0x1400, $0x38;
	[tilespmem:$0x18A80] =	vst v63  }
0x95: {  	_ =	swait.ge [sflag:s6], $0x1400  }
0x96: {  	[sflag:s6] =	ssyncset.done $0x0  }
0x97: {  	s3 =	rddreg [dreg:$0x12];
	[sflag:s6] =	ssyncadd.s32 $0xFFFFEC00  }
0x98: {  	[spmem:s3] =	stream.linear.scatter [tilespmem:s5], [sflag:$0x7], $0x1400, $0x38;
	[tilespmem:$0x18A80] =	vst v63  }
0x99: {  	_ =	swait.ge [sflag:s6], $0x1400  }
0x9a: {  	[sflag:s6] =	ssyncset.done $0x0  }
0x9b: {  	s4 =	rddreg [dreg:$0x15];
	[sflag:s6] =	ssyncadd.s32 $0xFFFFEC00  }
0x9c: {  	[spmem:s4] =	stream.linear.scatter [tilespmem:s5], [sflag:$0x7], $0x1400, $0x38;
	[tilespmem:$0x18A80] =	vst v63  }
0x9d: {  	_ =	swait.ge [sflag:s6], $0x1400  }
0x9e: {  	[sflag:s6] =	ssyncset.done $0x0  }
0x9f: {  	s25 =	rddreg [dreg:$0x17];
	[sflag:s6] =	ssyncadd.s32 $0xFFFFEC00  }
0xa0: {  	[spmem:s25] =	stream.linear.scatter [tilespmem:s5], [sflag:$0x7], $0x1400, $0x38;
	[tilespmem:$0x18A80] =	vst v63  }
0xa1: {  	_ =	swait.ge [sflag:s6], $0x1400  }
0xa2: {  	[sflag:s6] =	ssyncset.done $0x0  }
0xa3: {  	[sflag:s6] =	ssyncadd.s32 $0xFFFFEC00  }
0xa4: {  	s26 =	sadd.s32 $0x0, s11;
	[bflag:$0x0] =	sbarrier.arrive $0xFFFF  }
0xa5: {  	[tilespmem:s28], [sflag:$0x1] =	stream.linear.gather [hbm4b:s26+s28], $0x28, $0x38;
	[tilespmem:$0x18A80] =	vst v63  }
0xa6: {  	s3 =	sadd.s32 $0x0, s10  }
0xa7: {  	[tilespmem:s7], [sflag:$0x1] =	stream.linear.gather [hbm4b:s3+s28], $0x28, $0x38;
	[tilespmem:$0x18A80] =	vst v63  }
0xa8: {  	s4 =	sadd.s32 $0x0, s9  }
0xa9: {  	[tilespmem:s12], [sflag:$0x2] =	stream.linear.gather [hbm4b:s4+s28], $0x28, $0x38;
	[tilespmem:$0x18A80] =	vst v63  }
0xaa: {  	s25 =	sadd.s32 $0x0, s8  }
0xab: {  	[tilespmem:s13], [sflag:$0x2] =	stream.linear.gather [hbm4b:s25+s28], $0x28, $0x38;
	[tilespmem:$0x18A80] =	vst v63  }
0xac: {  	_ =	swait.ge [sflag:s14], $0x28  }
0xad: {  	[sflag:s14] =	ssyncset.done $0x0  }
0xae: {  	[sflag:s14] =	ssyncadd.s32 $0xFFFFFFD8  }
0xaf: {  	_ =	swait.ge [sflag:s14], $0x28  }
0xb0: {  	[sflag:s14] =	ssyncset.done $0x0  }
0xb1: {  	[sflag:s14] =	ssyncadd.s32 $0xFFFFFFD8  }
0xb2: {  	[tilespmem:s5], [sflag:$0x3] =	stream.indirect.gather [hbm4b:s16+s15], $0x80, s28, s15, $0xb8;
	[tilespmem:$0x18A80] =	vst v63  }
0xb3: {  	s26 =	sadd.s32 $0xFFFFFD80, s24  }
0xb4: {  	[tilespmem:s17], [sflag:$0x3] =	stream.linear.gather [hbm4b:s26+s28], $0x1400, $0x38;
	[tilespmem:$0x18A80] =	vst v63  }
0xb5: {  	_ =	swait.ge [sflag:s18], $0x28  }
0xb6: {  	[sflag:s18] =	ssyncset.done $0x0  }
0xb7: {  	[sflag:s18] =	ssyncadd.s32 $0xFFFFFFD8  }
0xb8: {  	_ =	swait.ge [sflag:s18], $0x28  }
0xb9: {  	[sflag:s18] =	ssyncset.done $0x0  }
0xba: {  	[sflag:s18] =	ssyncadd.s32 $0xFFFFFFD8  }
0xbb: {  	[tilespmem:s19], [sflag:$0x4] =	stream.indirect.gather [hbm4b:s16+s15], $0x80, s12, s15, $0xb8;
	[tilespmem:$0x18A80] =	vst v63  }
0xbc: {  	_ = 	snop  }
0xbd: {  	[tilespmem:s20], [sflag:$0x4] =	stream.linear.gather [hbm4b:s24+s28], $0x1400, $0x38;
	[tilespmem:$0x18A80] =	vst v63  }
0xbe: {  	_ =	swait.ge [sflag:s21], $0x1400  }
0xbf: {  	[sflag:s21] =	ssyncset.done $0x0  }
0xc0: {  	[sflag:s21] =	ssyncadd.s32 $0xFFFFEC00  }
0xc1: {  	_ =	swait.ge [sflag:s21], $0x1400  }
0xc2: {  	[sflag:s21] =	ssyncset.done $0x0  }
0xc3: {  	[sflag:s21] =	ssyncadd.s32 $0xFFFFEC00  }
0xc4: {  	[spmem:s1] =	stream.indirect.scatter.add.f32 [tilespmem:s5], [sflag:$0x5], $0x80, s7, s15, $0xb8;
	[tilespmem:$0x18A80] =	vst v63  }
0xc5: {  	_ = 	snop  }
0xc6: {  	[spmem:s1] =	stream.indirect.scatter.add.f32 [tilespmem:s17], [sflag:$0x5], $0x80, s7, s15, $0xb8;
	[tilespmem:$0x18A80] =	vst v63  }
0xc7: {  	_ =	swait.ge [sflag:s22], $0x1400  }
0xc8: {  	[sflag:s22] =	ssyncset.done $0x0  }
0xc9: {  	[sflag:s22] =	ssyncadd.s32 $0xFFFFEC00  }
0xca: {  	_ =	swait.ge [sflag:s22], $0x1400  }
0xcb: {  	[sflag:s22] =	ssyncset.done $0x0  }
0xcc: {  	[sflag:s22] =	ssyncadd.s32 $0xFFFFEC00  }
0xcd: {  	[spmem:s1] =	stream.indirect.scatter.add.f32 [tilespmem:s19], [sflag:$0x6], $0x80, s13, s15, $0xb8;
	[tilespmem:$0x18A80] =	vst v63  }
0xce: {  	_ = 	snop  }
0xcf: {  	[spmem:s1] =	stream.indirect.scatter.add.f32 [tilespmem:s20], [sflag:$0x6], $0x80, s13, s15, $0xb8;
	[tilespmem:$0x18A80] =	vst v63  }
0xd0: {  	_ =	swait.ge [sflag:s29], $0x1400  }
0xd1: {  	[sflag:s29] =	ssyncset.done $0x0  }
0xd2: {  	[sflag:s29] =	ssyncadd.s32 $0xFFFFEC00  }
0xd3: {  	_ =	swait.ge [sflag:s29], $0x1400  }
0xd4: {  	[sflag:s29] =	ssyncset.done $0x0  }
0xd5: {  	[sflag:s29] =	ssyncadd.s32 $0xFFFFEC00  }
0xd6: {  	_ =	swait.ge [sflag:s30], $0x1400  }
0xd7: {  	[sflag:s30] =	ssyncset.done $0x0  }
0xd8: {  	[sflag:s30] =	ssyncadd.s32 $0xFFFFEC00  }
0xd9: {  	s31 =	sadd.s32 $0x500, s24;
	_ =	swait.ge [sflag:s30], $0x1400  }
0xda: {  	s0 =	simm.s32 $0x14;
	s25 =	simm.s32 $0xA;
	[sflag:s30] =	ssyncset.done $0x0  }
.LBB2_2:
0xdb: {  	s26 =	sadd.s32 s25, s11  }
0xdc: {  	[sflag:s30] =	ssyncadd.s32 $0xFFFFEC00;
	s4 =	smov.u32 s0;
	s3 =	sadd.s32 $0xA, s0  }
0xdd: {  	[tilespmem:s28], [sflag:$0x1] =	stream.linear.gather [hbm4b:s26+s28], $0x28, $0x38;
	[tilespmem:$0x18A80] =	vst v63  }
0xde: {  	p1 =	sne.s32 s0, $0x4D8;
	s0 =	sadd.s32 s25, s10  }
0xdf: {  	[tilespmem:s7], [sflag:$0x1] =	stream.linear.gather [hbm4b:s0+s28], $0x28, $0x38;
	[tilespmem:$0x18A80] =	vst v63  }
0xe0: {  	s0 =	sadd.s32 s25, s9  }
0xe1: {  	[tilespmem:s12], [sflag:$0x2] =	stream.linear.gather [hbm4b:s0+s28], $0x28, $0x38;
	[tilespmem:$0x18A80] =	vst v63  }
0xe2: {  	s0 =	sadd.s32 s25, s8;
	s25 =	smov.u32 s4  }
0xe3: {  	[tilespmem:s13], [sflag:$0x2] =	stream.linear.gather [hbm4b:s0+s28], $0x28, $0x38;
	[tilespmem:$0x18A80] =	vst v63  }
0xe4: {  	_ =	swait.ge [sflag:s14], $0x28  }
0xe5: {  	[sflag:s14] =	ssyncset.done $0x0  }
0xe6: {  	[sflag:s14] =	ssyncadd.s32 $0xFFFFFFD8  }
0xe7: {  	_ =	swait.ge [sflag:s14], $0x28  }
0xe8: {  	[sflag:s14] =	ssyncset.done $0x0  }
0xe9: {  	[sflag:s14] =	ssyncadd.s32 $0xFFFFFFD8  }
0xea: {  	[tilespmem:s5], [sflag:$0x3] =	stream.indirect.gather [hbm4b:s16+s15], $0x80, s28, s15, $0xb8;
	[tilespmem:$0x18A80] =	vst v63  }
0xeb: {  	s0 =	sadd.s32 $0xFFFFFD80, s31  }
0xec: {  	[tilespmem:s17], [sflag:$0x3] =	stream.linear.gather [hbm4b:s0+s28], $0x1400, $0x38;
	[tilespmem:$0x18A80] =	vst v63  }
0xed: {  	_ =	swait.ge [sflag:s18], $0x28  }
0xee: {  	[sflag:s18] =	ssyncset.done $0x0  }
0xef: {  	[sflag:s18] =	ssyncadd.s32 $0xFFFFFFD8  }
0xf0: {  	_ =	swait.ge [sflag:s18], $0x28  }
0xf1: {  	[sflag:s18] =	ssyncset.done $0x0  }
0xf2: {  	[sflag:s18] =	ssyncadd.s32 $0xFFFFFFD8  }
0xf3: {  	[tilespmem:s19], [sflag:$0x4] =	stream.indirect.gather [hbm4b:s16+s15], $0x80, s12, s15, $0xb8;
	[tilespmem:$0x18A80] =	vst v63  }
0xf4: {  	_ = 	snop  }
0xf5: {  	[tilespmem:s20], [sflag:$0x4] =	stream.linear.gather [hbm4b:s31+s28], $0x1400, $0x38;
	[tilespmem:$0x18A80] =	vst v63  }
0xf6: {  	_ =	swait.ge [sflag:s21], $0x1400  }
0xf7: {  	[sflag:s21] =	ssyncset.done $0x0  }
0xf8: {  	[sflag:s21] =	ssyncadd.s32 $0xFFFFEC00  }
0xf9: {  	_ =	swait.ge [sflag:s21], $0x1400  }
0xfa: {  	[sflag:s21] =	ssyncset.done $0x0  }
0xfb: {  	[sflag:s21] =	ssyncadd.s32 $0xFFFFEC00  }
0xfc: {  	[spmem:s1] =	stream.indirect.scatter.add.f32 [tilespmem:s5], [sflag:$0x5], $0x80, s7, s15, $0xb8;
	[tilespmem:$0x18A80] =	vst v63  }
0xfd: {  	_ = 	snop  }
0xfe: {  	[spmem:s1] =	stream.indirect.scatter.add.f32 [tilespmem:s17], [sflag:$0x5], $0x80, s7, s15, $0xb8;
	[tilespmem:$0x18A80] =	vst v63  }
0xff: {  	_ =	swait.ge [sflag:s22], $0x1400  }
0x100: {  	[sflag:s22] =	ssyncset.done $0x0  }
0x101: {  	[sflag:s22] =	ssyncadd.s32 $0xFFFFEC00  }
0x102: {  	_ =	swait.ge [sflag:s22], $0x1400  }
0x103: {  	[sflag:s22] =	ssyncset.done $0x0  }
0x104: {  	[sflag:s22] =	ssyncadd.s32 $0xFFFFEC00  }
0x105: {  	[spmem:s1] =	stream.indirect.scatter.add.f32 [tilespmem:s19], [sflag:$0x6], $0x80, s13, s15, $0xb8;
	[tilespmem:$0x18A80] =	vst v63  }
0x106: {  	_ = 	snop  }
0x107: {  	[spmem:s1] =	stream.indirect.scatter.add.f32 [tilespmem:s20], [sflag:$0x6], $0x80, s13, s15, $0xb8;
	[tilespmem:$0x18A80] =	vst v63  }
0x108: {  	_ =	swait.ge [sflag:s29], $0x1400  }
0x109: {  	[sflag:s29] =	ssyncset.done $0x0  }
0x10a: {  	[sflag:s29] =	ssyncadd.s32 $0xFFFFEC00  }
0x10b: {  	_ =	swait.ge [sflag:s29], $0x1400  }
0x10c: {  	[sflag:s29] =	ssyncset.done $0x0  }
0x10d: {  	[sflag:s29] =	ssyncadd.s32 $0xFFFFEC00  }
.Ltmp0:
0x10e: {  	_ =	swait.ge [sflag:s30], $0x1400;
	(pc) =	sbr.rel @p1 .LBB2_2-.Ltmp0, $4  }
0x10f: {  	[sflag:s30] =	ssyncset.done $0x0  }
0x110: {  	[sflag:s30] =	ssyncadd.s32 $0xFFFFEC00  }
0x111: {  	_ =	swait.ge [sflag:s30], $0x1400  }
0x112: {  	s0 =	smov.u32 s3;
	s31 =	sadd.s32 $0x500, s31;
	[sflag:s30] =	ssyncset.done $0x0  }
0x113: {  	s0 =	sadd.s32 s25, s11;
	[sflag:s30] =	ssyncadd.s32 $0xFFFFEC00  }
0x114: {  	[tilespmem:s28], [sflag:$0x1] =	stream.linear.gather [hbm4b:s0+s28], $0x28, $0x38;
	[tilespmem:$0x18A80] =	vst v63  }
0x115: {  	s3 =	sadd.s32 s25, s10  }
0x116: {  	[tilespmem:s7], [sflag:$0x1] =	stream.linear.gather [hbm4b:s3+s28], $0x28, $0x38;
	[tilespmem:$0x18A80] =	vst v63  }
0x117: {  	s4 =	sadd.s32 s25, s9  }
0x118: {  	[tilespmem:s12], [sflag:$0x2] =	stream.linear.gather [hbm4b:s4+s28], $0x28, $0x38;
	[tilespmem:$0x18A80] =	vst v63  }
0x119: {  	s25 =	sadd.s32 s25, s8  }
0x11a: {  	[tilespmem:s13], [sflag:$0x2] =	stream.linear.gather [hbm4b:s25+s28], $0x28, $0x38;
	[tilespmem:$0x18A80] =	vst v63  }
0x11b: {  	_ =	swait.ge [sflag:s14], $0x28  }
0x11c: {  	[sflag:s14] =	ssyncset.done $0x0  }
0x11d: {  	[sflag:s14] =	ssyncadd.s32 $0xFFFFFFD8  }
0x11e: {  	_ =	swait.ge [sflag:s14], $0x28  }
0x11f: {  	[sflag:s14] =	ssyncset.done $0x0  }
0x120: {  	[sflag:s14] =	ssyncadd.s32 $0xFFFFFFD8  }
0x121: {  	[tilespmem:s5], [sflag:$0x3] =	stream.indirect.gather [hbm4b:s16+s15], $0x80, s28, s15, $0xb8;
	[tilespmem:$0x18A80] =	vst v63  }
0x122: {  	s26 =	sadd.s32 $0xFFFFFD80, s31  }
0x123: {  	[tilespmem:s17], [sflag:$0x3] =	stream.linear.gather [hbm4b:s26+s28], $0x1400, $0x38;
	[tilespmem:$0x18A80] =	vst v63  }
0x124: {  	_ =	swait.ge [sflag:s18], $0x28  }
0x125: {  	[sflag:s18] =	ssyncset.done $0x0  }
0x126: {  	[sflag:s18] =	ssyncadd.s32 $0xFFFFFFD8  }
0x127: {  	_ =	swait.ge [sflag:s18], $0x28  }
0x128: {  	[sflag:s18] =	ssyncset.done $0x0  }
0x129: {  	[sflag:s18] =	ssyncadd.s32 $0xFFFFFFD8  }
0x12a: {  	[tilespmem:s19], [sflag:$0x4] =	stream.indirect.gather [hbm4b:s16+s15], $0x80, s12, s15, $0xb8;
	[tilespmem:$0x18A80] =	vst v63  }
0x12b: {  	_ = 	snop  }
0x12c: {  	[tilespmem:s20], [sflag:$0x4] =	stream.linear.gather [hbm4b:s31+s28], $0x1400, $0x38;
	[tilespmem:$0x18A80] =	vst v63  }
0x12d: {  	_ =	swait.ge [sflag:s21], $0x1400  }
0x12e: {  	[sflag:s21] =	ssyncset.done $0x0  }
0x12f: {  	[sflag:s21] =	ssyncadd.s32 $0xFFFFEC00  }
0x130: {  	_ =	swait.ge [sflag:s21], $0x1400  }
0x131: {  	[sflag:s21] =	ssyncset.done $0x0  }
0x132: {  	[sflag:s21] =	ssyncadd.s32 $0xFFFFEC00  }
0x133: {  	[spmem:s1] =	stream.indirect.scatter.add.f32 [tilespmem:s5], [sflag:$0x5], $0x80, s7, s15, $0xb8;
	[tilespmem:$0x18A80] =	vst v63  }
0x134: {  	_ = 	snop  }
0x135: {  	[spmem:s1] =	stream.indirect.scatter.add.f32 [tilespmem:s17], [sflag:$0x5], $0x80, s7, s15, $0xb8;
	[tilespmem:$0x18A80] =	vst v63  }
0x136: {  	_ =	swait.ge [sflag:s22], $0x1400  }
0x137: {  	[sflag:s22] =	ssyncset.done $0x0  }
0x138: {  	[sflag:s22] =	ssyncadd.s32 $0xFFFFEC00  }
0x139: {  	_ =	swait.ge [sflag:s22], $0x1400  }
0x13a: {  	[sflag:s22] =	ssyncset.done $0x0  }
0x13b: {  	[sflag:s22] =	ssyncadd.s32 $0xFFFFEC00  }
0x13c: {  	[spmem:s1] =	stream.indirect.scatter.add.f32 [tilespmem:s19], [sflag:$0x6], $0x80, s13, s15, $0xb8;
	[tilespmem:$0x18A80] =	vst v63  }
0x13d: {  	_ = 	snop  }
0x13e: {  	[spmem:s1] =	stream.indirect.scatter.add.f32 [tilespmem:s20], [sflag:$0x6], $0x80, s13, s15, $0xb8;
	[tilespmem:$0x18A80] =	vst v63  }
0x13f: {  	_ =	swait.ge [sflag:s29], $0x1400  }
0x140: {  	[sflag:s29] =	ssyncset.done $0x0  }
0x141: {  	[sflag:s29] =	ssyncadd.s32 $0xFFFFEC00  }
0x142: {  	_ =	swait.ge [sflag:s29], $0x1400  }
0x143: {  	[sflag:s29] =	ssyncset.done $0x0  }
0x144: {  	[sflag:s29] =	ssyncadd.s32 $0xFFFFEC00  }
0x145: {  	_ =	swait.ge [sflag:s30], $0x1400  }
0x146: {  	[sflag:s30] =	ssyncset.done $0x0  }
0x147: {  	[sflag:s30] =	ssyncadd.s32 $0xFFFFEC00  }
0x148: {  	_ =	swait.ge [sflag:s30], $0x1400  }
0x149: {  	[sflag:s30] =	ssyncset.done $0x0  }
0x14a: {  	[sflag:s30] =	ssyncadd.s32 $0xFFFFEC00  }
0x14b: {  	s0 =	simm.s32 @!p0 $0x200;
	s3 =	simm.s32 @!p0 $0x7;
	[bflag:$0x0] =	sbarrier.arrive $0xFFFF  }
0x14c: {  	[tilespmem:s0], [sflag:$0x7] =	stream.linear.gather @!p0 [spmem:s2], $0x1400, $0x38;
	[tilespmem:$0x18A80] =	vst v63  }
0x14d: {  	_ =	swait.ge @!p0 [sflag:s3], $0x1400  }
0x14e: {  	[sflag:s3] =	ssyncset.done @!p0 $0x0  }
0x14f: {  	s4 =	simm.s32 @!p0 $0x0;
	s25 =	rddreg [dreg:$0x18];
	[sflag:s3] =	ssyncadd.s32 @!p0 $0xFFFFEC00  }
0x150: {  	[hbm4b:s25+s4] =	stream.linear.scatter @!p0 [tilespmem:s0], [sflag:$0x7], $0x1400, $0x38;
	[tilespmem:$0x18A80] =	vst v63  }
0x151: {  	_ =	swait.ge @!p0 [sflag:s3], $0x1400  }
0x152: {  	s25 =	sld [smem:$0x7F3]  }
0x153: {  	[sflag:s3] =	ssyncset.done @!p0 $0x0  }
0x154: {  	[sflag:s3] =	ssyncadd.s32 @!p0 $0xFFFFEC00  }
0x155: {  	[tilespmem:s0], [sflag:$0x7] =	stream.linear.gather @!p0 [spmem:s25], $0x1400, $0x38;
	[tilespmem:$0x18A80] =	vst v63  }
0x156: {  	_ =	swait.ge @!p0 [sflag:s3], $0x1400  }
0x157: {  	[sflag:s3] =	ssyncset.done @!p0 $0x0  }
0x158: {  	s25 =	rddreg [dreg:$0x19];
	[sflag:s3] =	ssyncadd.s32 @!p0 $0xFFFFEC00  }
0x159: {  	[hbm4b:s25+s4] =	stream.linear.scatter @!p0 [tilespmem:s0], [sflag:$0x7], $0x1400, $0x38;
	[tilespmem:$0x18A80] =	vst v63  }
0x15a: {  	_ =	swait.ge @!p0 [sflag:s3], $0x1400  }
0x15b: {  	s25 =	sld [smem:$0x7F4]  }
0x15c: {  	[sflag:s3] =	ssyncset.done @!p0 $0x0  }
0x15d: {  	[sflag:s3] =	ssyncadd.s32 @!p0 $0xFFFFEC00  }
0x15e: {  	[tilespmem:s0], [sflag:$0x7] =	stream.linear.gather @!p0 [spmem:s25], $0x1400, $0x38;
	[tilespmem:$0x18A80] =	vst v63  }
0x15f: {  	_ =	swait.ge @!p0 [sflag:s3], $0x1400  }
0x160: {  	[sflag:s3] =	ssyncset.done @!p0 $0x0  }
0x161: {  	s25 =	rddreg [dreg:$0x1a];
	[sflag:s3] =	ssyncadd.s32 @!p0 $0xFFFFEC00  }
0x162: {  	[hbm4b:s25+s4] =	stream.linear.scatter @!p0 [tilespmem:s0], [sflag:$0x7], $0x1400, $0x38;
	[tilespmem:$0x18A80] =	vst v63  }
0x163: {  	_ =	swait.ge @!p0 [sflag:s3], $0x1400  }
0x164: {  	s25 =	sld [smem:$0x7F5]  }
0x165: {  	[sflag:s3] =	ssyncset.done @!p0 $0x0  }
0x166: {  	[sflag:s3] =	ssyncadd.s32 @!p0 $0xFFFFEC00  }
0x167: {  	[tilespmem:s0], [sflag:$0x7] =	stream.linear.gather @!p0 [spmem:s25], $0x1400, $0x38;
	[tilespmem:$0x18A80] =	vst v63  }
0x168: {  	_ =	swait.ge @!p0 [sflag:s3], $0x1400  }
0x169: {  	[sflag:s3] =	ssyncset.done @!p0 $0x0  }
0x16a: {  	s25 =	rddreg [dreg:$0x1b];
	[sflag:s3] =	ssyncadd.s32 @!p0 $0xFFFFEC00  }
0x16b: {  	[hbm4b:s25+s4] =	stream.linear.scatter @!p0 [tilespmem:s0], [sflag:$0x7], $0x1400, $0x38;
	[tilespmem:$0x18A80] =	vst v63  }
0x16c: {  	_ =	swait.ge @!p0 [sflag:s3], $0x1400  }
0x16d: {  	s25 =	sld [smem:$0x7F6]  }
0x16e: {  	[sflag:s3] =	ssyncset.done @!p0 $0x0  }
0x16f: {  	[sflag:s3] =	ssyncadd.s32 @!p0 $0xFFFFEC00  }
0x170: {  	[tilespmem:s0], [sflag:$0x7] =	stream.linear.gather @!p0 [spmem:s25], $0x1400, $0x38;
	[tilespmem:$0x18A80] =	vst v63  }
0x171: {  	_ =	swait.ge @!p0 [sflag:s3], $0x1400  }
0x172: {  	[sflag:s3] =	ssyncset.done @!p0 $0x0  }
0x173: {  	s25 =	rddreg [dreg:$0x1c];
	[sflag:s3] =	ssyncadd.s32 @!p0 $0xFFFFEC00  }
0x174: {  	[hbm4b:s25+s4] =	stream.linear.scatter @!p0 [tilespmem:s0], [sflag:$0x7], $0x1400, $0x38;
	[tilespmem:$0x18A80] =	vst v63  }
0x175: {  	_ =	swait.ge @!p0 [sflag:s3], $0x1400  }
0x176: {  	s25 =	sld [smem:$0x7F7]  }
0x177: {  	[sflag:s3] =	ssyncset.done @!p0 $0x0  }
0x178: {  	[sflag:s3] =	ssyncadd.s32 @!p0 $0xFFFFEC00  }
0x179: {  	[tilespmem:s0], [sflag:$0x7] =	stream.linear.gather @!p0 [spmem:s25], $0x1400, $0x38;
	[tilespmem:$0x18A80] =	vst v63  }
0x17a: {  	_ =	swait.ge @!p0 [sflag:s3], $0x1400  }
0x17b: {  	[sflag:s3] =	ssyncset.done @!p0 $0x0  }
0x17c: {  	s25 =	rddreg [dreg:$0x1d];
	[sflag:s3] =	ssyncadd.s32 @!p0 $0xFFFFEC00  }
0x17d: {  	[hbm4b:s25+s4] =	stream.linear.scatter @!p0 [tilespmem:s0], [sflag:$0x7], $0x1400, $0x38;
	[tilespmem:$0x18A80] =	vst v63  }
0x17e: {  	_ =	swait.ge @!p0 [sflag:s3], $0x1400  }
0x17f: {  	[sflag:s3] =	ssyncset.done @!p0 $0x0  }
0x180: {  	s31 =	rddreg [dreg:$0x8];
	[sflag:s3] =	ssyncadd.s32 @!p0 $0xFFFFEC00  }
0x181: {  	[tilespmem:s5], [sflag:$0x7] =	stream.linear.gather [spmem:s31], $0x1400, $0x38;
	[tilespmem:$0x18A80] =	vst v63  }
0x182: {  	_ =	swait.ge [sflag:s6], $0x1400  }
0x183: {  	s3 =	sld [smem:$0x7F1]  }
0x184: {  	[sflag:s6] =	ssyncset.done $0x0  }
0x185: {  	[sflag:s6] =	ssyncadd.s32 $0xFFFFEC00  }
0x186: {  	[hbm4b:s3+s28] =	stream.linear.scatter [tilespmem:s5], [sflag:$0x7], $0x1400, $0x38;
	[tilespmem:$0x18A80] =	vst v63  }
0x187: {  	_ =	swait.ge [sflag:s6], $0x1400  }
0x188: {  	[sflag:s6] =	ssyncset.done $0x0  }
0x189: {  	s4 =	rddreg [dreg:$0x9];
	[sflag:s6] =	ssyncadd.s32 $0xFFFFEC00  }
0x18a: {  	[tilespmem:s5], [sflag:$0x7] =	stream.linear.gather [spmem:s4], $0x1400, $0x38;
	[tilespmem:$0x18A80] =	vst v63  }
0x18b: {  	_ =	swait.ge [sflag:s6], $0x1400  }
0x18c: {  	s25 =	sld [smem:$0x7F0]  }
0x18d: {  	[sflag:s6] =	ssyncset.done $0x0  }
0x18e: {  	[sflag:s6] =	ssyncadd.s32 $0xFFFFEC00  }
0x18f: {  	[hbm4b:s25+s28] =	stream.linear.scatter [tilespmem:s5], [sflag:$0x7], $0x1400, $0x38;
	[tilespmem:$0x18A80] =	vst v63  }
0x190: {  	_ =	swait.ge [sflag:s6], $0x1400  }
0x191: {  	[sflag:s6] =	ssyncset.done $0x0  }
0x192: {  	s26 =	rddreg [dreg:$0xa];
	[sflag:s6] =	ssyncadd.s32 $0xFFFFEC00  }
0x193: {  	[tilespmem:s5], [sflag:$0x7] =	stream.linear.gather [spmem:s26], $0x1400, $0x38;
	[tilespmem:$0x18A80] =	vst v63  }
0x194: {  	_ =	swait.ge [sflag:s6], $0x1400  }
0x195: {  	s31 =	sld [smem:$0x7EF]  }
0x196: {  	[sflag:s6] =	ssyncset.done $0x0  }
0x197: {  	[sflag:s6] =	ssyncadd.s32 $0xFFFFEC00  }
0x198: {  	[hbm4b:s31+s28] =	stream.linear.scatter [tilespmem:s5], [sflag:$0x7], $0x1400, $0x38;
	[tilespmem:$0x18A80] =	vst v63  }
0x199: {  	_ =	swait.ge [sflag:s6], $0x1400  }
0x19a: {  	[sflag:s6] =	ssyncset.done $0x0  }
0x19b: {  	s3 =	rddreg [dreg:$0xb];
	[sflag:s6] =	ssyncadd.s32 $0xFFFFEC00  }
0x19c: {  	[tilespmem:s5], [sflag:$0x7] =	stream.linear.gather [spmem:s3], $0x1400, $0x38;
	[tilespmem:$0x18A80] =	vst v63  }
0x19d: {  	_ =	swait.ge [sflag:s6], $0x1400  }
0x19e: {  	s4 =	sld [smem:$0x7EE]  }
0x19f: {  	[sflag:s6] =	ssyncset.done $0x0  }
0x1a0: {  	[sflag:s6] =	ssyncadd.s32 $0xFFFFEC00  }
0x1a1: {  	[hbm4b:s4+s28] =	stream.linear.scatter [tilespmem:s5], [sflag:$0x7], $0x1400, $0x38;
	[tilespmem:$0x18A80] =	vst v63  }
0x1a2: {  	_ =	swait.ge [sflag:s6], $0x1400  }
0x1a3: {  	[sflag:s6] =	ssyncset.done $0x0  }
0x1a4: {  	s25 =	rddreg [dreg:$0xd];
	[sflag:s6] =	ssyncadd.s32 $0xFFFFEC00  }
0x1a5: {  	[tilespmem:s5], [sflag:$0x7] =	stream.linear.gather [spmem:s25], $0x1400, $0x38;
	[tilespmem:$0x18A80] =	vst v63  }
0x1a6: {  	_ =	swait.ge [sflag:s6], $0x1400  }
0x1a7: {  	s26 =	sld [smem:$0x7ED]  }
0x1a8: {  	[sflag:s6] =	ssyncset.done $0x0  }
0x1a9: {  	[sflag:s6] =	ssyncadd.s32 $0xFFFFEC00  }
0x1aa: {  	[hbm4b:s26+s28] =	stream.linear.scatter [tilespmem:s5], [sflag:$0x7], $0x1400, $0x38;
	[tilespmem:$0x18A80] =	vst v63  }
0x1ab: {  	_ =	swait.ge [sflag:s6], $0x1400  }
0x1ac: {  	[sflag:s6] =	ssyncset.done $0x0  }
0x1ad: {  	s31 =	rddreg [dreg:$0xe];
	[sflag:s6] =	ssyncadd.s32 $0xFFFFEC00  }
0x1ae: {  	[tilespmem:s5], [sflag:$0x7] =	stream.linear.gather [spmem:s31], $0x1400, $0x38;
	[tilespmem:$0x18A80] =	vst v63  }
0x1af: {  	_ =	swait.ge [sflag:s6], $0x1400  }
0x1b0: {  	s3 =	sld [smem:$0x7EC]  }
0x1b1: {  	[sflag:s6] =	ssyncset.done $0x0  }
0x1b2: {  	[sflag:s6] =	ssyncadd.s32 $0xFFFFEC00  }
0x1b3: {  	[hbm4b:s3+s28] =	stream.linear.scatter [tilespmem:s5], [sflag:$0x7], $0x1400, $0x38;
	[tilespmem:$0x18A80] =	vst v63  }
0x1b4: {  	_ =	swait.ge [sflag:s6], $0x1400  }
0x1b5: {  	[sflag:s6] =	ssyncset.done $0x0  }
0x1b6: {  	s4 =	rddreg [dreg:$0x10];
	[sflag:s6] =	ssyncadd.s32 $0xFFFFEC00  }
0x1b7: {  	[tilespmem:s5], [sflag:$0x7] =	stream.linear.gather [spmem:s4], $0x1400, $0x38;
	[tilespmem:$0x18A80] =	vst v63  }
0x1b8: {  	_ =	swait.ge [sflag:s6], $0x1400  }
0x1b9: {  	s25 =	sld [smem:$0x7EB]  }
0x1ba: {  	[sflag:s6] =	ssyncset.done $0x0  }
0x1bb: {  	[sflag:s6] =	ssyncadd.s32 $0xFFFFEC00  }
0x1bc: {  	[hbm4b:s25+s28] =	stream.linear.scatter [tilespmem:s5], [sflag:$0x7], $0x1400, $0x38;
	[tilespmem:$0x18A80] =	vst v63  }
0x1bd: {  	_ =	swait.ge [sflag:s6], $0x1400  }
0x1be: {  	[sflag:s6] =	ssyncset.done $0x0  }
0x1bf: {  	s26 =	rddreg [dreg:$0x13];
	[sflag:s6] =	ssyncadd.s32 $0xFFFFEC00  }
0x1c0: {  	[tilespmem:s5], [sflag:$0x7] =	stream.linear.gather [spmem:s26], $0x1400, $0x38;
	[tilespmem:$0x18A80] =	vst v63  }
0x1c1: {  	_ =	swait.ge [sflag:s6], $0x1400  }
0x1c2: {  	s31 =	sld [smem:$0x7EA]  }
0x1c3: {  	[sflag:s6] =	ssyncset.done $0x0  }
0x1c4: {  	[sflag:s6] =	ssyncadd.s32 $0xFFFFEC00  }
0x1c5: {  	[hbm4b:s31+s28] =	stream.linear.scatter [tilespmem:s5], [sflag:$0x7], $0x1400, $0x38;
	[tilespmem:$0x18A80] =	vst v63  }
0x1c6: {  	_ =	swait.ge [sflag:s6], $0x1400  }
0x1c7: {  	[sflag:s6] =	ssyncset.done $0x0  }
0x1c8: {  	s3 =	rddreg [dreg:$0x14];
	[sflag:s6] =	ssyncadd.s32 $0xFFFFEC00  }
0x1c9: {  	[tilespmem:s5], [sflag:$0x7] =	stream.linear.gather [spmem:s3], $0x1400, $0x38;
	[tilespmem:$0x18A80] =	vst v63  }
0x1ca: {  	_ =	swait.ge [sflag:s6], $0x1400  }
0x1cb: {  	[sflag:s6] =	ssyncset.done $0x0  }
0x1cc: {  	s4 =	rddreg [dreg:$0x1f];
	[sflag:s6] =	ssyncadd.s32 $0xFFFFEC00  }
0x1cd: {  	[hbm4b:s4+s28] =	stream.linear.scatter [tilespmem:s5], [sflag:$0x7], $0x1400, $0x38;
	[tilespmem:$0x18A80] =	vst v63  }
0x1ce: {  	_ =	swait.ge [sflag:s6], $0x1400  }
0x1cf: {  	[sflag:s6] =	ssyncset.done $0x0  }
0x1d0: {  	s25 =	rddreg [dreg:$0x16];
	[sflag:s6] =	ssyncadd.s32 $0xFFFFEC00  }
0x1d1: {  	[tilespmem:s5], [sflag:$0x7] =	stream.linear.gather [spmem:s25], $0x1400, $0x38;
	[tilespmem:$0x18A80] =	vst v63  }
0x1d2: {  	_ =	swait.ge [sflag:s6], $0x1400  }
0x1d3: {  	[sflag:s6] =	ssyncset.done $0x0  }
0x1d4: {  	s26 =	rddreg [dreg:$0x1e];
	[sflag:s6] =	ssyncadd.s32 $0xFFFFEC00  }
0x1d5: {  	[hbm4b:s26+s28] =	stream.linear.scatter [tilespmem:s5], [sflag:$0x7], $0x1400, $0x38;
	[tilespmem:$0x18A80] =	vst v63  }
0x1d6: {  	_ =	swait.ge [sflag:s6], $0x1400  }
0x1d7: {  	s31 =	sld [smem:$0x7F8];
	_ =	sdelay $0x1  }
0x1d8: {  	s23 =	sadd.s32 $0x1, s23  }
0x1d9: {  	p1 =	sne.s32 s23, s31  }
.Ltmp1:
0x1da: {  	_ = 	snop;
	(pc) =	sbr.rel @p1 .LBB2_1-.Ltmp1, $3  }
0x1db: {  	_ =	sdelay $0x1  }
0x1dc: {  	[sflag:s6] =	ssyncset.done $0x0  }
0x1dd: {  	[sflag:s6] =	ssyncadd.s32 $0xFFFFEC00  }
0x1de: {  	_ =	sfence.sel $0x180000  }
0x1df: {  	[bflag:$0x0] =	sbarrier.arrive $0xFFFF  }
0x1e0: {  	_ =	strace $0x90000047  }
0x1e1: {  	s0 =	stileid.u32;
	[bflag:$0x2] =	sbarrier.arrive $0xFFFF  }
0x1e2: {  	p0 =	sne.s32 s0, $0x0;
	s0 =	rddreg [dreg:$0x3]  }
0x1e3: {  	s0 =	sadd.s32 @!p0 $0x100000, s0  }
0x1e4: {  	[sflag:s0] =	ssyncadd.tile.s32 @!p0 $0x1;
	_ =	shalt  }
.Lfunc_end2:
_tile_overlayer_lowered:
.L_overlay_start_2:
0x1e5: {  	(tag) =	ssettag $0x2  }
0x1e6: {  	s0 =	rddreg [dreg:$0x0];
	s2 =	stileid.u32  }
0x1e7: {  	s1 =	rddreg [dreg:$0x1];
	p0 =	sne.s32 s2, $0x0  }
0x1e8: {  	s3 =	rddreg [dreg:$0x2];
	[bflag:$0x3] =	sbarrier.arrive $0xFFFF;
	s2 =	simm.s32 @!p0 $0x1C07  }
0x1e9: {  	[timem:s3], [sflag:s2] =	dma.local @!p0 [hbm:s0], s1  }
0x1ea: {  	s0 =	simm.s32 @!p0 $0x7  }
0x1eb: {  	_ =	swait.ge @!p0 [sflag:s0], s1  }
0x1ec: {  	s1 =	ssub.s32 @!p0 $0x0, s1;
	[sflag:s0] =	ssyncset.done @!p0 $0x0  }
0x1ed: {  	[sflag:s0] =	ssyncadd.s32 @!p0 s1  }
0x1ee: {  	[bflag:$0x3] =	sbarrier.arrive $0xFFFF  }
0x1ef: {  	_ =	shalt  }

</sc_bundles>
